<compile_context>
chip_gen: v7x
topology: tpu7x:2x2x1
jax: 0.10.2.dev20260603
libtpu: 0.0.44.dev20260713+nightly
codegen_flags: <defaults>
</compile_context>

<pallas_src>
import functools

import jax
import jax.numpy as jnp
from jax import lax
from jax.experimental import pallas as pl
from jax.experimental.pallas import tpu as pltpu
from jax.experimental.pallas import tpu_sc as plsc

NUM_BITS = 64
LANES = 16


def _sc_build(idx0_hbm, idx1_hbm, kv_hbm,
              wh_out,
              idx0_v, idx1_v, kv_v, wh_v,
              sem0, sem1, sem2):
    num_terms = kv_v.shape[0]
    num_singles = NUM_BITS
    num_chunks = num_terms // LANES

    wid = lax.axis_index("s")

    @pl.when(wid == 0)
    def _():
        c0 = pltpu.async_copy(idx0_hbm, idx0_v, sem0)
        c1 = pltpu.async_copy(idx1_hbm, idx1_v, sem1)
        c2 = pltpu.async_copy(kv_hbm, kv_v, sem2)

        zeros = jnp.zeros((LANES,), jnp.float32)
        for r in range(NUM_BITS + 1):
            for c in range(NUM_BITS // LANES):
                wh_v[r, pl.ds(c * LANES, LANES)] = zeros

        hrow = jnp.full((LANES,), NUM_BITS, jnp.int32)
        c0.wait()
        c1.wait()
        c2.wait()

        for ci in range(num_singles // LANES):
            i0 = idx0_v[pl.ds(ci * LANES, LANES)]
            kc = kv_v[pl.ds(ci * LANES, LANES)]
            plsc.store_scatter(wh_v, [hrow, i0], kc)

        for ci in range(num_singles // LANES, num_chunks):
            i0 = idx0_v[pl.ds(ci * LANES, LANES)]
            i1 = idx1_v[pl.ds(ci * LANES, LANES)]
            kc = kv_v[pl.ds(ci * LANES, LANES)]
            plsc.store_scatter(wh_v, [i0, i1], kc)

        pltpu.async_copy(wh_v, wh_out, sem0).wait()


def _tc_body(bits_ref, wh_ref, out_ref):
    spins = (1 - 2 * bits_ref[...]).astype(jnp.float32)
    w = wh_ref[0:NUM_BITS, :]
    h = wh_ref[NUM_BITS:NUM_BITS + 1, :]
    sw = jnp.dot(spins, w, preferred_element_type=jnp.float32)
    out_ref[...] = jnp.sum((sw + h) * spins, axis=1, keepdims=True)


def kernel(bitstrings, kernel, indices, mask):
    del mask
    B = bitstrings.shape[0]
    T = kernel.shape[0]
    idx0 = indices[:, 0].astype(jnp.int32)
    idx1 = indices[:, 1].astype(jnp.int32)

    mesh = plsc.VectorSubcoreMesh(core_axis_name="c", subcore_axis_name="s",
                                  num_cores=1)
    sc_build = functools.partial(
        pl.kernel,
        mesh=mesh,
        compiler_params=pltpu.CompilerParams(needs_layout_passes=False),
        out_type=jax.ShapeDtypeStruct((NUM_BITS + 1, NUM_BITS), jnp.float32),
        scratch_types=[
            pltpu.VMEM((T,), jnp.int32),
            pltpu.VMEM((T,), jnp.int32),
            pltpu.VMEM((T,), jnp.float32),
            pltpu.VMEM((NUM_BITS + 1, NUM_BITS), jnp.float32),
            pltpu.SemaphoreType.DMA,
            pltpu.SemaphoreType.DMA,
            pltpu.SemaphoreType.DMA,
        ],
    )(_sc_build)
    wh = sc_build(idx0, idx1, kernel)

    out = pl.pallas_call(
        _tc_body,
        out_shape=jax.ShapeDtypeStruct((B, 1), jnp.float32),
    )(bitstrings, wh)
    return out.reshape(B)

# --- scband reference (transcript-rebuilt; emitter-appended) ---
"""Pipeline reference for scband-kobe-77206332113784 (READ-ONLY COPY).

The authoritative reference and input builder live on the scoring server;
editing this copy changes nothing except your own understanding.
"""

import itertools
import jax, jax.numpy as jnp
import numpy as np

NUM_BITS = 64
ORDER = 2

def _build_indices():
    indices_list = []
    for i in range(1, ORDER + 1):
        indices_list.extend(itertools.combinations(range(NUM_BITS), i))
    num_terms = len(indices_list)
    padded = np.zeros((num_terms, ORDER), dtype=np.int32)
    mask = np.zeros((num_terms, ORDER), dtype=np.float32)
    for t, combo in enumerate(indices_list):
        for j, loc in enumerate(combo):
            padded[t, j] = loc
            mask[t, j] = 1.0
    return jnp.asarray(padded), jnp.asarray(mask), num_terms

def setup_inputs(seed: int = 0) -> dict:
    key = jax.random.key(seed)
    k1, k2 = jax.random.split(key)
    bitstrings = jax.random.randint(k1, (4096, NUM_BITS), 0, 2, dtype=jnp.int32)
    indices, mask, num_terms = _build_indices()
    # tf.keras.initializers.RandomUniform() default: U(-0.05, 0.05)
    kernel = jax.random.uniform(k2, (num_terms,), dtype=jnp.float32, minval=-0.05, maxval=0.05)
    return {"bitstrings": bitstrings, "kernel": kernel, "indices": indices, "mask": mask}

def reference(bitstrings, kernel, indices, mask):
    # spins in {-1, +1}
    spins = (1 - 2 * bitstrings).astype(jnp.float32)  # [B, num_bits]
    # Ragged per-term index lists handled via padded indices + mask.
    # gather spins per term: [B, num_terms, ORDER]
    gathered = spins[:, indices]
    # padded (masked-out) slots contribute a multiplicative identity of 1
    factors = jnp.where(mask[None, :, :] > 0, gathered, 1.0)
    parities = jnp.prod(factors, axis=-1)  # [B, num_terms]
    # energy = sum_t parity_t * kernel_t
    return jnp.sum(parities * kernel[None, :], axis=-1)  # [B]

if __name__ == "__main__":
    import jax
    _d = setup_inputs()
    print(jax.jit(kernel)(*tuple(_d.values())))

</pallas_src>

<mosaic_0001>
#map = affine_map<(d0, d1) -> (0)>
#map1 = affine_map<(d0, d1) -> (0, 0)>
module attributes {stable_mosaic.version = 14 : i64} {
  func.func @_sc_build(%arg0: i32, %arg1: i32, %arg2: memref<2080xi32, #tpu.memory_space<hbm>>, %arg3: memref<2080xi32, #tpu.memory_space<hbm>>, %arg4: memref<2080xf32, #tpu.memory_space<hbm>>, %arg5: memref<65x64xf32, #tpu.memory_space<hbm>>, %arg6: memref<2080xi32, #tpu.memory_space<vmem>>, %arg7: memref<2080xi32, #tpu.memory_space<vmem>>, %arg8: memref<2080xf32, #tpu.memory_space<vmem>>, %arg9: memref<65x64xf32, #tpu.memory_space<vmem>>, %arg10: memref<!tpu.dma_semaphore, #tpu.memory_space<semaphore_mem>>, %arg11: memref<!tpu.dma_semaphore, #tpu.memory_space<semaphore_mem>>, %arg12: memref<!tpu.dma_semaphore, #tpu.memory_space<semaphore_mem>>) attributes {dimension_semantics = [#tpu.dimension_semantics<core_parallel>, #tpu.dimension_semantics<subcore_parallel>], iteration_bounds = array<i64: 1, 16>, scalar_prefetch = 0 : i64, scratch_operands = 7 : i64, tpu.core_type = #tpu.core_type<sc_vector_subcore>, window_params = [{transform_indices = #map}, {transform_indices = #map}, {transform_indices = #map}, {transform_indices = #map1}]} {
    %eq3A = arith.constant 0 : i32
    %eq3A_0 = arith.cmpi eq, %arg1, %eq3A : i32
    %convert_element_type3A = arith.extui %eq3A_0 : i1 to i32
    %cond3A = arith.constant 0 : i32
    %cond3A_1 = arith.cmpi ne, %convert_element_type3A, %cond3A : i32
    scf.if %cond3A_1 {
      tpu.enqueue_dma source(%arg2 : memref<2080xi32, #tpu.memory_space<hbm>>) target(%arg6 : memref<2080xi32, #tpu.memory_space<vmem>>) target_semaphore(%arg10 : memref<!tpu.dma_semaphore, #tpu.memory_space<semaphore_mem>>)
      tpu.enqueue_dma source(%arg3 : memref<2080xi32, #tpu.memory_space<hbm>>) target(%arg7 : memref<2080xi32, #tpu.memory_space<vmem>>) target_semaphore(%arg11 : memref<!tpu.dma_semaphore, #tpu.memory_space<semaphore_mem>>)
      tpu.enqueue_dma source(%arg4 : memref<2080xf32, #tpu.memory_space<hbm>>) target(%arg8 : memref<2080xf32, #tpu.memory_space<vmem>>) target_semaphore(%arg12 : memref<!tpu.dma_semaphore, #tpu.memory_space<semaphore_mem>>)
      %broadcast_in_dim3A = arith.constant 0.000000e+00 : f32
      %broadcast_in_dim3A_2 = vector.broadcast %broadcast_in_dim3A : f32 to vector<16xf32>
      %swap3A = arith.constant 0 : i32
      %swap3A_3 = arith.index_cast %swap3A : i32 to index
      %swap3A_4 = arith.constant 0 : index
      %swap3A_5 = tpu.vector_load %arg9[%swap3A_3, %swap3A_4] {strides = array<i32>} : memref<65x64xf32, #tpu.memory_space<vmem>>, vector<16xf32>,
      tpu.vector_store %arg9[%swap3A_3, %swap3A_4], %broadcast_in_dim3A_2 {strides = array<i32>} : memref<65x64xf32, #tpu.memory_space<vmem>>, vector<16xf32>,
      %swap3A_6 = arith.constant 0 : i32
      %swap3A_7 = arith.index_cast %swap3A_6 : i32 to index
      %swap3A_8 = arith.constant 16 : index
      %swap3A_9 = tpu.vector_load %arg9[%swap3A_7, %swap3A_8] {strides = array<i32>} : memref<65x64xf32, #tpu.memory_space<vmem>>, vector<16xf32>,
      tpu.vector_store %arg9[%swap3A_7, %swap3A_8], %broadcast_in_dim3A_2 {strides = array<i32>} : memref<65x64xf32, #tpu.memory_space<vmem>>, vector<16xf32>,
      %swap3A_10 = arith.constant 0 : i32
      %swap3A_11 = arith.index_cast %swap3A_10 : i32 to index
      %swap3A_12 = arith.constant 32 : index
      %swap3A_13 = tpu.vector_load %arg9[%swap3A_11, %swap3A_12] {strides = array<i32>} : memref<65x64xf32, #tpu.memory_space<vmem>>, vector<16xf32>,
      tpu.vector_store %arg9[%swap3A_11, %swap3A_12], %broadcast_in_dim3A_2 {strides = array<i32>} : memref<65x64xf32, #tpu.memory_space<vmem>>, vector<16xf32>,
      %swap3A_14 = arith.constant 0 : i32
      %swap3A_15 = arith.index_cast %swap3A_14 : i32 to index
      %swap3A_16 = arith.constant 48 : index
      %swap3A_17 = tpu.vector_load %arg9[%swap3A_15, %swap3A_16] {strides = array<i32>} : memref<65x64xf32, #tpu.memory_space<vmem>>, vector<16xf32>,
      tpu.vector_store %arg9[%swap3A_15, %swap3A_16], %broadcast_in_dim3A_2 {strides = array<i32>} : memref<65x64xf32, #tpu.memory_space<vmem>>, vector<16xf32>,
      %swap3A_18 = arith.constant 1 : i32
      %swap3A_19 = arith.index_cast %swap3A_18 : i32 to index
      %swap3A_20 = arith.constant 0 : index
      %swap3A_21 = tpu.vector_load %arg9[%swap3A_19, %swap3A_20] {strides = array<i32>} : memref<65x64xf32, #tpu.memory_space<vmem>>, vector<16xf32>,
      tpu.vector_store %arg9[%swap3A_19, %swap3A_20], %broadcast_in_dim3A_2 {strides = array<i32>} : memref<65x64xf32, #tpu.memory_space<vmem>>, vector<16xf32>,
      %swap3A_22 = arith.constant 1 : i32
      %swap3A_23 = arith.index_cast %swap3A_22 : i32 to index
      %swap3A_24 = arith.constant 16 : index
      %swap3A_25 = tpu.vector_load %arg9[%swap3A_23, %swap3A_24] {strides = array<i32>} : memref<65x64xf32, #tpu.memory_space<vmem>>, vector<16xf32>,
      tpu.vector_store %arg9[%swap3A_23, %swap3A_24], %broadcast_in_dim3A_2 {strides = array<i32>} : memref<65x64xf32, #tpu.memory_space<vmem>>, vector<16xf32>,
      %swap3A_26 = arith.constant 1 : i32
      %swap3A_27 = arith.index_cast %swap3A_26 : i32 to index
      %swap3A_28 = arith.constant 32 : index
      %swap3A_29 = tpu.vector_load %arg9[%swap3A_27, %swap3A_28] {strides = array<i32>} : memref<65x64xf32, #tpu.memory_space<vmem>>, vector<16xf32>,
      tpu.vector_store %arg9[%swap3A_27, %swap3A_28], %broadcast_in_dim3A_2 {strides = array<i32>} : memref<65x64xf32, #tpu.memory_space<vmem>>, vector<16xf32>,
      %swap3A_30 = arith.constant 1 : i32
      %swap3A_31 = arith.index_cast %swap3A_30 : i32 to index
      %swap3A_32 = arith.constant 48 : index
      %swap3A_33 = tpu.vector_load %arg9[%swap3A_31, %swap3A_32] {strides = array<i32>} : memref<65x64xf32, #tpu.memory_space<vmem>>, vector<16xf32>,
      tpu.vector_store %arg9[%swap3A_31, %swap3A_32], %broadcast_in_dim3A_2 {strides = array<i32>} : memref<65x64xf32, #tpu.memory_space<vmem>>, vector<16xf32>,
      %swap3A_34 = arith.constant 2 : i32
      %swap3A_35 = arith.index_cast %swap3A_34 : i32 to index
      %swap3A_36 = arith.constant 0 : index
      %swap3A_37 = tpu.vector_load %arg9[%swap3A_35, %swap3A_36] {strides = array<i32>} : memref<65x64xf32, #tpu.memory_space<vmem>>, vector<16xf32>,
      tpu.vector_store %arg9[%swap3A_35, %swap3A_36], %broadcast_in_dim3A_2 {strides = array<i32>} : memref<65x64xf32, #tpu.memory_space<vmem>>, vector<16xf32>,
      %swap3A_38 = arith.constant 2 : i32
      %swap3A_39 = arith.index_cast %swap3A_38 : i32 to index
      %swap3A_40 = arith.constant 16 : index
      %swap3A_41 = tpu.vector_load %arg9[%swap3A_39, %swap3A_40] {strides = array<i32>} : memref<65x64xf32, #tpu.memory_space<vmem>>, vector<16xf32>,
      tpu.vector_store %arg9[%swap3A_39, %swap3A_40], %broadcast_in_dim3A_2 {strides = array<i32>} : memref<65x64xf32, #tpu.memory_space<vmem>>, vector<16xf32>,
      %swap3A_42 = arith.constant 2 : i32
      %swap3A_43 = arith.index_cast %swap3A_42 : i32 to index
      %swap3A_44 = arith.constant 32 : index
      %swap3A_45 = tpu.vector_load %arg9[%swap3A_43, %swap3A_44] {strides = array<i32>} : memref<65x64xf32, #tpu.memory_space<vmem>>, vector<16xf32>,
      tpu.vector_store %arg9[%swap3A_43, %swap3A_44], %broadcast_in_dim3A_2 {strides = array<i32>} : memref<65x64xf32, #tpu.memory_space<vmem>>, vector<16xf32>,
      %swap3A_46 = arith.constant 2 : i32
      %swap3A_47 = arith.index_cast %swap3A_46 : i32 to index
      %swap3A_48 = arith.constant 48 : index
      %swap3A_49 = tpu.vector_load %arg9[%swap3A_47, %swap3A_48] {strides = array<i32>} : memref<65x64xf32, #tpu.memory_space<vmem>>, vector<16xf32>,
      tpu.vector_store %arg9[%swap3A_47, %swap3A_48], %broadcast_in_dim3A_2 {strides = array<i32>} : memref<65x64xf32, #tpu.memory_space<vmem>>, vector<16xf32>,
      %swap3A_50 = arith.constant 3 : i32
      %swap3A_51 = arith.index_cast %swap3A_50 : i32 to index
      %swap3A_52 = arith.constant 0 : index
      %swap3A_53 = tpu.vector_load %arg9[%swap3A_51, %swap3A_52] {strides = array<i32>} : memref<65x64xf32, #tpu.memory_space<vmem>>, vector<16xf32>,
      tpu.vector_store %arg9[%swap3A_51, %swap3A_52], %broadcast_in_dim3A_2 {strides = array<i32>} : memref<65x64xf32, #tpu.memory_space<vmem>>, vector<16xf32>,
      %swap3A_54 = arith.constant 3 : i32
      %swap3A_55 = arith.index_cast %swap3A_54 : i32 to index
      %swap3A_56 = arith.constant 16 : index
      %swap3A_57 = tpu.vector_load %arg9[%swap3A_55, %swap3A_56] {strides = array<i32>} : memref<65x64xf32, #tpu.memory_space<vmem>>, vector<16xf32>,
      tpu.vector_store %arg9[%swap3A_55, %swap3A_56], %broadcast_in_dim3A_2 {strides = array<i32>} : memref<65x64xf32, #tpu.memory_space<vmem>>, vector<16xf32>,
      %swap3A_58 = arith.constant 3 : i32
      %swap3A_59 = arith.index_cast %swap3A_58 : i32 to index
      %swap3A_60 = arith.constant 32 : index
      %swap3A_61 = tpu.vector_load %arg9[%swap3A_59, %swap3A_60] {strides = array<i32>} : memref<65x64xf32, #tpu.memory_space<vmem>>, vector<16xf32>,
      tpu.vector_store %arg9[%swap3A_59, %swap3A_60], %broadcast_in_dim3A_2 {strides = array<i32>} : memref<65x64xf32, #tpu.memory_space<vmem>>, vector<16xf32>,
      %swap3A_62 = arith.constant 3 : i32
      %swap3A_63 = arith.index_cast %swap3A_62 : i32 to index
      %swap3A_64 = arith.constant 48 : index
      %swap3A_65 = tpu.vector_load %arg9[%swap3A_63, %swap3A_64] {strides = array<i32>} : memref<65x64xf32, #tpu.memory_space<vmem>>, vector<16xf32>,
      tpu.vector_store %arg9[%swap3A_63, %swap3A_64], %broadcast_in_dim3A_2 {strides = array<i32>} : memref<65x64xf32, #tpu.memory_space<vmem>>, vector<16xf32>,
      %swap3A_66 = arith.constant 4 : i32
      %swap3A_67 = arith.index_cast %swap3A_66 : i32 to index
      %swap3A_68 = arith.constant 0 : index
      %swap3A_69 = tpu.vector_load %arg9[%swap3A_67, %swap3A_68] {strides = array<i32>} : memref<65x64xf32, #tpu.memory_space<vmem>>, vector<16xf32>,
      tpu.vector_store %arg9[%swap3A_67, %swap3A_68], %broadcast_in_dim3A_2 {strides = array<i32>} : memref<65x64xf32, #tpu.memory_space<vmem>>, vector<16xf32>,
      %swap3A_70 = arith.constant 4 : i32
      %swap3A_71 = arith.index_cast %swap3A_70 : i32 to index
      %swap3A_72 = arith.constant 16 : index
      %swap3A_73 = tpu.vector_load %arg9[%swap3A_71, %swap3A_72] {strides = array<i32>} : memref<65x64xf32, #tpu.memory_space<vmem>>, vector<16xf32>,
      tpu.vector_store %arg9[%swap3A_71, %swap3A_72], %broadcast_in_dim3A_2 {strides = array<i32>} : memref<65x64xf32, #tpu.memory_space<vmem>>, vector<16xf32>,
      %swap3A_74 = arith.constant 4 : i32
      %swap3A_75 = arith.index_cast %swap3A_74 : i32 to index
      %swap3A_76 = arith.constant 32 : index
      %swap3A_77 = tpu.vector_load %arg9[%swap3A_75, %swap3A_76] {strides = array<i32>} : memref<65x64xf32, #tpu.memory_space<vmem>>, vector<16xf32>,
      tpu.vector_store %arg9[%swap3A_75, %swap3A_76], %broadcast_in_dim3A_2 {strides = array<i32>} : memref<65x64xf32, #tpu.memory_space<vmem>>, vector<16xf32>,
      %swap3A_78 = arith.constant 4 : i32
      %swap3A_79 = arith.index_cast %swap3A_78 : i32 to index
      %swap3A_80 = arith.constant 48 : index
      %swap3A_81 = tpu.vector_load %arg9[%swap3A_79, %swap3A_80] {strides = array<i32>} : memref<65x64xf32, #tpu.memory_space<vmem>>, vector<16xf32>,
      tpu.vector_store %arg9[%swap3A_79, %swap3A_80], %broadcast_in_dim3A_2 {strides = array<i32>} : memref<65x64xf32, #tpu.memory_space<vmem>>, vector<16xf32>,
      %swap3A_82 = arith.constant 5 : i32
      %swap3A_83 = arith.index_cast %swap3A_82 : i32 to index
      %swap3A_84 = arith.constant 0 : index
      %swap3A_85 = tpu.vector_load %arg9[%swap3A_83, %swap3A_84] {strides = array<i32>} : memref<65x64xf32, #tpu.memory_space<vmem>>, vector<16xf32>,
      tpu.vector_store %arg9[%swap3A_83, %swap3A_84], %broadcast_in_dim3A_2 {strides = array<i32>} : memref<65x64xf32, #tpu.memory_space<vmem>>, vector<16xf32>,
      %swap3A_86 = arith.constant 5 : i32
      %swap3A_87 = arith.index_cast %swap3A_86 : i32 to index
      %swap3A_88 = arith.constant 16 : index
      %swap3A_89 = tpu.vector_load %arg9[%swap3A_87, %swap3A_88] {strides = array<i32>} : memref<65x64xf32, #tpu.memory_space<vmem>>, vector<16xf32>,
      tpu.vector_store %arg9[%swap3A_87, %swap3A_88], %broadcast_in_dim3A_2 {strides = array<i32>} : memref<65x64xf32, #tpu.memory_space<vmem>>, vector<16xf32>,
      %swap3A_90 = arith.constant 5 : i32
      %swap3A_91 = arith.index_cast %swap3A_90 : i32 to index
      %swap3A_92 = arith.constant 32 : index
      %swap3A_93 = tpu.vector_load %arg9[%swap3A_91, %swap3A_92] {strides = array<i32>} : memref<65x64xf32, #tpu.memory_space<vmem>>, vector<16xf32>,
      tpu.vector_store %arg9[%swap3A_91, %swap3A_92], %broadcast_in_dim3A_2 {strides = array<i32>} : memref<65x64xf32, #tpu.memory_space<vmem>>, vector<16xf32>,
      %swap3A_94 = arith.constant 5 : i32
      %swap3A_95 = arith.index_cast %swap3A_94 : i32 to index
      %swap3A_96 = arith.constant 48 : index
      %swap3A_97 = tpu.vector_load %arg9[%swap3A_95, %swap3A_96] {strides = array<i32>} : memref<65x64xf32, #tpu.memory_space<vmem>>, vector<16xf32>,
      tpu.vector_store %arg9[%swap3A_95, %swap3A_96], %broadcast_in_dim3A_2 {strides = array<i32>} : memref<65x64xf32, #tpu.memory_space<vmem>>, vector<16xf32>,
      %swap3A_98 = arith.constant 6 : i32
      %swap3A_99 = arith.index_cast %swap3A_98 : i32 to index
      %swap3A_100 = arith.constant 0 : index
      %swap3A_101 = tpu.vector_load %arg9[%swap3A_99, %swap3A_100] {strides = array<i32>} : memref<65x64xf32, #tpu.memory_space<vmem>>, vector<16xf32>,
      tpu.vector_store %arg9[%swap3A_99, %swap3A_100], %broadcast_in_dim3A_2 {strides = array<i32>} : memref<65x64xf32, #tpu.memory_space<vmem>>, vector<16xf32>,
      %swap3A_102 = arith.constant 6 : i32
      %swap3A_103 = arith.index_cast %swap3A_102 : i32 to index
      %swap3A_104 = arith.constant 16 : index
      %swap3A_105 = tpu.vector_load %arg9[%swap3A_103, %swap3A_104] {strides = array<i32>} : memref<65x64xf32, #tpu.memory_space<vmem>>, vector<16xf32>,
      tpu.vector_store %arg9[%swap3A_103, %swap3A_104], %broadcast_in_dim3A_2 {strides = array<i32>} : memref<65x64xf32, #tpu.memory_space<vmem>>, vector<16xf32>,
      %swap3A_106 = arith.constant 6 : i32
      %swap3A_107 = arith.index_cast %swap3A_106 : i32 to index
      %swap3A_108 = arith.constant 32 : index
      %swap3A_109 = tpu.vector_load %arg9[%swap3A_107, %swap3A_108] {strides = array<i32>} : memref<65x64xf32, #tpu.memory_space<vmem>>, vector<16xf32>,
      tpu.vector_store %arg9[%swap3A_107, %swap3A_108], %broadcast_in_dim3A_2 {strides = array<i32>} : memref<65x64xf32, #tpu.memory_space<vmem>>, vector<16xf32>,
      %swap3A_110 = arith.constant 6 : i32
      %swap3A_111 = arith.index_cast %swap3A_110 : i32 to index
      %swap3A_112 = arith.constant 48 : index
      %swap3A_113 = tpu.vector_load %arg9[%swap3A_111, %swap3A_112] {strides = array<i32>} : memref<65x64xf32, #tpu.memory_space<vmem>>, vector<16xf32>,
      tpu.vector_store %arg9[%swap3A_111, %swap3A_112], %broadcast_in_dim3A_2 {strides = array<i32>} : memref<65x64xf32, #tpu.memory_space<vmem>>, vector<16xf32>,
      %swap3A_114 = arith.constant 7 : i32
      %swap3A_115 = arith.index_cast %swap3A_114 : i32 to index
      %swap3A_116 = arith.constant 0 : index
      %swap3A_117 = tpu.vector_load %arg9[%swap3A_115, %swap3A_116] {strides = array<i32>} : memref<65x64xf32, #tpu.memory_space<vmem>>, vector<16xf32>,
      tpu.vector_store %arg9[%swap3A_115, %swap3A_116], %broadcast_in_dim3A_2 {strides = array<i32>} : memref<65x64xf32, #tpu.memory_space<vmem>>, vector<16xf32>,
      %swap3A_118 = arith.constant 7 : i32
      %swap3A_119 = arith.index_cast %swap3A_118 : i32 to index
      %swap3A_120 = arith.constant 16 : index
      %swap3A_121 = tpu.vector_load %arg9[%swap3A_119, %swap3A_120] {strides = array<i32>} : memref<65x64xf32, #tpu.memory_space<vmem>>, vector<16xf32>,
      tpu.vector_store %arg9[%swap3A_119, %swap3A_120], %broadcast_in_dim3A_2 {strides = array<i32>} : memref<65x64xf32, #tpu.memory_space<vmem>>, vector<16xf32>,
      %swap3A_122 = arith.constant 7 : i32
      %swap3A_123 = arith.index_cast %swap3A_122 : i32 to index
      %swap3A_124 = arith.constant 32 : index
      %swap3A_125 = tpu.vector_load %arg9[%swap3A_123, %swap3A_124] {strides = array<i32>} : memref<65x64xf32, #tpu.memory_space<vmem>>, vector<16xf32>,
      tpu.vector_store %arg9[%swap3A_123, %swap3A_124], %broadcast_in_dim3A_2 {strides = array<i32>} : memref<65x64xf32, #tpu.memory_space<vmem>>, vector<16xf32>,
      %swap3A_126 = arith.constant 7 : i32
      %swap3A_127 = arith.index_cast %swap3A_126 : i32 to index
      %swap3A_128 = arith.constant 48 : index
      %swap3A_129 = tpu.vector_load %arg9[%swap3A_127, %swap3A_128] {strides = array<i32>} : memref<65x64xf32, #tpu.memory_space<vmem>>, vector<16xf32>,
      tpu.vector_store %arg9[%swap3A_127, %swap3A_128], %broadcast_in_dim3A_2 {strides = array<i32>} : memref<65x64xf32, #tpu.memory_space<vmem>>, vector<16xf32>,
      %swap3A_130 = arith.constant 8 : i32
      %swap3A_131 = arith.index_cast %swap3A_130 : i32 to index
      %swap3A_132 = arith.constant 0 : index
      %swap3A_133 = tpu.vector_load %arg9[%swap3A_131, %swap3A_132] {strides = array<i32>} : memref<65x64xf32, #tpu.memory_space<vmem>>, vector<16xf32>,
      tpu.vector_store %arg9[%swap3A_131, %swap3A_132], %broadcast_in_dim3A_2 {strides = array<i32>} : memref<65x64xf32, #tpu.memory_space<vmem>>, vector<16xf32>,
      %swap3A_134 = arith.constant 8 : i32
      %swap3A_135 = arith.index_cast %swap3A_134 : i32 to index
      %swap3A_136 = arith.constant 16 : index
      %swap3A_137 = tpu.vector_load %arg9[%swap3A_135, %swap3A_136] {strides = array<i32>} : memref<65x64xf32, #tpu.memory_space<vmem>>, vector<16xf32>,
      tpu.vector_store %arg9[%swap3A_135, %swap3A_136], %broadcast_in_dim3A_2 {strides = array<i32>} : memref<65x64xf32, #tpu.memory_space<vmem>>, vector<16xf32>,
      %swap3A_138 = arith.constant 8 : i32
      %swap3A_139 = arith.index_cast %swap3A_138 : i32 to index
      %swap3A_140 = arith.constant 32 : index
      %swap3A_141 = tpu.vector_load %arg9[%swap3A_139, %swap3A_140] {strides = array<i32>} : memref<65x64xf32, #tpu.memory_space<vmem>>, vector<16xf32>,
      tpu.vector_store %arg9[%swap3A_139, %swap3A_140], %broadcast_in_dim3A_2 {strides = array<i32>} : memref<65x64xf32, #tpu.memory_space<vmem>>, vector<16xf32>,
      %swap3A_142 = arith.constant 8 : i32
      %swap3A_143 = arith.index_cast %swap3A_142 : i32 to index
      %swap3A_144 = arith.constant 48 : index
      %swap3A_145 = tpu.vector_load %arg9[%swap3A_143, %swap3A_144] {strides = array<i32>} : memref<65x64xf32, #tpu.memory_space<vmem>>, vector<16xf32>,
      tpu.vector_store %arg9[%swap3A_143, %swap3A_144], %broadcast_in_dim3A_2 {strides = array<i32>} : memref<65x64xf32, #tpu.memory_space<vmem>>, vector<16xf32>,
      %swap3A_146 = arith.constant 9 : i32
      %swap3A_147 = arith.index_cast %swap3A_146 : i32 to index
      %swap3A_148 = arith.constant 0 : index
      %swap3A_149 = tpu.vector_load %arg9[%swap3A_147, %swap3A_148] {strides = array<i32>} : memref<65x64xf32, #tpu.memory_space<vmem>>, vector<16xf32>,
      tpu.vector_store %arg9[%swap3A_147, %swap3A_148], %broadcast_in_dim3A_2 {strides = array<i32>} : memref<65x64xf32, #tpu.memory_space<vmem>>, vector<16xf32>,
      %swap3A_150 = arith.constant 9 : i32
      %swap3A_151 = arith.index_cast %swap3A_150 : i32 to index
      %swap3A_152 = arith.constant 16 : index
      %swap3A_153 = tpu.vector_load %arg9[%swap3A_151, %swap3A_152] {strides = array<i32>} : memref<65x64xf32, #tpu.memory_space<vmem>>, vector<16xf32>,
      tpu.vector_store %arg9[%swap3A_151, %swap3A_152], %broadcast_in_dim3A_2 {strides = array<i32>} : memref<65x64xf32, #tpu.memory_space<vmem>>, vector<16xf32>,
      %swap3A_154 = arith.constant 9 : i32
      %swap3A_155 = arith.index_cast %swap3A_154 : i32 to index
      %swap3A_156 = arith.constant 32 : index
      %swap3A_157 = tpu.vector_load %arg9[%swap3A_155, %swap3A_156] {strides = array<i32>} : memref<65x64xf32, #tpu.memory_space<vmem>>, vector<16xf32>,
      tpu.vector_store %arg9[%swap3A_155, %swap3A_156], %broadcast_in_dim3A_2 {strides = array<i32>} : memref<65x64xf32, #tpu.memory_space<vmem>>, vector<16xf32>,
      %swap3A_158 = arith.constant 9 : i32
      %swap3A_159 = arith.index_cast %swap3A_158 : i32 to index
      %swap3A_160 = arith.constant 48 : index
      %swap3A_161 = tpu.vector_load %arg9[%swap3A_159, %swap3A_160] {strides = array<i32>} : memref<65x64xf32, #tpu.memory_space<vmem>>, vector<16xf32>,
      tpu.vector_store %arg9[%swap3A_159, %swap3A_160], %broadcast_in_dim3A_2 {strides = array<i32>} : memref<65x64xf32, #tpu.memory_space<vmem>>, vector<16xf32>,
      %swap3A_162 = arith.constant 10 : i32
      %swap3A_163 = arith.index_cast %swap3A_162 : i32 to index
      %swap3A_164 = arith.constant 0 : index
      %swap3A_165 = tpu.vector_load %arg9[%swap3A_163, %swap3A_164] {strides = array<i32>} : memref<65x64xf32, #tpu.memory_space<vmem>>, vector<16xf32>,
      tpu.vector_store %arg9[%swap3A_163, %swap3A_164], %broadcast_in_dim3A_2 {strides = array<i32>} : memref<65x64xf32, #tpu.memory_space<vmem>>, vector<16xf32>,
      %swap3A_166 = arith.constant 10 : i32
      %swap3A_167 = arith.index_cast %swap3A_166 : i32 to index
      %swap3A_168 = arith.constant 16 : index
      %swap3A_169 = tpu.vector_load %arg9[%swap3A_167, %swap3A_168] {strides = array<i32>} : memref<65x64xf32, #tpu.memory_space<vmem>>, vector<16xf32>,
      tpu.vector_store %arg9[%swap3A_167, %swap3A_168], %broadcast_in_dim3A_2 {strides = array<i32>} : memref<65x64xf32, #tpu.memory_space<vmem>>, vector<16xf32>,
      %swap3A_170 = arith.constant 10 : i32
      %swap3A_171 = arith.index_cast %swap3A_170 : i32 to index
      %swap3A_172 = arith.constant 32 : index
      %swap3A_173 = tpu.vector_load %arg9[%swap3A_171, %swap3A_172] {strides = array<i32>} : memref<65x64xf32, #tpu.memory_space<vmem>>, vector<16xf32>,
      tpu.vector_store %arg9[%swap3A_171, %swap3A_172], %broadcast_in_dim3A_2 {strides = array<i32>} : memref<65x64xf32, #tpu.memory_space<vmem>>, vector<16xf32>,
      %swap3A_174 = arith.constant 10 : i32
      %swap3A_175 = arith.index_cast %swap3A_174 : i32 to index
      %swap3A_176 = arith.constant 48 : index
      %swap3A_177 = tpu.vector_load %arg9[%swap3A_175, %swap3A_176] {strides = array<i32>} : memref<65x64xf32, #tpu.memory_space<vmem>>, vector<16xf32>,
      tpu.vector_store %arg9[%swap3A_175, %swap3A_176], %broadcast_in_dim3A_2 {strides = array<i32>} : memref<65x64xf32, #tpu.memory_space<vmem>>, vector<16xf32>,
      %swap3A_178 = arith.constant 11 : i32
      %swap3A_179 = arith.index_cast %swap3A_178 : i32 to index
      %swap3A_180 = arith.constant 0 : index
      %swap3A_181 = tpu.vector_load %arg9[%swap3A_179, %swap3A_180] {strides = array<i32>} : memref<65x64xf32, #tpu.memory_space<vmem>>, vector<16xf32>,
      tpu.vector_store %arg9[%swap3A_179, %swap3A_180], %broadcast_in_dim3A_2 {strides = array<i32>} : memref<65x64xf32, #tpu.memory_space<vmem>>, vector<16xf32>,
      %swap3A_182 = arith.constant 11 : i32
      %swap3A_183 = arith.index_cast %swap3A_182 : i32 to index
      %swap3A_184 = arith.constant 16 : index
      %swap3A_185 = tpu.vector_load %arg9[%swap3A_183, %swap3A_184] {strides = array<i32>} : memref<65x64xf32, #tpu.memory_space<vmem>>, vector<16xf32>,
      tpu.vector_store %arg9[%swap3A_183, %swap3A_184], %broadcast_in_dim3A_2 {strides = array<i32>} : memref<65x64xf32, #tpu.memory_space<vmem>>, vector<16xf32>,
      %swap3A_186 = arith.constant 11 : i32
      %swap3A_187 = arith.index_cast %swap3A_186 : i32 to index
      %swap3A_188 = arith.constant 32 : index
      %swap3A_189 = tpu.vector_load %arg9[%swap3A_187, %swap3A_188] {strides = array<i32>} : memref<65x64xf32, #tpu.memory_space<vmem>>, vector<16xf32>,
      tpu.vector_store %arg9[%swap3A_187, %swap3A_188], %broadcast_in_dim3A_2 {strides = array<i32>} : memref<65x64xf32, #tpu.memory_space<vmem>>, vector<16xf32>,
      %swap3A_190 = arith.constant 11 : i32
      %swap3A_191 = arith.index_cast %swap3A_190 : i32 to index
      %swap3A_192 = arith.constant 48 : index
      %swap3A_193 = tpu.vector_load %arg9[%swap3A_191, %swap3A_192] {strides = array<i32>} : memref<65x64xf32, #tpu.memory_space<vmem>>, vector<16xf32>,
      tpu.vector_store %arg9[%swap3A_191, %swap3A_192], %broadcast_in_dim3A_2 {strides = array<i32>} : memref<65x64xf32, #tpu.memory_space<vmem>>, vector<16xf32>,
      %swap3A_194 = arith.constant 12 : i32
      %swap3A_195 = arith.index_cast %swap3A_194 : i32 to index
      %swap3A_196 = arith.constant 0 : index
      %swap3A_197 = tpu.vector_load %arg9[%swap3A_195, %swap3A_196] {strides = array<i32>} : memref<65x64xf32, #tpu.memory_space<vmem>>, vector<16xf32>,
      tpu.vector_store %arg9[%swap3A_195, %swap3A_196], %broadcast_in_dim3A_2 {strides = array<i32>} : memref<65x64xf32, #tpu.memory_space<vmem>>, vector<16xf32>,
      %swap3A_198 = arith.constant 12 : i32
      %swap3A_199 = arith.index_cast %swap3A_198 : i32 to index
      %swap3A_200 = arith.constant 16 : index
      %swap3A_201 = tpu.vector_load %arg9[%swap3A_199, %swap3A_200] {strides = array<i32>} : memref<65x64xf32, #tpu.memory_space<vmem>>, vector<16xf32>,
      tpu.vector_store %arg9[%swap3A_199, %swap3A_200], %broadcast_in_dim3A_2 {strides = array<i32>} : memref<65x64xf32, #tpu.memory_space<vmem>>, vector<16xf32>,
      %swap3A_202 = arith.constant 12 : i32
      %swap3A_203 = arith.index_cast %swap3A_202 : i32 to index
      %swap3A_204 = arith.constant 32 : index
      %swap3A_205 = tpu.vector_load %arg9[%swap3A_203, %swap3A_204] {strides = array<i32>} : memref<65x64xf32, #tpu.memory_space<vmem>>, vector<16xf32>,
      tpu.vector_store %arg9[%swap3A_203, %swap3A_204], %broadcast_in_dim3A_2 {strides = array<i32>} : memref<65x64xf32, #tpu.memory_space<vmem>>, vector<16xf32>,
      %swap3A_206 = arith.constant 12 : i32
      %swap3A_207 = arith.index_cast %swap3A_206 : i32 to index
      %swap3A_208 = arith.constant 48 : index
      %swap3A_209 = tpu.vector_load %arg9[%swap3A_207, %swap3A_208] {strides = array<i32>} : memref<65x64xf32, #tpu.memory_space<vmem>>, vector<16xf32>,
      tpu.vector_store %arg9[%swap3A_207, %swap3A_208], %broadcast_in_dim3A_2 {strides = array<i32>} : memref<65x64xf32, #tpu.memory_space<vmem>>, vector<16xf32>,
      %swap3A_210 = arith.constant 13 : i32
      %swap3A_211 = arith.index_cast %swap3A_210 : i32 to index
      %swap3A_212 = arith.constant 0 : index
      %swap3A_213 = tpu.vector_load %arg9[%swap3A_211, %swap3A_212] {strides = array<i32>} : memref<65x64xf32, #tpu.memory_space<vmem>>, vector<16xf32>,
      tpu.vector_store %arg9[%swap3A_211, %swap3A_212], %broadcast_in_dim3A_2 {strides = array<i32>} : memref<65x64xf32, #tpu.memory_space<vmem>>, vector<16xf32>,
      %swap3A_214 = arith.constant 13 : i32
      %swap3A_215 = arith.index_cast %swap3A_214 : i32 to index
      %swap3A_216 = arith.constant 16 : index
      %swap3A_217 = tpu.vector_load %arg9[%swap3A_215, %swap3A_216] {strides = array<i32>} : memref<65x64xf32, #tpu.memory_space<vmem>>, vector<16xf32>,
      tpu.vector_store %arg9[%swap3A_215, %swap3A_216], %broadcast_in_dim3A_2 {strides = array<i32>} : memref<65x64xf32, #tpu.memory_space<vmem>>, vector<16xf32>,
      %swap3A_218 = arith.constant 13 : i32
      %swap3A_219 = arith.index_cast %swap3A_218 : i32 to index
      %swap3A_220 = arith.constant 32 : index
      %swap3A_221 = tpu.vector_load %arg9[%swap3A_219, %swap3A_220] {strides = array<i32>} : memref<65x64xf32, #tpu.memory_space<vmem>>, vector<16xf32>,
      tpu.vector_store %arg9[%swap3A_219, %swap3A_220], %broadcast_in_dim3A_2 {strides = array<i32>} : memref<65x64xf32, #tpu.memory_space<vmem>>, vector<16xf32>,
      %swap3A_222 = arith.constant 13 : i32
      %swap3A_223 = arith.index_cast %swap3A_222 : i32 to index
      %swap3A_224 = arith.constant 48 : index
      %swap3A_225 = tpu.vector_load %arg9[%swap3A_223, %swap3A_224] {strides = array<i32>} : memref<65x64xf32, #tpu.memory_space<vmem>>, vector<16xf32>,
      tpu.vector_store %arg9[%swap3A_223, %swap3A_224], %broadcast_in_dim3A_2 {strides = array<i32>} : memref<65x64xf32, #tpu.memory_space<vmem>>, vector<16xf32>,
      %swap3A_226 = arith.constant 14 : i32
      %swap3A_227 = arith.index_cast %swap3A_226 : i32 to index
      %swap3A_228 = arith.constant 0 : index
      %swap3A_229 = tpu.vector_load %arg9[%swap3A_227, %swap3A_228] {strides = array<i32>} : memref<65x64xf32, #tpu.memory_space<vmem>>, vector<16xf32>,
      tpu.vector_store %arg9[%swap3A_227, %swap3A_228], %broadcast_in_dim3A_2 {strides = array<i32>} : memref<65x64xf32, #tpu.memory_space<vmem>>, vector<16xf32>,
      %swap3A_230 = arith.constant 14 : i32
      %swap3A_231 = arith.index_cast %swap3A_230 : i32 to index
      %swap3A_232 = arith.constant 16 : index
      %swap3A_233 = tpu.vector_load %arg9[%swap3A_231, %swap3A_232] {strides = array<i32>} : memref<65x64xf32, #tpu.memory_space<vmem>>, vector<16xf32>,
      tpu.vector_store %arg9[%swap3A_231, %swap3A_232], %broadcast_in_dim3A_2 {strides = array<i32>} : memref<65x64xf32, #tpu.memory_space<vmem>>, vector<16xf32>,
      %swap3A_234 = arith.constant 14 : i32
      %swap3A_235 = arith.index_cast %swap3A_234 : i32 to index
      %swap3A_236 = arith.constant 32 : index
      %swap3A_237 = tpu.vector_load %arg9[%swap3A_235, %swap3A_236] {strides = array<i32>} : memref<65x64xf32, #tpu.memory_space<vmem>>, vector<16xf32>,
      tpu.vector_store %arg9[%swap3A_235, %swap3A_236], %broadcast_in_dim3A_2 {strides = array<i32>} : memref<65x64xf32, #tpu.memory_space<vmem>>, vector<16xf32>,
      %swap3A_238 = arith.constant 14 : i32
      %swap3A_239 = arith.index_cast %swap3A_238 : i32 to index
      %swap3A_240 = arith.constant 48 : index
      %swap3A_241 = tpu.vector_load %arg9[%swap3A_239, %swap3A_240] {strides = array<i32>} : memref<65x64xf32, #tpu.memory_space<vmem>>, vector<16xf32>,
      tpu.vector_store %arg9[%swap3A_239, %swap3A_240], %broadcast_in_dim3A_2 {strides = array<i32>} : memref<65x64xf32, #tpu.memory_space<vmem>>, vector<16xf32>,
      %swap3A_242 = arith.constant 15 : i32
      %swap3A_243 = arith.index_cast %swap3A_242 : i32 to index
      %swap3A_244 = arith.constant 0 : index
      %swap3A_245 = tpu.vector_load %arg9[%swap3A_243, %swap3A_244] {strides = array<i32>} : memref<65x64xf32, #tpu.memory_space<vmem>>, vector<16xf32>,
      tpu.vector_store %arg9[%swap3A_243, %swap3A_244], %broadcast_in_dim3A_2 {strides = array<i32>} : memref<65x64xf32, #tpu.memory_space<vmem>>, vector<16xf32>,
      %swap3A_246 = arith.constant 15 : i32
      %swap3A_247 = arith.index_cast %swap3A_246 : i32 to index
      %swap3A_248 = arith.constant 16 : index
      %swap3A_249 = tpu.vector_load %arg9[%swap3A_247, %swap3A_248] {strides = array<i32>} : memref<65x64xf32, #tpu.memory_space<vmem>>, vector<16xf32>,
      tpu.vector_store %arg9[%swap3A_247, %swap3A_248], %broadcast_in_dim3A_2 {strides = array<i32>} : memref<65x64xf32, #tpu.memory_space<vmem>>, vector<16xf32>,
      %swap3A_250 = arith.constant 15 : i32
      %swap3A_251 = arith.index_cast %swap3A_250 : i32 to index
      %swap3A_252 = arith.constant 32 : index
      %swap3A_253 = tpu.vector_load %arg9[%swap3A_251, %swap3A_252] {strides = array<i32>} : memref<65x64xf32, #tpu.memory_space<vmem>>, vector<16xf32>,
      tpu.vector_store %arg9[%swap3A_251, %swap3A_252], %broadcast_in_dim3A_2 {strides = array<i32>} : memref<65x64xf32, #tpu.memory_space<vmem>>, vector<16xf32>,
      %swap3A_254 = arith.constant 15 : i32
      %swap3A_255 = arith.index_cast %swap3A_254 : i32 to index
      %swap3A_256 = arith.constant 48 : index
      %swap3A_257 = tpu.vector_load %arg9[%swap3A_255, %swap3A_256] {strides = array<i32>} : memref<65x64xf32, #tpu.memory_space<vmem>>, vector<16xf32>,
      tpu.vector_store %arg9[%swap3A_255, %swap3A_256], %broadcast_in_dim3A_2 {strides = array<i32>} : memref<65x64xf32, #tpu.memory_space<vmem>>, vector<16xf32>,
      %swap3A_258 = arith.constant 16 : i32
      %swap3A_259 = arith.index_cast %swap3A_258 : i32 to index
      %swap3A_260 = arith.constant 0 : index
      %swap3A_261 = tpu.vector_load %arg9[%swap3A_259, %swap3A_260] {strides = array<i32>} : memref<65x64xf32, #tpu.memory_space<vmem>>, vector<16xf32>,
      tpu.vector_store %arg9[%swap3A_259, %swap3A_260], %broadcast_in_dim3A_2 {strides = array<i32>} : memref<65x64xf32, #tpu.memory_space<vmem>>, vector<16xf32>,
      %swap3A_262 = arith.constant 16 : i32
      %swap3A_263 = arith.index_cast %swap3A_262 : i32 to index
      %swap3A_264 = arith.constant 16 : index
      %swap3A_265 = tpu.vector_load %arg9[%swap3A_263, %swap3A_264] {strides = array<i32>} : memref<65x64xf32, #tpu.memory_space<vmem>>, vector<16xf32>,
      tpu.vector_store %arg9[%swap3A_263, %swap3A_264], %broadcast_in_dim3A_2 {strides = array<i32>} : memref<65x64xf32, #tpu.memory_space<vmem>>, vector<16xf32>,
      %swap3A_266 = arith.constant 16 : i32
      %swap3A_267 = arith.index_cast %swap3A_266 : i32 to index
      %swap3A_268 = arith.constant 32 : index
      %swap3A_269 = tpu.vector_load %arg9[%swap3A_267, %swap3A_268] {strides = array<i32>} : memref<65x64xf32, #tpu.memory_space<vmem>>, vector<16xf32>,
      tpu.vector_store %arg9[%swap3A_267, %swap3A_268], %broadcast_in_dim3A_2 {strides = array<i32>} : memref<65x64xf32, #tpu.memory_space<vmem>>, vector<16xf32>,
      %swap3A_270 = arith.constant 16 : i32
      %swap3A_271 = arith.index_cast %swap3A_270 : i32 to index
      %swap3A_272 = arith.constant 48 : index
      %swap3A_273 = tpu.vector_load %arg9[%swap3A_271, %swap3A_272] {strides = array<i32>} : memref<65x64xf32, #tpu.memory_space<vmem>>, vector<16xf32>,
      tpu.vector_store %arg9[%swap3A_271, %swap3A_272], %broadcast_in_dim3A_2 {strides = array<i32>} : memref<65x64xf32, #tpu.memory_space<vmem>>, vector<16xf32>,
      %swap3A_274 = arith.constant 17 : i32
      %swap3A_275 = arith.index_cast %swap3A_274 : i32 to index
      %swap3A_276 = arith.constant 0 : index
      %swap3A_277 = tpu.vector_load %arg9[%swap3A_275, %swap3A_276] {strides = array<i32>} : memref<65x64xf32, #tpu.memory_space<vmem>>, vector<16xf32>,
      tpu.vector_store %arg9[%swap3A_275, %swap3A_276], %broadcast_in_dim3A_2 {strides = array<i32>} : memref<65x64xf32, #tpu.memory_space<vmem>>, vector<16xf32>,
      %swap3A_278 = arith.constant 17 : i32
      %swap3A_279 = arith.index_cast %swap3A_278 : i32 to index
      %swap3A_280 = arith.constant 16 : index
      %swap3A_281 = tpu.vector_load %arg9[%swap3A_279, %swap3A_280] {strides = array<i32>} : memref<65x64xf32, #tpu.memory_space<vmem>>, vector<16xf32>,
      tpu.vector_store %arg9[%swap3A_279, %swap3A_280], %broadcast_in_dim3A_2 {strides = array<i32>} : memref<65x64xf32, #tpu.memory_space<vmem>>, vector<16xf32>,
      %swap3A_282 = arith.constant 17 : i32
      %swap3A_283 = arith.index_cast %swap3A_282 : i32 to index
      %swap3A_284 = arith.constant 32 : index
      %swap3A_285 = tpu.vector_load %arg9[%swap3A_283, %swap3A_284] {strides = array<i32>} : memref<65x64xf32, #tpu.memory_space<vmem>>, vector<16xf32>,
      tpu.vector_store %arg9[%swap3A_283, %swap3A_284], %broadcast_in_dim3A_2 {strides = array<i32>} : memref<65x64xf32, #tpu.memory_space<vmem>>, vector<16xf32>,
      %swap3A_286 = arith.constant 17 : i32
      %swap3A_287 = arith.index_cast %swap3A_286 : i32 to index
      %swap3A_288 = arith.constant 48 : index
      %swap3A_289 = tpu.vector_load %arg9[%swap3A_287, %swap3A_288] {strides = array<i32>} : memref<65x64xf32, #tpu.memory_space<vmem>>, vector<16xf32>,
      tpu.vector_store %arg9[%swap3A_287, %swap3A_288], %broadcast_in_dim3A_2 {strides = array<i32>} : memref<65x64xf32, #tpu.memory_space<vmem>>, vector<16xf32>,
      %swap3A_290 = arith.constant 18 : i32
      %swap3A_291 = arith.index_cast %swap3A_290 : i32 to index
      %swap3A_292 = arith.constant 0 : index
      %swap3A_293 = tpu.vector_load %arg9[%swap3A_291, %swap3A_292] {strides = array<i32>} : memref<65x64xf32, #tpu.memory_space<vmem>>, vector<16xf32>,
      tpu.vector_store %arg9[%swap3A_291, %swap3A_292], %broadcast_in_dim3A_2 {strides = array<i32>} : memref<65x64xf32, #tpu.memory_space<vmem>>, vector<16xf32>,
      %swap3A_294 = arith.constant 18 : i32
      %swap3A_295 = arith.index_cast %swap3A_294 : i32 to index
      %swap3A_296 = arith.constant 16 : index
      %swap3A_297 = tpu.vector_load %arg9[%swap3A_295, %swap3A_296] {strides = array<i32>} : memref<65x64xf32, #tpu.memory_space<vmem>>, vector<16xf32>,
      tpu.vector_store %arg9[%swap3A_295, %swap3A_296], %broadcast_in_dim3A_2 {strides = array<i32>} : memref<65x64xf32, #tpu.memory_space<vmem>>, vector<16xf32>,
      %swap3A_298 = arith.constant 18 : i32
      %swap3A_299 = arith.index_cast %swap3A_298 : i32 to index
      %swap3A_300 = arith.constant 32 : index
      %swap3A_301 = tpu.vector_load %arg9[%swap3A_299, %swap3A_300] {strides = array<i32>} : memref<65x64xf32, #tpu.memory_space<vmem>>, vector<16xf32>,
      tpu.vector_store %arg9[%swap3A_299, %swap3A_300], %broadcast_in_dim3A_2 {strides = array<i32>} : memref<65x64xf32, #tpu.memory_space<vmem>>, vector<16xf32>,
      %swap3A_302 = arith.constant 18 : i32
      %swap3A_303 = arith.index_cast %swap3A_302 : i32 to index
      %swap3A_304 = arith.constant 48 : index
      %swap3A_305 = tpu.vector_load %arg9[%swap3A_303, %swap3A_304] {strides = array<i32>} : memref<65x64xf32, #tpu.memory_space<vmem>>, vector<16xf32>,
      tpu.vector_store %arg9[%swap3A_303, %swap3A_304], %broadcast_in_dim3A_2 {strides = array<i32>} : memref<65x64xf32, #tpu.memory_space<vmem>>, vector<16xf32>,
      %swap3A_306 = arith.constant 19 : i32
      %swap3A_307 = arith.index_cast %swap3A_306 : i32 to index
      %swap3A_308 = arith.constant 0 : index
      %swap3A_309 = tpu.vector_load %arg9[%swap3A_307, %swap3A_308] {strides = array<i32>} : memref<65x64xf32, #tpu.memory_space<vmem>>, vector<16xf32>,
      tpu.vector_store %arg9[%swap3A_307, %swap3A_308], %broadcast_in_dim3A_2 {strides = array<i32>} : memref<65x64xf32, #tpu.memory_space<vmem>>, vector<16xf32>,
      %swap3A_310 = arith.constant 19 : i32
      %swap3A_311 = arith.index_cast %swap3A_310 : i32 to index
      %swap3A_312 = arith.constant 16 : index
      %swap3A_313 = tpu.vector_load %arg9[%swap3A_311, %swap3A_312] {strides = array<i32>} : memref<65x64xf32, #tpu.memory_space<vmem>>, vector<16xf32>,
      tpu.vector_store %arg9[%swap3A_311, %swap3A_312], %broadcast_in_dim3A_2 {strides = array<i32>} : memref<65x64xf32, #tpu.memory_space<vmem>>, vector<16xf32>,
      %swap3A_314 = arith.constant 19 : i32
      %swap3A_315 = arith.index_cast %swap3A_314 : i32 to index
      %swap3A_316 = arith.constant 32 : index
      %swap3A_317 = tpu.vector_load %arg9[%swap3A_315, %swap3A_316] {strides = array<i32>} : memref<65x64xf32, #tpu.memory_space<vmem>>, vector<16xf32>,
      tpu.vector_store %arg9[%swap3A_315, %swap3A_316], %broadcast_in_dim3A_2 {strides = array<i32>} : memref<65x64xf32, #tpu.memory_space<vmem>>, vector<16xf32>,
      %swap3A_318 = arith.constant 19 : i32
      %swap3A_319 = arith.index_cast %swap3A_318 : i32 to index
      %swap3A_320 = arith.constant 48 : index
      %swap3A_321 = tpu.vector_load %arg9[%swap3A_319, %swap3A_320] {strides = array<i32>} : memref<65x64xf32, #tpu.memory_space<vmem>>, vector<16xf32>,
      tpu.vector_store %arg9[%swap3A_319, %swap3A_320], %broadcast_in_dim3A_2 {strides = array<i32>} : memref<65x64xf32, #tpu.memory_space<vmem>>, vector<16xf32>,
      %swap3A_322 = arith.constant 20 : i32
      %swap3A_323 = arith.index_cast %swap3A_322 : i32 to index
      %swap3A_324 = arith.constant 0 : index
      %swap3A_325 = tpu.vector_load %arg9[%swap3A_323, %swap3A_324] {strides = array<i32>} : memref<65x64xf32, #tpu.memory_space<vmem>>, vector<16xf32>,
      tpu.vector_store %arg9[%swap3A_323, %swap3A_324], %broadcast_in_dim3A_2 {strides = array<i32>} : memref<65x64xf32, #tpu.memory_space<vmem>>, vector<16xf32>,
      %swap3A_326 = arith.constant 20 : i32
      %swap3A_327 = arith.index_cast %swap3A_326 : i32 to index
      %swap3A_328 = arith.constant 16 : index
      %swap3A_329 = tpu.vector_load %arg9[%swap3A_327, %swap3A_328] {strides = array<i32>} : memref<65x64xf32, #tpu.memory_space<vmem>>, vector<16xf32>,
      tpu.vector_store %arg9[%swap3A_327, %swap3A_328], %broadcast_in_dim3A_2 {strides = array<i32>} : memref<65x64xf32, #tpu.memory_space<vmem>>, vector<16xf32>,
      %swap3A_330 = arith.constant 20 : i32
      %swap3A_331 = arith.index_cast %swap3A_330 : i32 to index
      %swap3A_332 = arith.constant 32 : index
      %swap3A_333 = tpu.vector_load %arg9[%swap3A_331, %swap3A_332] {strides = array<i32>} : memref<65x64xf32, #tpu.memory_space<vmem>>, vector<16xf32>,
      tpu.vector_store %arg9[%swap3A_331, %swap3A_332], %broadcast_in_dim3A_2 {strides = array<i32>} : memref<65x64xf32, #tpu.memory_space<vmem>>, vector<16xf32>,
      %swap3A_334 = arith.constant 20 : i32
      %swap3A_335 = arith.index_cast %swap3A_334 : i32 to index
      %swap3A_336 = arith.constant 48 : index
      %swap3A_337 = tpu.vector_load %arg9[%swap3A_335, %swap3A_336] {strides = array<i32>} : memref<65x64xf32, #tpu.memory_space<vmem>>, vector<16xf32>,
      tpu.vector_store %arg9[%swap3A_335, %swap3A_336], %broadcast_in_dim3A_2 {strides = array<i32>} : memref<65x64xf32, #tpu.memory_space<vmem>>, vector<16xf32>,
      %swap3A_338 = arith.constant 21 : i32
      %swap3A_339 = arith.index_cast %swap3A_338 : i32 to index
      %swap3A_340 = arith.constant 0 : index
      %swap3A_341 = tpu.vector_load %arg9[%swap3A_339, %swap3A_340] {strides = array<i32>} : memref<65x64xf32, #tpu.memory_space<vmem>>, vector<16xf32>,
      tpu.vector_store %arg9[%swap3A_339, %swap3A_340], %broadcast_in_dim3A_2 {strides = array<i32>} : memref<65x64xf32, #tpu.memory_space<vmem>>, vector<16xf32>,
      %swap3A_342 = arith.constant 21 : i32
      %swap3A_343 = arith.index_cast %swap3A_342 : i32 to index
      %swap3A_344 = arith.constant 16 : index
      %swap3A_345 = tpu.vector_load %arg9[%swap3A_343, %swap3A_344] {strides = array<i32>} : memref<65x64xf32, #tpu.memory_space<vmem>>, vector<16xf32>,
      tpu.vector_store %arg9[%swap3A_343, %swap3A_344], %broadcast_in_dim3A_2 {strides = array<i32>} : memref<65x64xf32, #tpu.memory_space<vmem>>, vector<16xf32>,
      %swap3A_346 = arith.constant 21 : i32
      %swap3A_347 = arith.index_cast %swap3A_346 : i32 to index
      %swap3A_348 = arith.constant 32 : index
      %swap3A_349 = tpu.vector_load %arg9[%swap3A_347, %swap3A_348] {strides = array<i32>} : memref<65x64xf32, #tpu.memory_space<vmem>>, vector<16xf32>,
      tpu.vector_store %arg9[%swap3A_347, %swap3A_348], %broadcast_in_dim3A_2 {strides = array<i32>} : memref<65x64xf32, #tpu.memory_space<vmem>>, vector<16xf32>,
      %swap3A_350 = arith.constant 21 : i32
      %swap3A_351 = arith.index_cast %swap3A_350 : i32 to index
      %swap3A_352 = arith.constant 48 : index
      %swap3A_353 = tpu.vector_load %arg9[%swap3A_351, %swap3A_352] {strides = array<i32>} : memref<65x64xf32, #tpu.memory_space<vmem>>, vector<16xf32>,
      tpu.vector_store %arg9[%swap3A_351, %swap3A_352], %broadcast_in_dim3A_2 {strides = array<i32>} : memref<65x64xf32, #tpu.memory_space<vmem>>, vector<16xf32>,
      %swap3A_354 = arith.constant 22 : i32
      %swap3A_355 = arith.index_cast %swap3A_354 : i32 to index
      %swap3A_356 = arith.constant 0 : index
      %swap3A_357 = tpu.vector_load %arg9[%swap3A_355, %swap3A_356] {strides = array<i32>} : memref<65x64xf32, #tpu.memory_space<vmem>>, vector<16xf32>,
      tpu.vector_store %arg9[%swap3A_355, %swap3A_356], %broadcast_in_dim3A_2 {strides = array<i32>} : memref<65x64xf32, #tpu.memory_space<vmem>>, vector<16xf32>,
      %swap3A_358 = arith.constant 22 : i32
      %swap3A_359 = arith.index_cast %swap3A_358 : i32 to index
      %swap3A_360 = arith.constant 16 : index
      %swap3A_361 = tpu.vector_load %arg9[%swap3A_359, %swap3A_360] {strides = array<i32>} : memref<65x64xf32, #tpu.memory_space<vmem>>, vector<16xf32>,
      tpu.vector_store %arg9[%swap3A_359, %swap3A_360], %broadcast_in_dim3A_2 {strides = array<i32>} : memref<65x64xf32, #tpu.memory_space<vmem>>, vector<16xf32>,
      %swap3A_362 = arith.constant 22 : i32
      %swap3A_363 = arith.index_cast %swap3A_362 : i32 to index
      %swap3A_364 = arith.constant 32 : index
      %swap3A_365 = tpu.vector_load %arg9[%swap3A_363, %swap3A_364] {strides = array<i32>} : memref<65x64xf32, #tpu.memory_space<vmem>>, vector<16xf32>,
      tpu.vector_store %arg9[%swap3A_363, %swap3A_364], %broadcast_in_dim3A_2 {strides = array<i32>} : memref<65x64xf32, #tpu.memory_space<vmem>>, vector<16xf32>,
      %swap3A_366 = arith.constant 22 : i32
      %swap3A_367 = arith.index_cast %swap3A_366 : i32 to index
      %swap3A_368 = arith.constant 48 : index
      %swap3A_369 = tpu.vector_load %arg9[%swap3A_367, %swap3A_368] {strides = array<i32>} : memref<65x64xf32, #tpu.memory_space<vmem>>, vector<16xf32>,
      tpu.vector_store %arg9[%swap3A_367, %swap3A_368], %broadcast_in_dim3A_2 {strides = array<i32>} : memref<65x64xf32, #tpu.memory_space<vmem>>, vector<16xf32>,
      %swap3A_370 = arith.constant 23 : i32
      %swap3A_371 = arith.index_cast %swap3A_370 : i32 to index
      %swap3A_372 = arith.constant 0 : index
      %swap3A_373 = tpu.vector_load %arg9[%swap3A_371, %swap3A_372] {strides = array<i32>} : memref<65x64xf32, #tpu.memory_space<vmem>>, vector<16xf32>,
      tpu.vector_store %arg9[%swap3A_371, %swap3A_372], %broadcast_in_dim3A_2 {strides = array<i32>} : memref<65x64xf32, #tpu.memory_space<vmem>>, vector<16xf32>,
      %swap3A_374 = arith.constant 23 : i32
      %swap3A_375 = arith.index_cast %swap3A_374 : i32 to index
      %swap3A_376 = arith.constant 16 : index
      %swap3A_377 = tpu.vector_load %arg9[%swap3A_375, %swap3A_376] {strides = array<i32>} : memref<65x64xf32, #tpu.memory_space<vmem>>, vector<16xf32>,
      tpu.vector_store %arg9[%swap3A_375, %swap3A_376], %broadcast_in_dim3A_2 {strides = array<i32>} : memref<65x64xf32, #tpu.memory_space<vmem>>, vector<16xf32>,
      %swap3A_378 = arith.constant 23 : i32
      %swap3A_379 = arith.index_cast %swap3A_378 : i32 to index
      %swap3A_380 = arith.constant 32 : index
      %swap3A_381 = tpu.vector_load %arg9[%swap3A_379, %swap3A_380] {strides = array<i32>} : memref<65x64xf32, #tpu.memory_space<vmem>>, vector<16xf32>,
      tpu.vector_store %arg9[%swap3A_379, %swap3A_380], %broadcast_in_dim3A_2 {strides = array<i32>} : memref<65x64xf32, #tpu.memory_space<vmem>>, vector<16xf32>,
      %swap3A_382 = arith.constant 23 : i32
      %swap3A_383 = arith.index_cast %swap3A_382 : i32 to index
      %swap3A_384 = arith.constant 48 : index
      %swap3A_385 = tpu.vector_load %arg9[%swap3A_383, %swap3A_384] {strides = array<i32>} : memref<65x64xf32, #tpu.memory_space<vmem>>, vector<16xf32>,
      tpu.vector_store %arg9[%swap3A_383, %swap3A_384], %broadcast_in_dim3A_2 {strides = array<i32>} : memref<65x64xf32, #tpu.memory_space<vmem>>, vector<16xf32>,
      %swap3A_386 = arith.constant 24 : i32
      %swap3A_387 = arith.index_cast %swap3A_386 : i32 to index
      %swap3A_388 = arith.constant 0 : index
      %swap3A_389 = tpu.vector_load %arg9[%swap3A_387, %swap3A_388] {strides = array<i32>} : memref<65x64xf32, #tpu.memory_space<vmem>>, vector<16xf32>,
      tpu.vector_store %arg9[%swap3A_387, %swap3A_388], %broadcast_in_dim3A_2 {strides = array<i32>} : memref<65x64xf32, #tpu.memory_space<vmem>>, vector<16xf32>,
      %swap3A_390 = arith.constant 24 : i32
      %swap3A_391 = arith.index_cast %swap3A_390 : i32 to index
      %swap3A_392 = arith.constant 16 : index
      %swap3A_393 = tpu.vector_load %arg9[%swap3A_391, %swap3A_392] {strides = array<i32>} : memref<65x64xf32, #tpu.memory_space<vmem>>, vector<16xf32>,
      tpu.vector_store %arg9[%swap3A_391, %swap3A_392], %broadcast_in_dim3A_2 {strides = array<i32>} : memref<65x64xf32, #tpu.memory_space<vmem>>, vector<16xf32>,
      %swap3A_394 = arith.constant 24 : i32
      %swap3A_395 = arith.index_cast %swap3A_394 : i32 to index
      %swap3A_396 = arith.constant 32 : index
      %swap3A_397 = tpu.vector_load %arg9[%swap3A_395, %swap3A_396] {strides = array<i32>} : memref<65x64xf32, #tpu.memory_space<vmem>>, vector<16xf32>,
      tpu.vector_store %arg9[%swap3A_395, %swap3A_396], %broadcast_in_dim3A_2 {strides = array<i32>} : memref<65x64xf32, #tpu.memory_space<vmem>>, vector<16xf32>,
      %swap3A_398 = arith.constant 24 : i32
      %swap3A_399 = arith.index_cast %swap3A_398 : i32 to index
      %swap3A_400 = arith.constant 48 : index
      %swap3A_401 = tpu.vector_load %arg9[%swap3A_399, %swap3A_400] {strides = array<i32>} : memref<65x64xf32, #tpu.memory_space<vmem>>, vector<16xf32>,
      tpu.vector_store %arg9[%swap3A_399, %swap3A_400], %broadcast_in_dim3A_2 {strides = array<i32>} : memref<65x64xf32, #tpu.memory_space<vmem>>, vector<16xf32>,
      %swap3A_402 = arith.constant 25 : i32
      %swap3A_403 = arith.index_cast %swap3A_402 : i32 to index
      %swap3A_404 = arith.constant 0 : index
      %swap3A_405 = tpu.vector_load %arg9[%swap3A_403, %swap3A_404] {strides = array<i32>} : memref<65x64xf32, #tpu.memory_space<vmem>>, vector<16xf32>,
      tpu.vector_store %arg9[%swap3A_403, %swap3A_404], %broadcast_in_dim3A_2 {strides = array<i32>} : memref<65x64xf32, #tpu.memory_space<vmem>>, vector<16xf32>,
      %swap3A_406 = arith.constant 25 : i32
      %swap3A_407 = arith.index_cast %swap3A_406 : i32 to index
      %swap3A_408 = arith.constant 16 : index
      %swap3A_409 = tpu.vector_load %arg9[%swap3A_407, %swap3A_408] {strides = array<i32>} : memref<65x64xf32, #tpu.memory_space<vmem>>, vector<16xf32>,
      tpu.vector_store %arg9[%swap3A_407, %swap3A_408], %broadcast_in_dim3A_2 {strides = array<i32>} : memref<65x64xf32, #tpu.memory_space<vmem>>, vector<16xf32>,
      %swap3A_410 = arith.constant 25 : i32
      %swap3A_411 = arith.index_cast %swap3A_410 : i32 to index
      %swap3A_412 = arith.constant 32 : index
      %swap3A_413 = tpu.vector_load %arg9[%swap3A_411, %swap3A_412] {strides = array<i32>} : memref<65x64xf32, #tpu.memory_space<vmem>>, vector<16xf32>,
      tpu.vector_store %arg9[%swap3A_411, %swap3A_412], %broadcast_in_dim3A_2 {strides = array<i32>} : memref<65x64xf32, #tpu.memory_space<vmem>>, vector<16xf32>,
      %swap3A_414 = arith.constant 25 : i32
      %swap3A_415 = arith.index_cast %swap3A_414 : i32 to index
      %swap3A_416 = arith.constant 48 : index
      %swap3A_417 = tpu.vector_load %arg9[%swap3A_415, %swap3A_416] {strides = array<i32>} : memref<65x64xf32, #tpu.memory_space<vmem>>, vector<16xf32>,
      tpu.vector_store %arg9[%swap3A_415, %swap3A_416], %broadcast_in_dim3A_2 {strides = array<i32>} : memref<65x64xf32, #tpu.memory_space<vmem>>, vector<16xf32>,
      %swap3A_418 = arith.constant 26 : i32
      %swap3A_419 = arith.index_cast %swap3A_418 : i32 to index
      %swap3A_420 = arith.constant 0 : index
      %swap3A_421 = tpu.vector_load %arg9[%swap3A_419, %swap3A_420] {strides = array<i32>} : memref<65x64xf32, #tpu.memory_space<vmem>>, vector<16xf32>,
      tpu.vector_store %arg9[%swap3A_419, %swap3A_420], %broadcast_in_dim3A_2 {strides = array<i32>} : memref<65x64xf32, #tpu.memory_space<vmem>>, vector<16xf32>,
      %swap3A_422 = arith.constant 26 : i32
      %swap3A_423 = arith.index_cast %swap3A_422 : i32 to index
      %swap3A_424 = arith.constant 16 : index
      %swap3A_425 = tpu.vector_load %arg9[%swap3A_423, %swap3A_424] {strides = array<i32>} : memref<65x64xf32, #tpu.memory_space<vmem>>, vector<16xf32>,
      tpu.vector_store %arg9[%swap3A_423, %swap3A_424], %broadcast_in_dim3A_2 {strides = array<i32>} : memref<65x64xf32, #tpu.memory_space<vmem>>, vector<16xf32>,
      %swap3A_426 = arith.constant 26 : i32
      %swap3A_427 = arith.index_cast %swap3A_426 : i32 to index
      %swap3A_428 = arith.constant 32 : index
      %swap3A_429 = tpu.vector_load %arg9[%swap3A_427, %swap3A_428] {strides = array<i32>} : memref<65x64xf32, #tpu.memory_space<vmem>>, vector<16xf32>,
      tpu.vector_store %arg9[%swap3A_427, %swap3A_428], %broadcast_in_dim3A_2 {strides = array<i32>} : memref<65x64xf32, #tpu.memory_space<vmem>>, vector<16xf32>,
      %swap3A_430 = arith.constant 26 : i32
      %swap3A_431 = arith.index_cast %swap3A_430 : i32 to index
      %swap3A_432 = arith.constant 48 : index
      %swap3A_433 = tpu.vector_load %arg9[%swap3A_431, %swap3A_432] {strides = array<i32>} : memref<65x64xf32, #tpu.memory_space<vmem>>, vector<16xf32>,
      tpu.vector_store %arg9[%swap3A_431, %swap3A_432], %broadcast_in_dim3A_2 {strides = array<i32>} : memref<65x64xf32, #tpu.memory_space<vmem>>, vector<16xf32>,
      %swap3A_434 = arith.constant 27 : i32
      %swap3A_435 = arith.index_cast %swap3A_434 : i32 to index
      %swap3A_436 = arith.constant 0 : index
      %swap3A_437 = tpu.vector_load %arg9[%swap3A_435, %swap3A_436] {strides = array<i32>} : memref<65x64xf32, #tpu.memory_space<vmem>>, vector<16xf32>,
      tpu.vector_store %arg9[%swap3A_435, %swap3A_436], %broadcast_in_dim3A_2 {strides = array<i32>} : memref<65x64xf32, #tpu.memory_space<vmem>>, vector<16xf32>,
      %swap3A_438 = arith.constant 27 : i32
      %swap3A_439 = arith.index_cast %swap3A_438 : i32 to index
      %swap3A_440 = arith.constant 16 : index
      %swap3A_441 = tpu.vector_load %arg9[%swap3A_439, %swap3A_440] {strides = array<i32>} : memref<65x64xf32, #tpu.memory_space<vmem>>, vector<16xf32>,
      tpu.vector_store %arg9[%swap3A_439, %swap3A_440], %broadcast_in_dim3A_2 {strides = array<i32>} : memref<65x64xf32, #tpu.memory_space<vmem>>, vector<16xf32>,
      %swap3A_442 = arith.constant 27 : i32
      %swap3A_443 = arith.index_cast %swap3A_442 : i32 to index
      %swap3A_444 = arith.constant 32 : index
      %swap3A_445 = tpu.vector_load %arg9[%swap3A_443, %swap3A_444] {strides = array<i32>} : memref<65x64xf32, #tpu.memory_space<vmem>>, vector<16xf32>,
      tpu.vector_store %arg9[%swap3A_443, %swap3A_444], %broadcast_in_dim3A_2 {strides = array<i32>} : memref<65x64xf32, #tpu.memory_space<vmem>>, vector<16xf32>,
      %swap3A_446 = arith.constant 27 : i32
      %swap3A_447 = arith.index_cast %swap3A_446 : i32 to index
      %swap3A_448 = arith.constant 48 : index
      %swap3A_449 = tpu.vector_load %arg9[%swap3A_447, %swap3A_448] {strides = array<i32>} : memref<65x64xf32, #tpu.memory_space<vmem>>, vector<16xf32>,
      tpu.vector_store %arg9[%swap3A_447, %swap3A_448], %broadcast_in_dim3A_2 {strides = array<i32>} : memref<65x64xf32, #tpu.memory_space<vmem>>, vector<16xf32>,
      %swap3A_450 = arith.constant 28 : i32
      %swap3A_451 = arith.index_cast %swap3A_450 : i32 to index
      %swap3A_452 = arith.constant 0 : index
      %swap3A_453 = tpu.vector_load %arg9[%swap3A_451, %swap3A_452] {strides = array<i32>} : memref<65x64xf32, #tpu.memory_space<vmem>>, vector<16xf32>,
      tpu.vector_store %arg9[%swap3A_451, %swap3A_452], %broadcast_in_dim3A_2 {strides = array<i32>} : memref<65x64xf32, #tpu.memory_space<vmem>>, vector<16xf32>,
      %swap3A_454 = arith.constant 28 : i32
      %swap3A_455 = arith.index_cast %swap3A_454 : i32 to index
      %swap3A_456 = arith.constant 16 : index
      %swap3A_457 = tpu.vector_load %arg9[%swap3A_455, %swap3A_456] {strides = array<i32>} : memref<65x64xf32, #tpu.memory_space<vmem>>, vector<16xf32>,
      tpu.vector_store %arg9[%swap3A_455, %swap3A_456], %broadcast_in_dim3A_2 {strides = array<i32>} : memref<65x64xf32, #tpu.memory_space<vmem>>, vector<16xf32>,
      %swap3A_458 = arith.constant 28 : i32
      %swap3A_459 = arith.index_cast %swap3A_458 : i32 to index
      %swap3A_460 = arith.constant 32 : index
      %swap3A_461 = tpu.vector_load %arg9[%swap3A_459, %swap3A_460] {strides = array<i32>} : memref<65x64xf32, #tpu.memory_space<vmem>>, vector<16xf32>,
      tpu.vector_store %arg9[%swap3A_459, %swap3A_460], %broadcast_in_dim3A_2 {strides = array<i32>} : memref<65x64xf32, #tpu.memory_space<vmem>>, vector<16xf32>,
      %swap3A_462 = arith.constant 28 : i32
      %swap3A_463 = arith.index_cast %swap3A_462 : i32 to index
      %swap3A_464 = arith.constant 48 : index
      %swap3A_465 = tpu.vector_load %arg9[%swap3A_463, %swap3A_464] {strides = array<i32>} : memref<65x64xf32, #tpu.memory_space<vmem>>, vector<16xf32>,
      tpu.vector_store %arg9[%swap3A_463, %swap3A_464], %broadcast_in_dim3A_2 {strides = array<i32>} : memref<65x64xf32, #tpu.memory_space<vmem>>, vector<16xf32>,
      %swap3A_466 = arith.constant 29 : i32
      %swap3A_467 = arith.index_cast %swap3A_466 : i32 to index
      %swap3A_468 = arith.constant 0 : index
      %swap3A_469 = tpu.vector_load %arg9[%swap3A_467, %swap3A_468] {strides = array<i32>} : memref<65x64xf32, #tpu.memory_space<vmem>>, vector<16xf32>,
      tpu.vector_store %arg9[%swap3A_467, %swap3A_468], %broadcast_in_dim3A_2 {strides = array<i32>} : memref<65x64xf32, #tpu.memory_space<vmem>>, vector<16xf32>,
      %swap3A_470 = arith.constant 29 : i32
      %swap3A_471 = arith.index_cast %swap3A_470 : i32 to index
      %swap3A_472 = arith.constant 16 : index
      %swap3A_473 = tpu.vector_load %arg9[%swap3A_471, %swap3A_472] {strides = array<i32>} : memref<65x64xf32, #tpu.memory_space<vmem>>, vector<16xf32>,
      tpu.vector_store %arg9[%swap3A_471, %swap3A_472], %broadcast_in_dim3A_2 {strides = array<i32>} : memref<65x64xf32, #tpu.memory_space<vmem>>, vector<16xf32>,
      %swap3A_474 = arith.constant 29 : i32
      %swap3A_475 = arith.index_cast %swap3A_474 : i32 to index
      %swap3A_476 = arith.constant 32 : index
      %swap3A_477 = tpu.vector_load %arg9[%swap3A_475, %swap3A_476] {strides = array<i32>} : memref<65x64xf32, #tpu.memory_space<vmem>>, vector<16xf32>,
      tpu.vector_store %arg9[%swap3A_475, %swap3A_476], %broadcast_in_dim3A_2 {strides = array<i32>} : memref<65x64xf32, #tpu.memory_space<vmem>>, vector<16xf32>,
      %swap3A_478 = arith.constant 29 : i32
      %swap3A_479 = arith.index_cast %swap3A_478 : i32 to index
      %swap3A_480 = arith.constant 48 : index
      %swap3A_481 = tpu.vector_load %arg9[%swap3A_479, %swap3A_480] {strides = array<i32>} : memref<65x64xf32, #tpu.memory_space<vmem>>, vector<16xf32>,
      tpu.vector_store %arg9[%swap3A_479, %swap3A_480], %broadcast_in_dim3A_2 {strides = array<i32>} : memref<65x64xf32, #tpu.memory_space<vmem>>, vector<16xf32>,
      %swap3A_482 = arith.constant 30 : i32
      %swap3A_483 = arith.index_cast %swap3A_482 : i32 to index
      %swap3A_484 = arith.constant 0 : index
      %swap3A_485 = tpu.vector_load %arg9[%swap3A_483, %swap3A_484] {strides = array<i32>} : memref<65x64xf32, #tpu.memory_space<vmem>>, vector<16xf32>,
      tpu.vector_store %arg9[%swap3A_483, %swap3A_484], %broadcast_in_dim3A_2 {strides = array<i32>} : memref<65x64xf32, #tpu.memory_space<vmem>>, vector<16xf32>,
      %swap3A_486 = arith.constant 30 : i32
      %swap3A_487 = arith.index_cast %swap3A_486 : i32 to index
      %swap3A_488 = arith.constant 16 : index
      %swap3A_489 = tpu.vector_load %arg9[%swap3A_487, %swap3A_488] {strides = array<i32>} : memref<65x64xf32, #tpu.memory_space<vmem>>, vector<16xf32>,
      tpu.vector_store %arg9[%swap3A_487, %swap3A_488], %broadcast_in_dim3A_2 {strides = array<i32>} : memref<65x64xf32, #tpu.memory_space<vmem>>, vector<16xf32>,
      %swap3A_490 = arith.constant 30 : i32
      %swap3A_491 = arith.index_cast %swap3A_490 : i32 to index
      %swap3A_492 = arith.constant 32 : index
      %swap3A_493 = tpu.vector_load %arg9[%swap3A_491, %swap3A_492] {strides = array<i32>} : memref<65x64xf32, #tpu.memory_space<vmem>>, vector<16xf32>,
      tpu.vector_store %arg9[%swap3A_491, %swap3A_492], %broadcast_in_dim3A_2 {strides = array<i32>} : memref<65x64xf32, #tpu.memory_space<vmem>>, vector<16xf32>,
      %swap3A_494 = arith.constant 30 : i32
      %swap3A_495 = arith.index_cast %swap3A_494 : i32 to index
      %swap3A_496 = arith.constant 48 : index
      %swap3A_497 = tpu.vector_load %arg9[%swap3A_495, %swap3A_496] {strides = array<i32>} : memref<65x64xf32, #tpu.memory_space<vmem>>, vector<16xf32>,
      tpu.vector_store %arg9[%swap3A_495, %swap3A_496], %broadcast_in_dim3A_2 {strides = array<i32>} : memref<65x64xf32, #tpu.memory_space<vmem>>, vector<16xf32>,
      %swap3A_498 = arith.constant 31 : i32
      %swap3A_499 = arith.index_cast %swap3A_498 : i32 to index
      %swap3A_500 = arith.constant 0 : index
      %swap3A_501 = tpu.vector_load %arg9[%swap3A_499, %swap3A_500] {strides = array<i32>} : memref<65x64xf32, #tpu.memory_space<vmem>>, vector<16xf32>,
      tpu.vector_store %arg9[%swap3A_499, %swap3A_500], %broadcast_in_dim3A_2 {strides = array<i32>} : memref<65x64xf32, #tpu.memory_space<vmem>>, vector<16xf32>,
      %swap3A_502 = arith.constant 31 : i32
      %swap3A_503 = arith.index_cast %swap3A_502 : i32 to index
      %swap3A_504 = arith.constant 16 : index
      %swap3A_505 = tpu.vector_load %arg9[%swap3A_503, %swap3A_504] {strides = array<i32>} : memref<65x64xf32, #tpu.memory_space<vmem>>, vector<16xf32>,
      tpu.vector_store %arg9[%swap3A_503, %swap3A_504], %broadcast_in_dim3A_2 {strides = array<i32>} : memref<65x64xf32, #tpu.memory_space<vmem>>, vector<16xf32>,
      %swap3A_506 = arith.constant 31 : i32
      %swap3A_507 = arith.index_cast %swap3A_506 : i32 to index
      %swap3A_508 = arith.constant 32 : index
      %swap3A_509 = tpu.vector_load %arg9[%swap3A_507, %swap3A_508] {strides = array<i32>} : memref<65x64xf32, #tpu.memory_space<vmem>>, vector<16xf32>,
      tpu.vector_store %arg9[%swap3A_507, %swap3A_508], %broadcast_in_dim3A_2 {strides = array<i32>} : memref<65x64xf32, #tpu.memory_space<vmem>>, vector<16xf32>,
      %swap3A_510 = arith.constant 31 : i32
      %swap3A_511 = arith.index_cast %swap3A_510 : i32 to index
      %swap3A_512 = arith.constant 48 : index
      %swap3A_513 = tpu.vector_load %arg9[%swap3A_511, %swap3A_512] {strides = array<i32>} : memref<65x64xf32, #tpu.memory_space<vmem>>, vector<16xf32>,
      tpu.vector_store %arg9[%swap3A_511, %swap3A_512], %broadcast_in_dim3A_2 {strides = array<i32>} : memref<65x64xf32, #tpu.memory_space<vmem>>, vector<16xf32>,
      %swap3A_514 = arith.constant 32 : i32
      %swap3A_515 = arith.index_cast %swap3A_514 : i32 to index
      %swap3A_516 = arith.constant 0 : index
      %swap3A_517 = tpu.vector_load %arg9[%swap3A_515, %swap3A_516] {strides = array<i32>} : memref<65x64xf32, #tpu.memory_space<vmem>>, vector<16xf32>,
      tpu.vector_store %arg9[%swap3A_515, %swap3A_516], %broadcast_in_dim3A_2 {strides = array<i32>} : memref<65x64xf32, #tpu.memory_space<vmem>>, vector<16xf32>,
      %swap3A_518 = arith.constant 32 : i32
      %swap3A_519 = arith.index_cast %swap3A_518 : i32 to index
      %swap3A_520 = arith.constant 16 : index
      %swap3A_521 = tpu.vector_load %arg9[%swap3A_519, %swap3A_520] {strides = array<i32>} : memref<65x64xf32, #tpu.memory_space<vmem>>, vector<16xf32>,
      tpu.vector_store %arg9[%swap3A_519, %swap3A_520], %broadcast_in_dim3A_2 {strides = array<i32>} : memref<65x64xf32, #tpu.memory_space<vmem>>, vector<16xf32>,
      %swap3A_522 = arith.constant 32 : i32
      %swap3A_523 = arith.index_cast %swap3A_522 : i32 to index
      %swap3A_524 = arith.constant 32 : index
      %swap3A_525 = tpu.vector_load %arg9[%swap3A_523, %swap3A_524] {strides = array<i32>} : memref<65x64xf32, #tpu.memory_space<vmem>>, vector<16xf32>,
      tpu.vector_store %arg9[%swap3A_523, %swap3A_524], %broadcast_in_dim3A_2 {strides = array<i32>} : memref<65x64xf32, #tpu.memory_space<vmem>>, vector<16xf32>,
      %swap3A_526 = arith.constant 32 : i32
      %swap3A_527 = arith.index_cast %swap3A_526 : i32 to index
      %swap3A_528 = arith.constant 48 : index
      %swap3A_529 = tpu.vector_load %arg9[%swap3A_527, %swap3A_528] {strides = array<i32>} : memref<65x64xf32, #tpu.memory_space<vmem>>, vector<16xf32>,
      tpu.vector_store %arg9[%swap3A_527, %swap3A_528], %broadcast_in_dim3A_2 {strides = array<i32>} : memref<65x64xf32, #tpu.memory_space<vmem>>, vector<16xf32>,
      %swap3A_530 = arith.constant 33 : i32
      %swap3A_531 = arith.index_cast %swap3A_530 : i32 to index
      %swap3A_532 = arith.constant 0 : index
      %swap3A_533 = tpu.vector_load %arg9[%swap3A_531, %swap3A_532] {strides = array<i32>} : memref<65x64xf32, #tpu.memory_space<vmem>>, vector<16xf32>,
      tpu.vector_store %arg9[%swap3A_531, %swap3A_532], %broadcast_in_dim3A_2 {strides = array<i32>} : memref<65x64xf32, #tpu.memory_space<vmem>>, vector<16xf32>,
      %swap3A_534 = arith.constant 33 : i32
      %swap3A_535 = arith.index_cast %swap3A_534 : i32 to index
      %swap3A_536 = arith.constant 16 : index
      %swap3A_537 = tpu.vector_load %arg9[%swap3A_535, %swap3A_536] {strides = array<i32>} : memref<65x64xf32, #tpu.memory_space<vmem>>, vector<16xf32>,
      tpu.vector_store %arg9[%swap3A_535, %swap3A_536], %broadcast_in_dim3A_2 {strides = array<i32>} : memref<65x64xf32, #tpu.memory_space<vmem>>, vector<16xf32>,
      %swap3A_538 = arith.constant 33 : i32
      %swap3A_539 = arith.index_cast %swap3A_538 : i32 to index
      %swap3A_540 = arith.constant 32 : index
      %swap3A_541 = tpu.vector_load %arg9[%swap3A_539, %swap3A_540] {strides = array<i32>} : memref<65x64xf32, #tpu.memory_space<vmem>>, vector<16xf32>,
      tpu.vector_store %arg9[%swap3A_539, %swap3A_540], %broadcast_in_dim3A_2 {strides = array<i32>} : memref<65x64xf32, #tpu.memory_space<vmem>>, vector<16xf32>,
      %swap3A_542 = arith.constant 33 : i32
      %swap3A_543 = arith.index_cast %swap3A_542 : i32 to index
      %swap3A_544 = arith.constant 48 : index
      %swap3A_545 = tpu.vector_load %arg9[%swap3A_543, %swap3A_544] {strides = array<i32>} : memref<65x64xf32, #tpu.memory_space<vmem>>, vector<16xf32>,
      tpu.vector_store %arg9[%swap3A_543, %swap3A_544], %broadcast_in_dim3A_2 {strides = array<i32>} : memref<65x64xf32, #tpu.memory_space<vmem>>, vector<16xf32>,
      %swap3A_546 = arith.constant 34 : i32
      %swap3A_547 = arith.index_cast %swap3A_546 : i32 to index
      %swap3A_548 = arith.constant 0 : index
      %swap3A_549 = tpu.vector_load %arg9[%swap3A_547, %swap3A_548] {strides = array<i32>} : memref<65x64xf32, #tpu.memory_space<vmem>>, vector<16xf32>,
      tpu.vector_store %arg9[%swap3A_547, %swap3A_548], %broadcast_in_dim3A_2 {strides = array<i32>} : memref<65x64xf32, #tpu.memory_space<vmem>>, vector<16xf32>,
      %swap3A_550 = arith.constant 34 : i32
      %swap3A_551 = arith.index_cast %swap3A_550 : i32 to index
      %swap3A_552 = arith.constant 16 : index
      %swap3A_553 = tpu.vector_load %arg9[%swap3A_551, %swap3A_552] {strides = array<i32>} : memref<65x64xf32, #tpu.memory_space<vmem>>, vector<16xf32>,
      tpu.vector_store %arg9[%swap3A_551, %swap3A_552], %broadcast_in_dim3A_2 {strides = array<i32>} : memref<65x64xf32, #tpu.memory_space<vmem>>, vector<16xf32>,
      %swap3A_554 = arith.constant 34 : i32
      %swap3A_555 = arith.index_cast %swap3A_554 : i32 to index
      %swap3A_556 = arith.constant 32 : index
      %swap3A_557 = tpu.vector_load %arg9[%swap3A_555, %swap3A_556] {strides = array<i32>} : memref<65x64xf32, #tpu.memory_space<vmem>>, vector<16xf32>,
      tpu.vector_store %arg9[%swap3A_555, %swap3A_556], %broadcast_in_dim3A_2 {strides = array<i32>} : memref<65x64xf32, #tpu.memory_space<vmem>>, vector<16xf32>,
      %swap3A_558 = arith.constant 34 : i32
      %swap3A_559 = arith.index_cast %swap3A_558 : i32 to index
      %swap3A_560 = arith.constant 48 : index
      %swap3A_561 = tpu.vector_load %arg9[%swap3A_559, %swap3A_560] {strides = array<i32>} : memref<65x64xf32, #tpu.memory_space<vmem>>, vector<16xf32>,
      tpu.vector_store %arg9[%swap3A_559, %swap3A_560], %broadcast_in_dim3A_2 {strides = array<i32>} : memref<65x64xf32, #tpu.memory_space<vmem>>, vector<16xf32>,
      %swap3A_562 = arith.constant 35 : i32
      %swap3A_563 = arith.index_cast %swap3A_562 : i32 to index
      %swap3A_564 = arith.constant 0 : index
      %swap3A_565 = tpu.vector_load %arg9[%swap3A_563, %swap3A_564] {strides = array<i32>} : memref<65x64xf32, #tpu.memory_space<vmem>>, vector<16xf32>,
      tpu.vector_store %arg9[%swap3A_563, %swap3A_564], %broadcast_in_dim3A_2 {strides = array<i32>} : memref<65x64xf32, #tpu.memory_space<vmem>>, vector<16xf32>,
      %swap3A_566 = arith.constant 35 : i32
      %swap3A_567 = arith.index_cast %swap3A_566 : i32 to index
      %swap3A_568 = arith.constant 16 : index
      %swap3A_569 = tpu.vector_load %arg9[%swap3A_567, %swap3A_568] {strides = array<i32>} : memref<65x64xf32, #tpu.memory_space<vmem>>, vector<16xf32>,
      tpu.vector_store %arg9[%swap3A_567, %swap3A_568], %broadcast_in_dim3A_2 {strides = array<i32>} : memref<65x64xf32, #tpu.memory_space<vmem>>, vector<16xf32>,
      %swap3A_570 = arith.constant 35 : i32
      %swap3A_571 = arith.index_cast %swap3A_570 : i32 to index
      %swap3A_572 = arith.constant 32 : index
      %swap3A_573 = tpu.vector_load %arg9[%swap3A_571, %swap3A_572] {strides = array<i32>} : memref<65x64xf32, #tpu.memory_space<vmem>>, vector<16xf32>,
      tpu.vector_store %arg9[%swap3A_571, %swap3A_572], %broadcast_in_dim3A_2 {strides = array<i32>} : memref<65x64xf32, #tpu.memory_space<vmem>>, vector<16xf32>,
      %swap3A_574 = arith.constant 35 : i32
      %swap3A_575 = arith.index_cast %swap3A_574 : i32 to index
      %swap3A_576 = arith.constant 48 : index
      %swap3A_577 = tpu.vector_load %arg9[%swap3A_575, %swap3A_576] {strides = array<i32>} : memref<65x64xf32, #tpu.memory_space<vmem>>, vector<16xf32>,
      tpu.vector_store %arg9[%swap3A_575, %swap3A_576], %broadcast_in_dim3A_2 {strides = array<i32>} : memref<65x64xf32, #tpu.memory_space<vmem>>, vector<16xf32>,
      %swap3A_578 = arith.constant 36 : i32
      %swap3A_579 = arith.index_cast %swap3A_578 : i32 to index
      %swap3A_580 = arith.constant 0 : index
      %swap3A_581 = tpu.vector_load %arg9[%swap3A_579, %swap3A_580] {strides = array<i32>} : memref<65x64xf32, #tpu.memory_space<vmem>>, vector<16xf32>,
      tpu.vector_store %arg9[%swap3A_579, %swap3A_580], %broadcast_in_dim3A_2 {strides = array<i32>} : memref<65x64xf32, #tpu.memory_space<vmem>>, vector<16xf32>,
      %swap3A_582 = arith.constant 36 : i32
      %swap3A_583 = arith.index_cast %swap3A_582 : i32 to index
      %swap3A_584 = arith.constant 16 : index
      %swap3A_585 = tpu.vector_load %arg9[%swap3A_583, %swap3A_584] {strides = array<i32>} : memref<65x64xf32, #tpu.memory_space<vmem>>, vector<16xf32>,
      tpu.vector_store %arg9[%swap3A_583, %swap3A_584], %broadcast_in_dim3A_2 {strides = array<i32>} : memref<65x64xf32, #tpu.memory_space<vmem>>, vector<16xf32>,
      %swap3A_586 = arith.constant 36 : i32
      %swap3A_587 = arith.index_cast %swap3A_586 : i32 to index
      %swap3A_588 = arith.constant 32 : index
      %swap3A_589 = tpu.vector_load %arg9[%swap3A_587, %swap3A_588] {strides = array<i32>} : memref<65x64xf32, #tpu.memory_space<vmem>>, vector<16xf32>,
      tpu.vector_store %arg9[%swap3A_587, %swap3A_588], %broadcast_in_dim3A_2 {strides = array<i32>} : memref<65x64xf32, #tpu.memory_space<vmem>>, vector<16xf32>,
      %swap3A_590 = arith.constant 36 : i32
      %swap3A_591 = arith.index_cast %swap3A_590 : i32 to index
      %swap3A_592 = arith.constant 48 : index
      %swap3A_593 = tpu.vector_load %arg9[%swap3A_591, %swap3A_592] {strides = array<i32>} : memref<65x64xf32, #tpu.memory_space<vmem>>, vector<16xf32>,
      tpu.vector_store %arg9[%swap3A_591, %swap3A_592], %broadcast_in_dim3A_2 {strides = array<i32>} : memref<65x64xf32, #tpu.memory_space<vmem>>, vector<16xf32>,
      %swap3A_594 = arith.constant 37 : i32
      %swap3A_595 = arith.index_cast %swap3A_594 : i32 to index
      %swap3A_596 = arith.constant 0 : index
      %swap3A_597 = tpu.vector_load %arg9[%swap3A_595, %swap3A_596] {strides = array<i32>} : memref<65x64xf32, #tpu.memory_space<vmem>>, vector<16xf32>,
      tpu.vector_store %arg9[%swap3A_595, %swap3A_596], %broadcast_in_dim3A_2 {strides = array<i32>} : memref<65x64xf32, #tpu.memory_space<vmem>>, vector<16xf32>,
      %swap3A_598 = arith.constant 37 : i32
      %swap3A_599 = arith.index_cast %swap3A_598 : i32 to index
      %swap3A_600 = arith.constant 16 : index
      %swap3A_601 = tpu.vector_load %arg9[%swap3A_599, %swap3A_600] {strides = array<i32>} : memref<65x64xf32, #tpu.memory_space<vmem>>, vector<16xf32>,
      tpu.vector_store %arg9[%swap3A_599, %swap3A_600], %broadcast_in_dim3A_2 {strides = array<i32>} : memref<65x64xf32, #tpu.memory_space<vmem>>, vector<16xf32>,
      %swap3A_602 = arith.constant 37 : i32
      %swap3A_603 = arith.index_cast %swap3A_602 : i32 to index
      %swap3A_604 = arith.constant 32 : index
      %swap3A_605 = tpu.vector_load %arg9[%swap3A_603, %swap3A_604] {strides = array<i32>} : memref<65x64xf32, #tpu.memory_space<vmem>>, vector<16xf32>,
      tpu.vector_store %arg9[%swap3A_603, %swap3A_604], %broadcast_in_dim3A_2 {strides = array<i32>} : memref<65x64xf32, #tpu.memory_space<vmem>>, vector<16xf32>,
      %swap3A_606 = arith.constant 37 : i32
      %swap3A_607 = arith.index_cast %swap3A_606 : i32 to index
      %swap3A_608 = arith.constant 48 : index
      %swap3A_609 = tpu.vector_load %arg9[%swap3A_607, %swap3A_608] {strides = array<i32>} : memref<65x64xf32, #tpu.memory_space<vmem>>, vector<16xf32>,
      tpu.vector_store %arg9[%swap3A_607, %swap3A_608], %broadcast_in_dim3A_2 {strides = array<i32>} : memref<65x64xf32, #tpu.memory_space<vmem>>, vector<16xf32>,
      %swap3A_610 = arith.constant 38 : i32
      %swap3A_611 = arith.index_cast %swap3A_610 : i32 to index
      %swap3A_612 = arith.constant 0 : index
      %swap3A_613 = tpu.vector_load %arg9[%swap3A_611, %swap3A_612] {strides = array<i32>} : memref<65x64xf32, #tpu.memory_space<vmem>>, vector<16xf32>,
      tpu.vector_store %arg9[%swap3A_611, %swap3A_612], %broadcast_in_dim3A_2 {strides = array<i32>} : memref<65x64xf32, #tpu.memory_space<vmem>>, vector<16xf32>,
      %swap3A_614 = arith.constant 38 : i32
      %swap3A_615 = arith.index_cast %swap3A_614 : i32 to index
      %swap3A_616 = arith.constant 16 : index
      %swap3A_617 = tpu.vector_load %arg9[%swap3A_615, %swap3A_616] {strides = array<i32>} : memref<65x64xf32, #tpu.memory_space<vmem>>, vector<16xf32>,
      tpu.vector_store %arg9[%swap3A_615, %swap3A_616], %broadcast_in_dim3A_2 {strides = array<i32>} : memref<65x64xf32, #tpu.memory_space<vmem>>, vector<16xf32>,
      %swap3A_618 = arith.constant 38 : i32
      %swap3A_619 = arith.index_cast %swap3A_618 : i32 to index
      %swap3A_620 = arith.constant 32 : index
      %swap3A_621 = tpu.vector_load %arg9[%swap3A_619, %swap3A_620] {strides = array<i32>} : memref<65x64xf32, #tpu.memory_space<vmem>>, vector<16xf32>,
      tpu.vector_store %arg9[%swap3A_619, %swap3A_620], %broadcast_in_dim3A_2 {strides = array<i32>} : memref<65x64xf32, #tpu.memory_space<vmem>>, vector<16xf32>,
      %swap3A_622 = arith.constant 38 : i32
      %swap3A_623 = arith.index_cast %swap3A_622 : i32 to index
      %swap3A_624 = arith.constant 48 : index
      %swap3A_625 = tpu.vector_load %arg9[%swap3A_623, %swap3A_624] {strides = array<i32>} : memref<65x64xf32, #tpu.memory_space<vmem>>, vector<16xf32>,
      tpu.vector_store %arg9[%swap3A_623, %swap3A_624], %broadcast_in_dim3A_2 {strides = array<i32>} : memref<65x64xf32, #tpu.memory_space<vmem>>, vector<16xf32>,
      %swap3A_626 = arith.constant 39 : i32
      %swap3A_627 = arith.index_cast %swap3A_626 : i32 to index
      %swap3A_628 = arith.constant 0 : index
      %swap3A_629 = tpu.vector_load %arg9[%swap3A_627, %swap3A_628] {strides = array<i32>} : memref<65x64xf32, #tpu.memory_space<vmem>>, vector<16xf32>,
      tpu.vector_store %arg9[%swap3A_627, %swap3A_628], %broadcast_in_dim3A_2 {strides = array<i32>} : memref<65x64xf32, #tpu.memory_space<vmem>>, vector<16xf32>,
      %swap3A_630 = arith.constant 39 : i32
      %swap3A_631 = arith.index_cast %swap3A_630 : i32 to index
      %swap3A_632 = arith.constant 16 : index
      %swap3A_633 = tpu.vector_load %arg9[%swap3A_631, %swap3A_632] {strides = array<i32>} : memref<65x64xf32, #tpu.memory_space<vmem>>, vector<16xf32>,
      tpu.vector_store %arg9[%swap3A_631, %swap3A_632], %broadcast_in_dim3A_2 {strides = array<i32>} : memref<65x64xf32, #tpu.memory_space<vmem>>, vector<16xf32>,
      %swap3A_634 = arith.constant 39 : i32
      %swap3A_635 = arith.index_cast %swap3A_634 : i32 to index
      %swap3A_636 = arith.constant 32 : index
      %swap3A_637 = tpu.vector_load %arg9[%swap3A_635, %swap3A_636] {strides = array<i32>} : memref<65x64xf32, #tpu.memory_space<vmem>>, vector<16xf32>,
      tpu.vector_store %arg9[%swap3A_635, %swap3A_636], %broadcast_in_dim3A_2 {strides = array<i32>} : memref<65x64xf32, #tpu.memory_space<vmem>>, vector<16xf32>,
      %swap3A_638 = arith.constant 39 : i32
      %swap3A_639 = arith.index_cast %swap3A_638 : i32 to index
      %swap3A_640 = arith.constant 48 : index
      %swap3A_641 = tpu.vector_load %arg9[%swap3A_639, %swap3A_640] {strides = array<i32>} : memref<65x64xf32, #tpu.memory_space<vmem>>, vector<16xf32>,
      tpu.vector_store %arg9[%swap3A_639, %swap3A_640], %broadcast_in_dim3A_2 {strides = array<i32>} : memref<65x64xf32, #tpu.memory_space<vmem>>, vector<16xf32>,
      %swap3A_642 = arith.constant 40 : i32
      %swap3A_643 = arith.index_cast %swap3A_642 : i32 to index
      %swap3A_644 = arith.constant 0 : index
      %swap3A_645 = tpu.vector_load %arg9[%swap3A_643, %swap3A_644] {strides = array<i32>} : memref<65x64xf32, #tpu.memory_space<vmem>>, vector<16xf32>,
      tpu.vector_store %arg9[%swap3A_643, %swap3A_644], %broadcast_in_dim3A_2 {strides = array<i32>} : memref<65x64xf32, #tpu.memory_space<vmem>>, vector<16xf32>,
      %swap3A_646 = arith.constant 40 : i32
      %swap3A_647 = arith.index_cast %swap3A_646 : i32 to index
      %swap3A_648 = arith.constant 16 : index
      %swap3A_649 = tpu.vector_load %arg9[%swap3A_647, %swap3A_648] {strides = array<i32>} : memref<65x64xf32, #tpu.memory_space<vmem>>, vector<16xf32>,
      tpu.vector_store %arg9[%swap3A_647, %swap3A_648], %broadcast_in_dim3A_2 {strides = array<i32>} : memref<65x64xf32, #tpu.memory_space<vmem>>, vector<16xf32>,
      %swap3A_650 = arith.constant 40 : i32
      %swap3A_651 = arith.index_cast %swap3A_650 : i32 to index
      %swap3A_652 = arith.constant 32 : index
      %swap3A_653 = tpu.vector_load %arg9[%swap3A_651, %swap3A_652] {strides = array<i32>} : memref<65x64xf32, #tpu.memory_space<vmem>>, vector<16xf32>,
      tpu.vector_store %arg9[%swap3A_651, %swap3A_652], %broadcast_in_dim3A_2 {strides = array<i32>} : memref<65x64xf32, #tpu.memory_space<vmem>>, vector<16xf32>,
      %swap3A_654 = arith.constant 40 : i32
      %swap3A_655 = arith.index_cast %swap3A_654 : i32 to index
      %swap3A_656 = arith.constant 48 : index
      %swap3A_657 = tpu.vector_load %arg9[%swap3A_655, %swap3A_656] {strides = array<i32>} : memref<65x64xf32, #tpu.memory_space<vmem>>, vector<16xf32>,
      tpu.vector_store %arg9[%swap3A_655, %swap3A_656], %broadcast_in_dim3A_2 {strides = array<i32>} : memref<65x64xf32, #tpu.memory_space<vmem>>, vector<16xf32>,
      %swap3A_658 = arith.constant 41 : i32
      %swap3A_659 = arith.index_cast %swap3A_658 : i32 to index
      %swap3A_660 = arith.constant 0 : index
      %swap3A_661 = tpu.vector_load %arg9[%swap3A_659, %swap3A_660] {strides = array<i32>} : memref<65x64xf32, #tpu.memory_space<vmem>>, vector<16xf32>,
      tpu.vector_store %arg9[%swap3A_659, %swap3A_660], %broadcast_in_dim3A_2 {strides = array<i32>} : memref<65x64xf32, #tpu.memory_space<vmem>>, vector<16xf32>,
      %swap3A_662 = arith.constant 41 : i32
      %swap3A_663 = arith.index_cast %swap3A_662 : i32 to index
      %swap3A_664 = arith.constant 16 : index
      %swap3A_665 = tpu.vector_load %arg9[%swap3A_663, %swap3A_664] {strides = array<i32>} : memref<65x64xf32, #tpu.memory_space<vmem>>, vector<16xf32>,
      tpu.vector_store %arg9[%swap3A_663, %swap3A_664], %broadcast_in_dim3A_2 {strides = array<i32>} : memref<65x64xf32, #tpu.memory_space<vmem>>, vector<16xf32>,
      %swap3A_666 = arith.constant 41 : i32
      %swap3A_667 = arith.index_cast %swap3A_666 : i32 to index
      %swap3A_668 = arith.constant 32 : index
      %swap3A_669 = tpu.vector_load %arg9[%swap3A_667, %swap3A_668] {strides = array<i32>} : memref<65x64xf32, #tpu.memory_space<vmem>>, vector<16xf32>,
      tpu.vector_store %arg9[%swap3A_667, %swap3A_668], %broadcast_in_dim3A_2 {strides = array<i32>} : memref<65x64xf32, #tpu.memory_space<vmem>>, vector<16xf32>,
      %swap3A_670 = arith.constant 41 : i32
      %swap3A_671 = arith.index_cast %swap3A_670 : i32 to index
      %swap3A_672 = arith.constant 48 : index
      %swap3A_673 = tpu.vector_load %arg9[%swap3A_671, %swap3A_672] {strides = array<i32>} : memref<65x64xf32, #tpu.memory_space<vmem>>, vector<16xf32>,
      tpu.vector_store %arg9[%swap3A_671, %swap3A_672], %broadcast_in_dim3A_2 {strides = array<i32>} : memref<65x64xf32, #tpu.memory_space<vmem>>, vector<16xf32>,
      %swap3A_674 = arith.constant 42 : i32
      %swap3A_675 = arith.index_cast %swap3A_674 : i32 to index
      %swap3A_676 = arith.constant 0 : index
      %swap3A_677 = tpu.vector_load %arg9[%swap3A_675, %swap3A_676] {strides = array<i32>} : memref<65x64xf32, #tpu.memory_space<vmem>>, vector<16xf32>,
      tpu.vector_store %arg9[%swap3A_675, %swap3A_676], %broadcast_in_dim3A_2 {strides = array<i32>} : memref<65x64xf32, #tpu.memory_space<vmem>>, vector<16xf32>,
      %swap3A_678 = arith.constant 42 : i32
      %swap3A_679 = arith.index_cast %swap3A_678 : i32 to index
      %swap3A_680 = arith.constant 16 : index
      %swap3A_681 = tpu.vector_load %arg9[%swap3A_679, %swap3A_680] {strides = array<i32>} : memref<65x64xf32, #tpu.memory_space<vmem>>, vector<16xf32>,
      tpu.vector_store %arg9[%swap3A_679, %swap3A_680], %broadcast_in_dim3A_2 {strides = array<i32>} : memref<65x64xf32, #tpu.memory_space<vmem>>, vector<16xf32>,
      %swap3A_682 = arith.constant 42 : i32
      %swap3A_683 = arith.index_cast %swap3A_682 : i32 to index
      %swap3A_684 = arith.constant 32 : index
      %swap3A_685 = tpu.vector_load %arg9[%swap3A_683, %swap3A_684] {strides = array<i32>} : memref<65x64xf32, #tpu.memory_space<vmem>>, vector<16xf32>,
      tpu.vector_store %arg9[%swap3A_683, %swap3A_684], %broadcast_in_dim3A_2 {strides = array<i32>} : memref<65x64xf32, #tpu.memory_space<vmem>>, vector<16xf32>,
      %swap3A_686 = arith.constant 42 : i32
      %swap3A_687 = arith.index_cast %swap3A_686 : i32 to index
      %swap3A_688 = arith.constant 48 : index
      %swap3A_689 = tpu.vector_load %arg9[%swap3A_687, %swap3A_688] {strides = array<i32>} : memref<65x64xf32, #tpu.memory_space<vmem>>, vector<16xf32>,
      tpu.vector_store %arg9[%swap3A_687, %swap3A_688], %broadcast_in_dim3A_2 {strides = array<i32>} : memref<65x64xf32, #tpu.memory_space<vmem>>, vector<16xf32>,
      %swap3A_690 = arith.constant 43 : i32
      %swap3A_691 = arith.index_cast %swap3A_690 : i32 to index
      %swap3A_692 = arith.constant 0 : index
      %swap3A_693 = tpu.vector_load %arg9[%swap3A_691, %swap3A_692] {strides = array<i32>} : memref<65x64xf32, #tpu.memory_space<vmem>>, vector<16xf32>,
      tpu.vector_store %arg9[%swap3A_691, %swap3A_692], %broadcast_in_dim3A_2 {strides = array<i32>} : memref<65x64xf32, #tpu.memory_space<vmem>>, vector<16xf32>,
      %swap3A_694 = arith.constant 43 : i32
      %swap3A_695 = arith.index_cast %swap3A_694 : i32 to index
      %swap3A_696 = arith.constant 16 : index
      %swap3A_697 = tpu.vector_load %arg9[%swap3A_695, %swap3A_696] {strides = array<i32>} : memref<65x64xf32, #tpu.memory_space<vmem>>, vector<16xf32>,
      tpu.vector_store %arg9[%swap3A_695, %swap3A_696], %broadcast_in_dim3A_2 {strides = array<i32>} : memref<65x64xf32, #tpu.memory_space<vmem>>, vector<16xf32>,
      %swap3A_698 = arith.constant 43 : i32
      %swap3A_699 = arith.index_cast %swap3A_698 : i32 to index
      %swap3A_700 = arith.constant 32 : index
      %swap3A_701 = tpu.vector_load %arg9[%swap3A_699, %swap3A_700] {strides = array<i32>} : memref<65x64xf32, #tpu.memory_space<vmem>>, vector<16xf32>,
      tpu.vector_store %arg9[%swap3A_699, %swap3A_700], %broadcast_in_dim3A_2 {strides = array<i32>} : memref<65x64xf32, #tpu.memory_space<vmem>>, vector<16xf32>,
      %swap3A_702 = arith.constant 43 : i32
      %swap3A_703 = arith.index_cast %swap3A_702 : i32 to index
      %swap3A_704 = arith.constant 48 : index
      %swap3A_705 = tpu.vector_load %arg9[%swap3A_703, %swap3A_704] {strides = array<i32>} : memref<65x64xf32, #tpu.memory_space<vmem>>, vector<16xf32>,
      tpu.vector_store %arg9[%swap3A_703, %swap3A_704], %broadcast_in_dim3A_2 {strides = array<i32>} : memref<65x64xf32, #tpu.memory_space<vmem>>, vector<16xf32>,
      %swap3A_706 = arith.constant 44 : i32
      %swap3A_707 = arith.index_cast %swap3A_706 : i32 to index
      %swap3A_708 = arith.constant 0 : index
      %swap3A_709 = tpu.vector_load %arg9[%swap3A_707, %swap3A_708] {strides = array<i32>} : memref<65x64xf32, #tpu.memory_space<vmem>>, vector<16xf32>,
      tpu.vector_store %arg9[%swap3A_707, %swap3A_708], %broadcast_in_dim3A_2 {strides = array<i32>} : memref<65x64xf32, #tpu.memory_space<vmem>>, vector<16xf32>,
      %swap3A_710 = arith.constant 44 : i32
      %swap3A_711 = arith.index_cast %swap3A_710 : i32 to index
      %swap3A_712 = arith.constant 16 : index
      %swap3A_713 = tpu.vector_load %arg9[%swap3A_711, %swap3A_712] {strides = array<i32>} : memref<65x64xf32, #tpu.memory_space<vmem>>, vector<16xf32>,
      tpu.vector_store %arg9[%swap3A_711, %swap3A_712], %broadcast_in_dim3A_2 {strides = array<i32>} : memref<65x64xf32, #tpu.memory_space<vmem>>, vector<16xf32>,
      %swap3A_714 = arith.constant 44 : i32
      %swap3A_715 = arith.index_cast %swap3A_714 : i32 to index
      %swap3A_716 = arith.constant 32 : index
      %swap3A_717 = tpu.vector_load %arg9[%swap3A_715, %swap3A_716] {strides = array<i32>} : memref<65x64xf32, #tpu.memory_space<vmem>>, vector<16xf32>,
      tpu.vector_store %arg9[%swap3A_715, %swap3A_716], %broadcast_in_dim3A_2 {strides = array<i32>} : memref<65x64xf32, #tpu.memory_space<vmem>>, vector<16xf32>,
      %swap3A_718 = arith.constant 44 : i32
      %swap3A_719 = arith.index_cast %swap3A_718 : i32 to index
      %swap3A_720 = arith.constant 48 : index
      %swap3A_721 = tpu.vector_load %arg9[%swap3A_719, %swap3A_720] {strides = array<i32>} : memref<65x64xf32, #tpu.memory_space<vmem>>, vector<16xf32>,
      tpu.vector_store %arg9[%swap3A_719, %swap3A_720], %broadcast_in_dim3A_2 {strides = array<i32>} : memref<65x64xf32, #tpu.memory_space<vmem>>, vector<16xf32>,
      %swap3A_722 = arith.constant 45 : i32
      %swap3A_723 = arith.index_cast %swap3A_722 : i32 to index
      %swap3A_724 = arith.constant 0 : index
      %swap3A_725 = tpu.vector_load %arg9[%swap3A_723, %swap3A_724] {strides = array<i32>} : memref<65x64xf32, #tpu.memory_space<vmem>>, vector<16xf32>,
      tpu.vector_store %arg9[%swap3A_723, %swap3A_724], %broadcast_in_dim3A_2 {strides = array<i32>} : memref<65x64xf32, #tpu.memory_space<vmem>>, vector<16xf32>,
      %swap3A_726 = arith.constant 45 : i32
      %swap3A_727 = arith.index_cast %swap3A_726 : i32 to index
      %swap3A_728 = arith.constant 16 : index
      %swap3A_729 = tpu.vector_load %arg9[%swap3A_727, %swap3A_728] {strides = array<i32>} : memref<65x64xf32, #tpu.memory_space<vmem>>, vector<16xf32>,
      tpu.vector_store %arg9[%swap3A_727, %swap3A_728], %broadcast_in_dim3A_2 {strides = array<i32>} : memref<65x64xf32, #tpu.memory_space<vmem>>, vector<16xf32>,
      %swap3A_730 = arith.constant 45 : i32
      %swap3A_731 = arith.index_cast %swap3A_730 : i32 to index
      %swap3A_732 = arith.constant 32 : index
      %swap3A_733 = tpu.vector_load %arg9[%swap3A_731, %swap3A_732] {strides = array<i32>} : memref<65x64xf32, #tpu.memory_space<vmem>>, vector<16xf32>,
      tpu.vector_store %arg9[%swap3A_731, %swap3A_732], %broadcast_in_dim3A_2 {strides = array<i32>} : memref<65x64xf32, #tpu.memory_space<vmem>>, vector<16xf32>,
      %swap3A_734 = arith.constant 45 : i32
      %swap3A_735 = arith.index_cast %swap3A_734 : i32 to index
      %swap3A_736 = arith.constant 48 : index
      %swap3A_737 = tpu.vector_load %arg9[%swap3A_735, %swap3A_736] {strides = array<i32>} : memref<65x64xf32, #tpu.memory_space<vmem>>, vector<16xf32>,
      tpu.vector_store %arg9[%swap3A_735, %swap3A_736], %broadcast_in_dim3A_2 {strides = array<i32>} : memref<65x64xf32, #tpu.memory_space<vmem>>, vector<16xf32>,
      %swap3A_738 = arith.constant 46 : i32
      %swap3A_739 = arith.index_cast %swap3A_738 : i32 to index
      %swap3A_740 = arith.constant 0 : index
      %swap3A_741 = tpu.vector_load %arg9[%swap3A_739, %swap3A_740] {strides = array<i32>} : memref<65x64xf32, #tpu.memory_space<vmem>>, vector<16xf32>,
      tpu.vector_store %arg9[%swap3A_739, %swap3A_740], %broadcast_in_dim3A_2 {strides = array<i32>} : memref<65x64xf32, #tpu.memory_space<vmem>>, vector<16xf32>,
      %swap3A_742 = arith.constant 46 : i32
      %swap3A_743 = arith.index_cast %swap3A_742 : i32 to index
      %swap3A_744 = arith.constant 16 : index
      %swap3A_745 = tpu.vector_load %arg9[%swap3A_743, %swap3A_744] {strides = array<i32>} : memref<65x64xf32, #tpu.memory_space<vmem>>, vector<16xf32>,
      tpu.vector_store %arg9[%swap3A_743, %swap3A_744], %broadcast_in_dim3A_2 {strides = array<i32>} : memref<65x64xf32, #tpu.memory_space<vmem>>, vector<16xf32>,
      %swap3A_746 = arith.constant 46 : i32
      %swap3A_747 = arith.index_cast %swap3A_746 : i32 to index
      %swap3A_748 = arith.constant 32 : index
      %swap3A_749 = tpu.vector_load %arg9[%swap3A_747, %swap3A_748] {strides = array<i32>} : memref<65x64xf32, #tpu.memory_space<vmem>>, vector<16xf32>,
      tpu.vector_store %arg9[%swap3A_747, %swap3A_748], %broadcast_in_dim3A_2 {strides = array<i32>} : memref<65x64xf32, #tpu.memory_space<vmem>>, vector<16xf32>,
      %swap3A_750 = arith.constant 46 : i32
      %swap3A_751 = arith.index_cast %swap3A_750 : i32 to index
      %swap3A_752 = arith.constant 48 : index
      %swap3A_753 = tpu.vector_load %arg9[%swap3A_751, %swap3A_752] {strides = array<i32>} : memref<65x64xf32, #tpu.memory_space<vmem>>, vector<16xf32>,
      tpu.vector_store %arg9[%swap3A_751, %swap3A_752], %broadcast_in_dim3A_2 {strides = array<i32>} : memref<65x64xf32, #tpu.memory_space<vmem>>, vector<16xf32>,
      %swap3A_754 = arith.constant 47 : i32
      %swap3A_755 = arith.index_cast %swap3A_754 : i32 to index
      %swap3A_756 = arith.constant 0 : index
      %swap3A_757 = tpu.vector_load %arg9[%swap3A_755, %swap3A_756] {strides = array<i32>} : memref<65x64xf32, #tpu.memory_space<vmem>>, vector<16xf32>,
      tpu.vector_store %arg9[%swap3A_755, %swap3A_756], %broadcast_in_dim3A_2 {strides = array<i32>} : memref<65x64xf32, #tpu.memory_space<vmem>>, vector<16xf32>,
      %swap3A_758 = arith.constant 47 : i32
      %swap3A_759 = arith.index_cast %swap3A_758 : i32 to index
      %swap3A_760 = arith.constant 16 : index
      %swap3A_761 = tpu.vector_load %arg9[%swap3A_759, %swap3A_760] {strides = array<i32>} : memref<65x64xf32, #tpu.memory_space<vmem>>, vector<16xf32>,
      tpu.vector_store %arg9[%swap3A_759, %swap3A_760], %broadcast_in_dim3A_2 {strides = array<i32>} : memref<65x64xf32, #tpu.memory_space<vmem>>, vector<16xf32>,
      %swap3A_762 = arith.constant 47 : i32
      %swap3A_763 = arith.index_cast %swap3A_762 : i32 to index
      %swap3A_764 = arith.constant 32 : index
      %swap3A_765 = tpu.vector_load %arg9[%swap3A_763, %swap3A_764] {strides = array<i32>} : memref<65x64xf32, #tpu.memory_space<vmem>>, vector<16xf32>,
      tpu.vector_store %arg9[%swap3A_763, %swap3A_764], %broadcast_in_dim3A_2 {strides = array<i32>} : memref<65x64xf32, #tpu.memory_space<vmem>>, vector<16xf32>,
      %swap3A_766 = arith.constant 47 : i32
      %swap3A_767 = arith.index_cast %swap3A_766 : i32 to index
      %swap3A_768 = arith.constant 48 : index
      %swap3A_769 = tpu.vector_load %arg9[%swap3A_767, %swap3A_768] {strides = array<i32>} : memref<65x64xf32, #tpu.memory_space<vmem>>, vector<16xf32>,
      tpu.vector_store %arg9[%swap3A_767, %swap3A_768], %broadcast_in_dim3A_2 {strides = array<i32>} : memref<65x64xf32, #tpu.memory_space<vmem>>, vector<16xf32>,
      %swap3A_770 = arith.constant 48 : i32
      %swap3A_771 = arith.index_cast %swap3A_770 : i32 to index
      %swap3A_772 = arith.constant 0 : index
      %swap3A_773 = tpu.vector_load %arg9[%swap3A_771, %swap3A_772] {strides = array<i32>} : memref<65x64xf32, #tpu.memory_space<vmem>>, vector<16xf32>,
      tpu.vector_store %arg9[%swap3A_771, %swap3A_772], %broadcast_in_dim3A_2 {strides = array<i32>} : memref<65x64xf32, #tpu.memory_space<vmem>>, vector<16xf32>,
      %swap3A_774 = arith.constant 48 : i32
      %swap3A_775 = arith.index_cast %swap3A_774 : i32 to index
      %swap3A_776 = arith.constant 16 : index
      %swap3A_777 = tpu.vector_load %arg9[%swap3A_775, %swap3A_776] {strides = array<i32>} : memref<65x64xf32, #tpu.memory_space<vmem>>, vector<16xf32>,
      tpu.vector_store %arg9[%swap3A_775, %swap3A_776], %broadcast_in_dim3A_2 {strides = array<i32>} : memref<65x64xf32, #tpu.memory_space<vmem>>, vector<16xf32>,
      %swap3A_778 = arith.constant 48 : i32
      %swap3A_779 = arith.index_cast %swap3A_778 : i32 to index
      %swap3A_780 = arith.constant 32 : index
      %swap3A_781 = tpu.vector_load %arg9[%swap3A_779, %swap3A_780] {strides = array<i32>} : memref<65x64xf32, #tpu.memory_space<vmem>>, vector<16xf32>,
      tpu.vector_store %arg9[%swap3A_779, %swap3A_780], %broadcast_in_dim3A_2 {strides = array<i32>} : memref<65x64xf32, #tpu.memory_space<vmem>>, vector<16xf32>,
      %swap3A_782 = arith.constant 48 : i32
      %swap3A_783 = arith.index_cast %swap3A_782 : i32 to index
      %swap3A_784 = arith.constant 48 : index
      %swap3A_785 = tpu.vector_load %arg9[%swap3A_783, %swap3A_784] {strides = array<i32>} : memref<65x64xf32, #tpu.memory_space<vmem>>, vector<16xf32>,
      tpu.vector_store %arg9[%swap3A_783, %swap3A_784], %broadcast_in_dim3A_2 {strides = array<i32>} : memref<65x64xf32, #tpu.memory_space<vmem>>, vector<16xf32>,
      %swap3A_786 = arith.constant 49 : i32
      %swap3A_787 = arith.index_cast %swap3A_786 : i32 to index
      %swap3A_788 = arith.constant 0 : index
      %swap3A_789 = tpu.vector_load %arg9[%swap3A_787, %swap3A_788] {strides = array<i32>} : memref<65x64xf32, #tpu.memory_space<vmem>>, vector<16xf32>,
      tpu.vector_store %arg9[%swap3A_787, %swap3A_788], %broadcast_in_dim3A_2 {strides = array<i32>} : memref<65x64xf32, #tpu.memory_space<vmem>>, vector<16xf32>,
      %swap3A_790 = arith.constant 49 : i32
      %swap3A_791 = arith.index_cast %swap3A_790 : i32 to index
      %swap3A_792 = arith.constant 16 : index
      %swap3A_793 = tpu.vector_load %arg9[%swap3A_791, %swap3A_792] {strides = array<i32>} : memref<65x64xf32, #tpu.memory_space<vmem>>, vector<16xf32>,
      tpu.vector_store %arg9[%swap3A_791, %swap3A_792], %broadcast_in_dim3A_2 {strides = array<i32>} : memref<65x64xf32, #tpu.memory_space<vmem>>, vector<16xf32>,
      %swap3A_794 = arith.constant 49 : i32
      %swap3A_795 = arith.index_cast %swap3A_794 : i32 to index
      %swap3A_796 = arith.constant 32 : index
      %swap3A_797 = tpu.vector_load %arg9[%swap3A_795, %swap3A_796] {strides = array<i32>} : memref<65x64xf32, #tpu.memory_space<vmem>>, vector<16xf32>,
      tpu.vector_store %arg9[%swap3A_795, %swap3A_796], %broadcast_in_dim3A_2 {strides = array<i32>} : memref<65x64xf32, #tpu.memory_space<vmem>>, vector<16xf32>,
      %swap3A_798 = arith.constant 49 : i32
      %swap3A_799 = arith.index_cast %swap3A_798 : i32 to index
      %swap3A_800 = arith.constant 48 : index
      %swap3A_801 = tpu.vector_load %arg9[%swap3A_799, %swap3A_800] {strides = array<i32>} : memref<65x64xf32, #tpu.memory_space<vmem>>, vector<16xf32>,
      tpu.vector_store %arg9[%swap3A_799, %swap3A_800], %broadcast_in_dim3A_2 {strides = array<i32>} : memref<65x64xf32, #tpu.memory_space<vmem>>, vector<16xf32>,
      %swap3A_802 = arith.constant 50 : i32
      %swap3A_803 = arith.index_cast %swap3A_802 : i32 to index
      %swap3A_804 = arith.constant 0 : index
      %swap3A_805 = tpu.vector_load %arg9[%swap3A_803, %swap3A_804] {strides = array<i32>} : memref<65x64xf32, #tpu.memory_space<vmem>>, vector<16xf32>,
      tpu.vector_store %arg9[%swap3A_803, %swap3A_804], %broadcast_in_dim3A_2 {strides = array<i32>} : memref<65x64xf32, #tpu.memory_space<vmem>>, vector<16xf32>,
      %swap3A_806 = arith.constant 50 : i32
      %swap3A_807 = arith.index_cast %swap3A_806 : i32 to index
      %swap3A_808 = arith.constant 16 : index
      %swap3A_809 = tpu.vector_load %arg9[%swap3A_807, %swap3A_808] {strides = array<i32>} : memref<65x64xf32, #tpu.memory_space<vmem>>, vector<16xf32>,
      tpu.vector_store %arg9[%swap3A_807, %swap3A_808], %broadcast_in_dim3A_2 {strides = array<i32>} : memref<65x64xf32, #tpu.memory_space<vmem>>, vector<16xf32>,
      %swap3A_810 = arith.constant 50 : i32
      %swap3A_811 = arith.index_cast %swap3A_810 : i32 to index
      %swap3A_812 = arith.constant 32 : index
      %swap3A_813 = tpu.vector_load %arg9[%swap3A_811, %swap3A_812] {strides = array<i32>} : memref<65x64xf32, #tpu.memory_space<vmem>>, vector<16xf32>,
      tpu.vector_store %arg9[%swap3A_811, %swap3A_812], %broadcast_in_dim3A_2 {strides = array<i32>} : memref<65x64xf32, #tpu.memory_space<vmem>>, vector<16xf32>,
      %swap3A_814 = arith.constant 50 : i32
      %swap3A_815 = arith.index_cast %swap3A_814 : i32 to index
      %swap3A_816 = arith.constant 48 : index
      %swap3A_817 = tpu.vector_load %arg9[%swap3A_815, %swap3A_816] {strides = array<i32>} : memref<65x64xf32, #tpu.memory_space<vmem>>, vector<16xf32>,
      tpu.vector_store %arg9[%swap3A_815, %swap3A_816], %broadcast_in_dim3A_2 {strides = array<i32>} : memref<65x64xf32, #tpu.memory_space<vmem>>, vector<16xf32>,
      %swap3A_818 = arith.constant 51 : i32
      %swap3A_819 = arith.index_cast %swap3A_818 : i32 to index
      %swap3A_820 = arith.constant 0 : index
      %swap3A_821 = tpu.vector_load %arg9[%swap3A_819, %swap3A_820] {strides = array<i32>} : memref<65x64xf32, #tpu.memory_space<vmem>>, vector<16xf32>,
      tpu.vector_store %arg9[%swap3A_819, %swap3A_820], %broadcast_in_dim3A_2 {strides = array<i32>} : memref<65x64xf32, #tpu.memory_space<vmem>>, vector<16xf32>,
      %swap3A_822 = arith.constant 51 : i32
      %swap3A_823 = arith.index_cast %swap3A_822 : i32 to index
      %swap3A_824 = arith.constant 16 : index
      %swap3A_825 = tpu.vector_load %arg9[%swap3A_823, %swap3A_824] {strides = array<i32>} : memref<65x64xf32, #tpu.memory_space<vmem>>, vector<16xf32>,
      tpu.vector_store %arg9[%swap3A_823, %swap3A_824], %broadcast_in_dim3A_2 {strides = array<i32>} : memref<65x64xf32, #tpu.memory_space<vmem>>, vector<16xf32>,
      %swap3A_826 = arith.constant 51 : i32
      %swap3A_827 = arith.index_cast %swap3A_826 : i32 to index
      %swap3A_828 = arith.constant 32 : index
      %swap3A_829 = tpu.vector_load %arg9[%swap3A_827, %swap3A_828] {strides = array<i32>} : memref<65x64xf32, #tpu.memory_space<vmem>>, vector<16xf32>,
      tpu.vector_store %arg9[%swap3A_827, %swap3A_828], %broadcast_in_dim3A_2 {strides = array<i32>} : memref<65x64xf32, #tpu.memory_space<vmem>>, vector<16xf32>,
      %swap3A_830 = arith.constant 51 : i32
      %swap3A_831 = arith.index_cast %swap3A_830 : i32 to index
      %swap3A_832 = arith.constant 48 : index
      %swap3A_833 = tpu.vector_load %arg9[%swap3A_831, %swap3A_832] {strides = array<i32>} : memref<65x64xf32, #tpu.memory_space<vmem>>, vector<16xf32>,
      tpu.vector_store %arg9[%swap3A_831, %swap3A_832], %broadcast_in_dim3A_2 {strides = array<i32>} : memref<65x64xf32, #tpu.memory_space<vmem>>, vector<16xf32>,
      %swap3A_834 = arith.constant 52 : i32
      %swap3A_835 = arith.index_cast %swap3A_834 : i32 to index
      %swap3A_836 = arith.constant 0 : index
      %swap3A_837 = tpu.vector_load %arg9[%swap3A_835, %swap3A_836] {strides = array<i32>} : memref<65x64xf32, #tpu.memory_space<vmem>>, vector<16xf32>,
      tpu.vector_store %arg9[%swap3A_835, %swap3A_836], %broadcast_in_dim3A_2 {strides = array<i32>} : memref<65x64xf32, #tpu.memory_space<vmem>>, vector<16xf32>,
      %swap3A_838 = arith.constant 52 : i32
      %swap3A_839 = arith.index_cast %swap3A_838 : i32 to index
      %swap3A_840 = arith.constant 16 : index
      %swap3A_841 = tpu.vector_load %arg9[%swap3A_839, %swap3A_840] {strides = array<i32>} : memref<65x64xf32, #tpu.memory_space<vmem>>, vector<16xf32>,
      tpu.vector_store %arg9[%swap3A_839, %swap3A_840], %broadcast_in_dim3A_2 {strides = array<i32>} : memref<65x64xf32, #tpu.memory_space<vmem>>, vector<16xf32>,
      %swap3A_842 = arith.constant 52 : i32
      %swap3A_843 = arith.index_cast %swap3A_842 : i32 to index
      %swap3A_844 = arith.constant 32 : index
      %swap3A_845 = tpu.vector_load %arg9[%swap3A_843, %swap3A_844] {strides = array<i32>} : memref<65x64xf32, #tpu.memory_space<vmem>>, vector<16xf32>,
      tpu.vector_store %arg9[%swap3A_843, %swap3A_844], %broadcast_in_dim3A_2 {strides = array<i32>} : memref<65x64xf32, #tpu.memory_space<vmem>>, vector<16xf32>,
      %swap3A_846 = arith.constant 52 : i32
      %swap3A_847 = arith.index_cast %swap3A_846 : i32 to index
      %swap3A_848 = arith.constant 48 : index
      %swap3A_849 = tpu.vector_load %arg9[%swap3A_847, %swap3A_848] {strides = array<i32>} : memref<65x64xf32, #tpu.memory_space<vmem>>, vector<16xf32>,
      tpu.vector_store %arg9[%swap3A_847, %swap3A_848], %broadcast_in_dim3A_2 {strides = array<i32>} : memref<65x64xf32, #tpu.memory_space<vmem>>, vector<16xf32>,
      %swap3A_850 = arith.constant 53 : i32
      %swap3A_851 = arith.index_cast %swap3A_850 : i32 to index
      %swap3A_852 = arith.constant 0 : index
      %swap3A_853 = tpu.vector_load %arg9[%swap3A_851, %swap3A_852] {strides = array<i32>} : memref<65x64xf32, #tpu.memory_space<vmem>>, vector<16xf32>,
      tpu.vector_store %arg9[%swap3A_851, %swap3A_852], %broadcast_in_dim3A_2 {strides = array<i32>} : memref<65x64xf32, #tpu.memory_space<vmem>>, vector<16xf32>,
      %swap3A_854 = arith.constant 53 : i32
      %swap3A_855 = arith.index_cast %swap3A_854 : i32 to index
      %swap3A_856 = arith.constant 16 : index
      %swap3A_857 = tpu.vector_load %arg9[%swap3A_855, %swap3A_856] {strides = array<i32>} : memref<65x64xf32, #tpu.memory_space<vmem>>, vector<16xf32>,
      tpu.vector_store %arg9[%swap3A_855, %swap3A_856], %broadcast_in_dim3A_2 {strides = array<i32>} : memref<65x64xf32, #tpu.memory_space<vmem>>, vector<16xf32>,
      %swap3A_858 = arith.constant 53 : i32
      %swap3A_859 = arith.index_cast %swap3A_858 : i32 to index
      %swap3A_860 = arith.constant 32 : index
      %swap3A_861 = tpu.vector_load %arg9[%swap3A_859, %swap3A_860] {strides = array<i32>} : memref<65x64xf32, #tpu.memory_space<vmem>>, vector<16xf32>,
      tpu.vector_store %arg9[%swap3A_859, %swap3A_860], %broadcast_in_dim3A_2 {strides = array<i32>} : memref<65x64xf32, #tpu.memory_space<vmem>>, vector<16xf32>,
      %swap3A_862 = arith.constant 53 : i32
      %swap3A_863 = arith.index_cast %swap3A_862 : i32 to index
      %swap3A_864 = arith.constant 48 : index
      %swap3A_865 = tpu.vector_load %arg9[%swap3A_863, %swap3A_864] {strides = array<i32>} : memref<65x64xf32, #tpu.memory_space<vmem>>, vector<16xf32>,
      tpu.vector_store %arg9[%swap3A_863, %swap3A_864], %broadcast_in_dim3A_2 {strides = array<i32>} : memref<65x64xf32, #tpu.memory_space<vmem>>, vector<16xf32>,
      %swap3A_866 = arith.constant 54 : i32
      %swap3A_867 = arith.index_cast %swap3A_866 : i32 to index
      %swap3A_868 = arith.constant 0 : index
      %swap3A_869 = tpu.vector_load %arg9[%swap3A_867, %swap3A_868] {strides = array<i32>} : memref<65x64xf32, #tpu.memory_space<vmem>>, vector<16xf32>,
      tpu.vector_store %arg9[%swap3A_867, %swap3A_868], %broadcast_in_dim3A_2 {strides = array<i32>} : memref<65x64xf32, #tpu.memory_space<vmem>>, vector<16xf32>,
      %swap3A_870 = arith.constant 54 : i32
      %swap3A_871 = arith.index_cast %swap3A_870 : i32 to index
      %swap3A_872 = arith.constant 16 : index
      %swap3A_873 = tpu.vector_load %arg9[%swap3A_871, %swap3A_872] {strides = array<i32>} : memref<65x64xf32, #tpu.memory_space<vmem>>, vector<16xf32>,
      tpu.vector_store %arg9[%swap3A_871, %swap3A_872], %broadcast_in_dim3A_2 {strides = array<i32>} : memref<65x64xf32, #tpu.memory_space<vmem>>, vector<16xf32>,
      %swap3A_874 = arith.constant 54 : i32
      %swap3A_875 = arith.index_cast %swap3A_874 : i32 to index
      %swap3A_876 = arith.constant 32 : index
      %swap3A_877 = tpu.vector_load %arg9[%swap3A_875, %swap3A_876] {strides = array<i32>} : memref<65x64xf32, #tpu.memory_space<vmem>>, vector<16xf32>,
      tpu.vector_store %arg9[%swap3A_875, %swap3A_876], %broadcast_in_dim3A_2 {strides = array<i32>} : memref<65x64xf32, #tpu.memory_space<vmem>>, vector<16xf32>,
      %swap3A_878 = arith.constant 54 : i32
      %swap3A_879 = arith.index_cast %swap3A_878 : i32 to index
      %swap3A_880 = arith.constant 48 : index
      %swap3A_881 = tpu.vector_load %arg9[%swap3A_879, %swap3A_880] {strides = array<i32>} : memref<65x64xf32, #tpu.memory_space<vmem>>, vector<16xf32>,
      tpu.vector_store %arg9[%swap3A_879, %swap3A_880], %broadcast_in_dim3A_2 {strides = array<i32>} : memref<65x64xf32, #tpu.memory_space<vmem>>, vector<16xf32>,
      %swap3A_882 = arith.constant 55 : i32
      %swap3A_883 = arith.index_cast %swap3A_882 : i32 to index
      %swap3A_884 = arith.constant 0 : index
      %swap3A_885 = tpu.vector_load %arg9[%swap3A_883, %swap3A_884] {strides = array<i32>} : memref<65x64xf32, #tpu.memory_space<vmem>>, vector<16xf32>,
      tpu.vector_store %arg9[%swap3A_883, %swap3A_884], %broadcast_in_dim3A_2 {strides = array<i32>} : memref<65x64xf32, #tpu.memory_space<vmem>>, vector<16xf32>,
      %swap3A_886 = arith.constant 55 : i32
      %swap3A_887 = arith.index_cast %swap3A_886 : i32 to index
      %swap3A_888 = arith.constant 16 : index
      %swap3A_889 = tpu.vector_load %arg9[%swap3A_887, %swap3A_888] {strides = array<i32>} : memref<65x64xf32, #tpu.memory_space<vmem>>, vector<16xf32>,
      tpu.vector_store %arg9[%swap3A_887, %swap3A_888], %broadcast_in_dim3A_2 {strides = array<i32>} : memref<65x64xf32, #tpu.memory_space<vmem>>, vector<16xf32>,
      %swap3A_890 = arith.constant 55 : i32
      %swap3A_891 = arith.index_cast %swap3A_890 : i32 to index
      %swap3A_892 = arith.constant 32 : index
      %swap3A_893 = tpu.vector_load %arg9[%swap3A_891, %swap3A_892] {strides = array<i32>} : memref<65x64xf32, #tpu.memory_space<vmem>>, vector<16xf32>,
      tpu.vector_store %arg9[%swap3A_891, %swap3A_892], %broadcast_in_dim3A_2 {strides = array<i32>} : memref<65x64xf32, #tpu.memory_space<vmem>>, vector<16xf32>,
      %swap3A_894 = arith.constant 55 : i32
      %swap3A_895 = arith.index_cast %swap3A_894 : i32 to index
      %swap3A_896 = arith.constant 48 : index
      %swap3A_897 = tpu.vector_load %arg9[%swap3A_895, %swap3A_896] {strides = array<i32>} : memref<65x64xf32, #tpu.memory_space<vmem>>, vector<16xf32>,
      tpu.vector_store %arg9[%swap3A_895, %swap3A_896], %broadcast_in_dim3A_2 {strides = array<i32>} : memref<65x64xf32, #tpu.memory_space<vmem>>, vector<16xf32>,
      %swap3A_898 = arith.constant 56 : i32
      %swap3A_899 = arith.index_cast %swap3A_898 : i32 to index
      %swap3A_900 = arith.constant 0 : index
      %swap3A_901 = tpu.vector_load %arg9[%swap3A_899, %swap3A_900] {strides = array<i32>} : memref<65x64xf32, #tpu.memory_space<vmem>>, vector<16xf32>,
      tpu.vector_store %arg9[%swap3A_899, %swap3A_900], %broadcast_in_dim3A_2 {strides = array<i32>} : memref<65x64xf32, #tpu.memory_space<vmem>>, vector<16xf32>,
      %swap3A_902 = arith.constant 56 : i32
      %swap3A_903 = arith.index_cast %swap3A_902 : i32 to index
      %swap3A_904 = arith.constant 16 : index
      %swap3A_905 = tpu.vector_load %arg9[%swap3A_903, %swap3A_904] {strides = array<i32>} : memref<65x64xf32, #tpu.memory_space<vmem>>, vector<16xf32>,
      tpu.vector_store %arg9[%swap3A_903, %swap3A_904], %broadcast_in_dim3A_2 {strides = array<i32>} : memref<65x64xf32, #tpu.memory_space<vmem>>, vector<16xf32>,
      %swap3A_906 = arith.constant 56 : i32
      %swap3A_907 = arith.index_cast %swap3A_906 : i32 to index
      %swap3A_908 = arith.constant 32 : index
      %swap3A_909 = tpu.vector_load %arg9[%swap3A_907, %swap3A_908] {strides = array<i32>} : memref<65x64xf32, #tpu.memory_space<vmem>>, vector<16xf32>,
      tpu.vector_store %arg9[%swap3A_907, %swap3A_908], %broadcast_in_dim3A_2 {strides = array<i32>} : memref<65x64xf32, #tpu.memory_space<vmem>>, vector<16xf32>,
      %swap3A_910 = arith.constant 56 : i32
      %swap3A_911 = arith.index_cast %swap3A_910 : i32 to index
      %swap3A_912 = arith.constant 48 : index
      %swap3A_913 = tpu.vector_load %arg9[%swap3A_911, %swap3A_912] {strides = array<i32>} : memref<65x64xf32, #tpu.memory_space<vmem>>, vector<16xf32>,
      tpu.vector_store %arg9[%swap3A_911, %swap3A_912], %broadcast_in_dim3A_2 {strides = array<i32>} : memref<65x64xf32, #tpu.memory_space<vmem>>, vector<16xf32>,
      %swap3A_914 = arith.constant 57 : i32
      %swap3A_915 = arith.index_cast %swap3A_914 : i32 to index
      %swap3A_916 = arith.constant 0 : index
      %swap3A_917 = tpu.vector_load %arg9[%swap3A_915, %swap3A_916] {strides = array<i32>} : memref<65x64xf32, #tpu.memory_space<vmem>>, vector<16xf32>,
      tpu.vector_store %arg9[%swap3A_915, %swap3A_916], %broadcast_in_dim3A_2 {strides = array<i32>} : memref<65x64xf32, #tpu.memory_space<vmem>>, vector<16xf32>,
      %swap3A_918 = arith.constant 57 : i32
      %swap3A_919 = arith.index_cast %swap3A_918 : i32 to index
      %swap3A_920 = arith.constant 16 : index
      %swap3A_921 = tpu.vector_load %arg9[%swap3A_919, %swap3A_920] {strides = array<i32>} : memref<65x64xf32, #tpu.memory_space<vmem>>, vector<16xf32>,
      tpu.vector_store %arg9[%swap3A_919, %swap3A_920], %broadcast_in_dim3A_2 {strides = array<i32>} : memref<65x64xf32, #tpu.memory_space<vmem>>, vector<16xf32>,
      %swap3A_922 = arith.constant 57 : i32
      %swap3A_923 = arith.index_cast %swap3A_922 : i32 to index
      %swap3A_924 = arith.constant 32 : index
      %swap3A_925 = tpu.vector_load %arg9[%swap3A_923, %swap3A_924] {strides = array<i32>} : memref<65x64xf32, #tpu.memory_space<vmem>>, vector<16xf32>,
      tpu.vector_store %arg9[%swap3A_923, %swap3A_924], %broadcast_in_dim3A_2 {strides = array<i32>} : memref<65x64xf32, #tpu.memory_space<vmem>>, vector<16xf32>,
      %swap3A_926 = arith.constant 57 : i32
      %swap3A_927 = arith.index_cast %swap3A_926 : i32 to index
      %swap3A_928 = arith.constant 48 : index
      %swap3A_929 = tpu.vector_load %arg9[%swap3A_927, %swap3A_928] {strides = array<i32>} : memref<65x64xf32, #tpu.memory_space<vmem>>, vector<16xf32>,
      tpu.vector_store %arg9[%swap3A_927, %swap3A_928], %broadcast_in_dim3A_2 {strides = array<i32>} : memref<65x64xf32, #tpu.memory_space<vmem>>, vector<16xf32>,
      %swap3A_930 = arith.constant 58 : i32
      %swap3A_931 = arith.index_cast %swap3A_930 : i32 to index
      %swap3A_932 = arith.constant 0 : index
      %swap3A_933 = tpu.vector_load %arg9[%swap3A_931, %swap3A_932] {strides = array<i32>} : memref<65x64xf32, #tpu.memory_space<vmem>>, vector<16xf32>,
      tpu.vector_store %arg9[%swap3A_931, %swap3A_932], %broadcast_in_dim3A_2 {strides = array<i32>} : memref<65x64xf32, #tpu.memory_space<vmem>>, vector<16xf32>,
      %swap3A_934 = arith.constant 58 : i32
      %swap3A_935 = arith.index_cast %swap3A_934 : i32 to index
      %swap3A_936 = arith.constant 16 : index
      %swap3A_937 = tpu.vector_load %arg9[%swap3A_935, %swap3A_936] {strides = array<i32>} : memref<65x64xf32, #tpu.memory_space<vmem>>, vector<16xf32>,
      tpu.vector_store %arg9[%swap3A_935, %swap3A_936], %broadcast_in_dim3A_2 {strides = array<i32>} : memref<65x64xf32, #tpu.memory_space<vmem>>, vector<16xf32>,
      %swap3A_938 = arith.constant 58 : i32
      %swap3A_939 = arith.index_cast %swap3A_938 : i32 to index
      %swap3A_940 = arith.constant 32 : index
      %swap3A_941 = tpu.vector_load %arg9[%swap3A_939, %swap3A_940] {strides = array<i32>} : memref<65x64xf32, #tpu.memory_space<vmem>>, vector<16xf32>,
      tpu.vector_store %arg9[%swap3A_939, %swap3A_940], %broadcast_in_dim3A_2 {strides = array<i32>} : memref<65x64xf32, #tpu.memory_space<vmem>>, vector<16xf32>,
      %swap3A_942 = arith.constant 58 : i32
      %swap3A_943 = arith.index_cast %swap3A_942 : i32 to index
      %swap3A_944 = arith.constant 48 : index
      %swap3A_945 = tpu.vector_load %arg9[%swap3A_943, %swap3A_944] {strides = array<i32>} : memref<65x64xf32, #tpu.memory_space<vmem>>, vector<16xf32>,
      tpu.vector_store %arg9[%swap3A_943, %swap3A_944], %broadcast_in_dim3A_2 {strides = array<i32>} : memref<65x64xf32, #tpu.memory_space<vmem>>, vector<16xf32>,
      %swap3A_946 = arith.constant 59 : i32
      %swap3A_947 = arith.index_cast %swap3A_946 : i32 to index
      %swap3A_948 = arith.constant 0 : index
      %swap3A_949 = tpu.vector_load %arg9[%swap3A_947, %swap3A_948] {strides = array<i32>} : memref<65x64xf32, #tpu.memory_space<vmem>>, vector<16xf32>,
      tpu.vector_store %arg9[%swap3A_947, %swap3A_948], %broadcast_in_dim3A_2 {strides = array<i32>} : memref<65x64xf32, #tpu.memory_space<vmem>>, vector<16xf32>,
      %swap3A_950 = arith.constant 59 : i32
      %swap3A_951 = arith.index_cast %swap3A_950 : i32 to index
      %swap3A_952 = arith.constant 16 : index
      %swap3A_953 = tpu.vector_load %arg9[%swap3A_951, %swap3A_952] {strides = array<i32>} : memref<65x64xf32, #tpu.memory_space<vmem>>, vector<16xf32>,
      tpu.vector_store %arg9[%swap3A_951, %swap3A_952], %broadcast_in_dim3A_2 {strides = array<i32>} : memref<65x64xf32, #tpu.memory_space<vmem>>, vector<16xf32>,
      %swap3A_954 = arith.constant 59 : i32
      %swap3A_955 = arith.index_cast %swap3A_954 : i32 to index
      %swap3A_956 = arith.constant 32 : index
      %swap3A_957 = tpu.vector_load %arg9[%swap3A_955, %swap3A_956] {strides = array<i32>} : memref<65x64xf32, #tpu.memory_space<vmem>>, vector<16xf32>,
      tpu.vector_store %arg9[%swap3A_955, %swap3A_956], %broadcast_in_dim3A_2 {strides = array<i32>} : memref<65x64xf32, #tpu.memory_space<vmem>>, vector<16xf32>,
      %swap3A_958 = arith.constant 59 : i32
      %swap3A_959 = arith.index_cast %swap3A_958 : i32 to index
      %swap3A_960 = arith.constant 48 : index
      %swap3A_961 = tpu.vector_load %arg9[%swap3A_959, %swap3A_960] {strides = array<i32>} : memref<65x64xf32, #tpu.memory_space<vmem>>, vector<16xf32>,
      tpu.vector_store %arg9[%swap3A_959, %swap3A_960], %broadcast_in_dim3A_2 {strides = array<i32>} : memref<65x64xf32, #tpu.memory_space<vmem>>, vector<16xf32>,
      %swap3A_962 = arith.constant 60 : i32
      %swap3A_963 = arith.index_cast %swap3A_962 : i32 to index
      %swap3A_964 = arith.constant 0 : index
      %swap3A_965 = tpu.vector_load %arg9[%swap3A_963, %swap3A_964] {strides = array<i32>} : memref<65x64xf32, #tpu.memory_space<vmem>>, vector<16xf32>,
      tpu.vector_store %arg9[%swap3A_963, %swap3A_964], %broadcast_in_dim3A_2 {strides = array<i32>} : memref<65x64xf32, #tpu.memory_space<vmem>>, vector<16xf32>,
      %swap3A_966 = arith.constant 60 : i32
      %swap3A_967 = arith.index_cast %swap3A_966 : i32 to index
      %swap3A_968 = arith.constant 16 : index
      %swap3A_969 = tpu.vector_load %arg9[%swap3A_967, %swap3A_968] {strides = array<i32>} : memref<65x64xf32, #tpu.memory_space<vmem>>, vector<16xf32>,
      tpu.vector_store %arg9[%swap3A_967, %swap3A_968], %broadcast_in_dim3A_2 {strides = array<i32>} : memref<65x64xf32, #tpu.memory_space<vmem>>, vector<16xf32>,
      %swap3A_970 = arith.constant 60 : i32
      %swap3A_971 = arith.index_cast %swap3A_970 : i32 to index
      %swap3A_972 = arith.constant 32 : index
      %swap3A_973 = tpu.vector_load %arg9[%swap3A_971, %swap3A_972] {strides = array<i32>} : memref<65x64xf32, #tpu.memory_space<vmem>>, vector<16xf32>,
      tpu.vector_store %arg9[%swap3A_971, %swap3A_972], %broadcast_in_dim3A_2 {strides = array<i32>} : memref<65x64xf32, #tpu.memory_space<vmem>>, vector<16xf32>,
      %swap3A_974 = arith.constant 60 : i32
      %swap3A_975 = arith.index_cast %swap3A_974 : i32 to index
      %swap3A_976 = arith.constant 48 : index
      %swap3A_977 = tpu.vector_load %arg9[%swap3A_975, %swap3A_976] {strides = array<i32>} : memref<65x64xf32, #tpu.memory_space<vmem>>, vector<16xf32>,
      tpu.vector_store %arg9[%swap3A_975, %swap3A_976], %broadcast_in_dim3A_2 {strides = array<i32>} : memref<65x64xf32, #tpu.memory_space<vmem>>, vector<16xf32>,
      %swap3A_978 = arith.constant 61 : i32
      %swap3A_979 = arith.index_cast %swap3A_978 : i32 to index
      %swap3A_980 = arith.constant 0 : index
      %swap3A_981 = tpu.vector_load %arg9[%swap3A_979, %swap3A_980] {strides = array<i32>} : memref<65x64xf32, #tpu.memory_space<vmem>>, vector<16xf32>,
      tpu.vector_store %arg9[%swap3A_979, %swap3A_980], %broadcast_in_dim3A_2 {strides = array<i32>} : memref<65x64xf32, #tpu.memory_space<vmem>>, vector<16xf32>,
      %swap3A_982 = arith.constant 61 : i32
      %swap3A_983 = arith.index_cast %swap3A_982 : i32 to index
      %swap3A_984 = arith.constant 16 : index
      %swap3A_985 = tpu.vector_load %arg9[%swap3A_983, %swap3A_984] {strides = array<i32>} : memref<65x64xf32, #tpu.memory_space<vmem>>, vector<16xf32>,
      tpu.vector_store %arg9[%swap3A_983, %swap3A_984], %broadcast_in_dim3A_2 {strides = array<i32>} : memref<65x64xf32, #tpu.memory_space<vmem>>, vector<16xf32>,
      %swap3A_986 = arith.constant 61 : i32
      %swap3A_987 = arith.index_cast %swap3A_986 : i32 to index
      %swap3A_988 = arith.constant 32 : index
      %swap3A_989 = tpu.vector_load %arg9[%swap3A_987, %swap3A_988] {strides = array<i32>} : memref<65x64xf32, #tpu.memory_space<vmem>>, vector<16xf32>,
      tpu.vector_store %arg9[%swap3A_987, %swap3A_988], %broadcast_in_dim3A_2 {strides = array<i32>} : memref<65x64xf32, #tpu.memory_space<vmem>>, vector<16xf32>,
      %swap3A_990 = arith.constant 61 : i32
      %swap3A_991 = arith.index_cast %swap3A_990 : i32 to index
      %swap3A_992 = arith.constant 48 : index
      %swap3A_993 = tpu.vector_load %arg9[%swap3A_991, %swap3A_992] {strides = array<i32>} : memref<65x64xf32, #tpu.memory_space<vmem>>, vector<16xf32>,
      tpu.vector_store %arg9[%swap3A_991, %swap3A_992], %broadcast_in_dim3A_2 {strides = array<i32>} : memref<65x64xf32, #tpu.memory_space<vmem>>, vector<16xf32>,
      %swap3A_994 = arith.constant 62 : i32
      %swap3A_995 = arith.index_cast %swap3A_994 : i32 to index
      %swap3A_996 = arith.constant 0 : index
      %swap3A_997 = tpu.vector_load %arg9[%swap3A_995, %swap3A_996] {strides = array<i32>} : memref<65x64xf32, #tpu.memory_space<vmem>>, vector<16xf32>,
      tpu.vector_store %arg9[%swap3A_995, %swap3A_996], %broadcast_in_dim3A_2 {strides = array<i32>} : memref<65x64xf32, #tpu.memory_space<vmem>>, vector<16xf32>,
      %swap3A_998 = arith.constant 62 : i32
      %swap3A_999 = arith.index_cast %swap3A_998 : i32 to index
      %swap3A_1000 = arith.constant 16 : index
      %swap3A_1001 = tpu.vector_load %arg9[%swap3A_999, %swap3A_1000] {strides = array<i32>} : memref<65x64xf32, #tpu.memory_space<vmem>>, vector<16xf32>,
      tpu.vector_store %arg9[%swap3A_999, %swap3A_1000], %broadcast_in_dim3A_2 {strides = array<i32>} : memref<65x64xf32, #tpu.memory_space<vmem>>, vector<16xf32>,
      %swap3A_1002 = arith.constant 62 : i32
      %swap3A_1003 = arith.index_cast %swap3A_1002 : i32 to index
      %swap3A_1004 = arith.constant 32 : index
      %swap3A_1005 = tpu.vector_load %arg9[%swap3A_1003, %swap3A_1004] {strides = array<i32>} : memref<65x64xf32, #tpu.memory_space<vmem>>, vector<16xf32>,
      tpu.vector_store %arg9[%swap3A_1003, %swap3A_1004], %broadcast_in_dim3A_2 {strides = array<i32>} : memref<65x64xf32, #tpu.memory_space<vmem>>, vector<16xf32>,
      %swap3A_1006 = arith.constant 62 : i32
      %swap3A_1007 = arith.index_cast %swap3A_1006 : i32 to index
      %swap3A_1008 = arith.constant 48 : index
      %swap3A_1009 = tpu.vector_load %arg9[%swap3A_1007, %swap3A_1008] {strides = array<i32>} : memref<65x64xf32, #tpu.memory_space<vmem>>, vector<16xf32>,
      tpu.vector_store %arg9[%swap3A_1007, %swap3A_1008], %broadcast_in_dim3A_2 {strides = array<i32>} : memref<65x64xf32, #tpu.memory_space<vmem>>, vector<16xf32>,
      %swap3A_1010 = arith.constant 63 : i32
      %swap3A_1011 = arith.index_cast %swap3A_1010 : i32 to index
      %swap3A_1012 = arith.constant 0 : index
      %swap3A_1013 = tpu.vector_load %arg9[%swap3A_1011, %swap3A_1012] {strides = array<i32>} : memref<65x64xf32, #tpu.memory_space<vmem>>, vector<16xf32>,
      tpu.vector_store %arg9[%swap3A_1011, %swap3A_1012], %broadcast_in_dim3A_2 {strides = array<i32>} : memref<65x64xf32, #tpu.memory_space<vmem>>, vector<16xf32>,
      %swap3A_1014 = arith.constant 63 : i32
      %swap3A_1015 = arith.index_cast %swap3A_1014 : i32 to index
      %swap3A_1016 = arith.constant 16 : index
      %swap3A_1017 = tpu.vector_load %arg9[%swap3A_1015, %swap3A_1016] {strides = array<i32>} : memref<65x64xf32, #tpu.memory_space<vmem>>, vector<16xf32>,
      tpu.vector_store %arg9[%swap3A_1015, %swap3A_1016], %broadcast_in_dim3A_2 {strides = array<i32>} : memref<65x64xf32, #tpu.memory_space<vmem>>, vector<16xf32>,
      %swap3A_1018 = arith.constant 63 : i32
      %swap3A_1019 = arith.index_cast %swap3A_1018 : i32 to index
      %swap3A_1020 = arith.constant 32 : index
      %swap3A_1021 = tpu.vector_load %arg9[%swap3A_1019, %swap3A_1020] {strides = array<i32>} : memref<65x64xf32, #tpu.memory_space<vmem>>, vector<16xf32>,
      tpu.vector_store %arg9[%swap3A_1019, %swap3A_1020], %broadcast_in_dim3A_2 {strides = array<i32>} : memref<65x64xf32, #tpu.memory_space<vmem>>, vector<16xf32>,
      %swap3A_1022 = arith.constant 63 : i32
      %swap3A_1023 = arith.index_cast %swap3A_1022 : i32 to index
      %swap3A_1024 = arith.constant 48 : index
      %swap3A_1025 = tpu.vector_load %arg9[%swap3A_1023, %swap3A_1024] {strides = array<i32>} : memref<65x64xf32, #tpu.memory_space<vmem>>, vector<16xf32>,
      tpu.vector_store %arg9[%swap3A_1023, %swap3A_1024], %broadcast_in_dim3A_2 {strides = array<i32>} : memref<65x64xf32, #tpu.memory_space<vmem>>, vector<16xf32>,
      %swap3A_1026 = arith.constant 64 : i32
      %swap3A_1027 = arith.index_cast %swap3A_1026 : i32 to index
      %swap3A_1028 = arith.constant 0 : index
      %swap3A_1029 = tpu.vector_load %arg9[%swap3A_1027, %swap3A_1028] {strides = array<i32>} : memref<65x64xf32, #tpu.memory_space<vmem>>, vector<16xf32>,
      tpu.vector_store %arg9[%swap3A_1027, %swap3A_1028], %broadcast_in_dim3A_2 {strides = array<i32>} : memref<65x64xf32, #tpu.memory_space<vmem>>, vector<16xf32>,
      %swap3A_1030 = arith.constant 64 : i32
      %swap3A_1031 = arith.index_cast %swap3A_1030 : i32 to index
      %swap3A_1032 = arith.constant 16 : index
      %swap3A_1033 = tpu.vector_load %arg9[%swap3A_1031, %swap3A_1032] {strides = array<i32>} : memref<65x64xf32, #tpu.memory_space<vmem>>, vector<16xf32>,
      tpu.vector_store %arg9[%swap3A_1031, %swap3A_1032], %broadcast_in_dim3A_2 {strides = array<i32>} : memref<65x64xf32, #tpu.memory_space<vmem>>, vector<16xf32>,
      %swap3A_1034 = arith.constant 64 : i32
      %swap3A_1035 = arith.index_cast %swap3A_1034 : i32 to index
      %swap3A_1036 = arith.constant 32 : index
      %swap3A_1037 = tpu.vector_load %arg9[%swap3A_1035, %swap3A_1036] {strides = array<i32>} : memref<65x64xf32, #tpu.memory_space<vmem>>, vector<16xf32>,
      tpu.vector_store %arg9[%swap3A_1035, %swap3A_1036], %broadcast_in_dim3A_2 {strides = array<i32>} : memref<65x64xf32, #tpu.memory_space<vmem>>, vector<16xf32>,
      %swap3A_1038 = arith.constant 64 : i32
      %swap3A_1039 = arith.index_cast %swap3A_1038 : i32 to index
      %swap3A_1040 = arith.constant 48 : index
      %swap3A_1041 = tpu.vector_load %arg9[%swap3A_1039, %swap3A_1040] {strides = array<i32>} : memref<65x64xf32, #tpu.memory_space<vmem>>, vector<16xf32>,
      tpu.vector_store %arg9[%swap3A_1039, %swap3A_1040], %broadcast_in_dim3A_2 {strides = array<i32>} : memref<65x64xf32, #tpu.memory_space<vmem>>, vector<16xf32>,
      %broadcast_in_dim3A_1042 = arith.constant 64 : i32
      %broadcast_in_dim3A_1043 = vector.broadcast %broadcast_in_dim3A_1042 : i32 to vector<16xi32>
      tpu.wait_dma2 semaphore(%arg10 : memref<!tpu.dma_semaphore, #tpu.memory_space<semaphore_mem>>) src(%arg2 : memref<2080xi32, #tpu.memory_space<hbm>>) dst(%arg6 : memref<2080xi32, #tpu.memory_space<vmem>>)
      tpu.wait_dma2 semaphore(%arg11 : memref<!tpu.dma_semaphore, #tpu.memory_space<semaphore_mem>>) src(%arg3 : memref<2080xi32, #tpu.memory_space<hbm>>) dst(%arg7 : memref<2080xi32, #tpu.memory_space<vmem>>)
      tpu.wait_dma2 semaphore(%arg12 : memref<!tpu.dma_semaphore, #tpu.memory_space<semaphore_mem>>) src(%arg4 : memref<2080xf32, #tpu.memory_space<hbm>>) dst(%arg8 : memref<2080xf32, #tpu.memory_space<vmem>>)
      %get3A = arith.constant 0 : index
      %get3A_1044 = tpu.vector_load %arg6[%get3A] {strides = array<i32>} : memref<2080xi32, #tpu.memory_space<vmem>>, vector<16xi32>,
      %get3A_1045 = arith.constant 0 : index
      %get3A_1046 = tpu.vector_load %arg8[%get3A_1045] {strides = array<i32>} : memref<2080xf32, #tpu.memory_space<vmem>>, vector<16xf32>,
      tpu.vector_store_idx %arg9[%broadcast_in_dim3A_1043, %get3A_1044], %get3A_1046 : memref<65x64xf32, #tpu.memory_space<vmem>>[vector<16xi32>, vector<16xi32>], vector<16xf32>,
      %get3A_1047 = arith.constant 16 : index
      %get3A_1048 = tpu.vector_load %arg6[%get3A_1047] {strides = array<i32>} : memref<2080xi32, #tpu.memory_space<vmem>>, vector<16xi32>,
      %get3A_1049 = arith.constant 16 : index
      %get3A_1050 = tpu.vector_load %arg8[%get3A_1049] {strides = array<i32>} : memref<2080xf32, #tpu.memory_space<vmem>>, vector<16xf32>,
      tpu.vector_store_idx %arg9[%broadcast_in_dim3A_1043, %get3A_1048], %get3A_1050 : memref<65x64xf32, #tpu.memory_space<vmem>>[vector<16xi32>, vector<16xi32>], vector<16xf32>,
      %get3A_1051 = arith.constant 32 : index
      %get3A_1052 = tpu.vector_load %arg6[%get3A_1051] {strides = array<i32>} : memref<2080xi32, #tpu.memory_space<vmem>>, vector<16xi32>,
      %get3A_1053 = arith.constant 32 : index
      %get3A_1054 = tpu.vector_load %arg8[%get3A_1053] {strides = array<i32>} : memref<2080xf32, #tpu.memory_space<vmem>>, vector<16xf32>,
      tpu.vector_store_idx %arg9[%broadcast_in_dim3A_1043, %get3A_1052], %get3A_1054 : memref<65x64xf32, #tpu.memory_space<vmem>>[vector<16xi32>, vector<16xi32>], vector<16xf32>,
      %get3A_1055 = arith.constant 48 : index
      %get3A_1056 = tpu.vector_load %arg6[%get3A_1055] {strides = array<i32>} : memref<2080xi32, #tpu.memory_space<vmem>>, vector<16xi32>,
      %get3A_1057 = arith.constant 48 : index
      %get3A_1058 = tpu.vector_load %arg8[%get3A_1057] {strides = array<i32>} : memref<2080xf32, #tpu.memory_space<vmem>>, vector<16xf32>,
      tpu.vector_store_idx %arg9[%broadcast_in_dim3A_1043, %get3A_1056], %get3A_1058 : memref<65x64xf32, #tpu.memory_space<vmem>>[vector<16xi32>, vector<16xi32>], vector<16xf32>,
      %get3A_1059 = arith.constant 64 : index
      %get3A_1060 = tpu.vector_load %arg6[%get3A_1059] {strides = array<i32>} : memref<2080xi32, #tpu.memory_space<vmem>>, vector<16xi32>,
      %get3A_1061 = arith.constant 64 : index
      %get3A_1062 = tpu.vector_load %arg7[%get3A_1061] {strides = array<i32>} : memref<2080xi32, #tpu.memory_space<vmem>>, vector<16xi32>,
      %get3A_1063 = arith.constant 64 : index
      %get3A_1064 = tpu.vector_load %arg8[%get3A_1063] {strides = array<i32>} : memref<2080xf32, #tpu.memory_space<vmem>>, vector<16xf32>,
      tpu.vector_store_idx %arg9[%get3A_1060, %get3A_1062], %get3A_1064 : memref<65x64xf32, #tpu.memory_space<vmem>>[vector<16xi32>, vector<16xi32>], vector<16xf32>,
      %get3A_1065 = arith.constant 80 : index
      %get3A_1066 = tpu.vector_load %arg6[%get3A_1065] {strides = array<i32>} : memref<2080xi32, #tpu.memory_space<vmem>>, vector<16xi32>,
      %get3A_1067 = arith.constant 80 : index
      %get3A_1068 = tpu.vector_load %arg7[%get3A_1067] {strides = array<i32>} : memref<2080xi32, #tpu.memory_space<vmem>>, vector<16xi32>,
      %get3A_1069 = arith.constant 80 : index
      %get3A_1070 = tpu.vector_load %arg8[%get3A_1069] {strides = array<i32>} : memref<2080xf32, #tpu.memory_space<vmem>>, vector<16xf32>,
      tpu.vector_store_idx %arg9[%get3A_1066, %get3A_1068], %get3A_1070 : memref<65x64xf32, #tpu.memory_space<vmem>>[vector<16xi32>, vector<16xi32>], vector<16xf32>,
      %get3A_1071 = arith.constant 96 : index
      %get3A_1072 = tpu.vector_load %arg6[%get3A_1071] {strides = array<i32>} : memref<2080xi32, #tpu.memory_space<vmem>>, vector<16xi32>,
      %get3A_1073 = arith.constant 96 : index
      %get3A_1074 = tpu.vector_load %arg7[%get3A_1073] {strides = array<i32>} : memref<2080xi32, #tpu.memory_space<vmem>>, vector<16xi32>,
      %get3A_1075 = arith.constant 96 : index
      %get3A_1076 = tpu.vector_load %arg8[%get3A_1075] {strides = array<i32>} : memref<2080xf32, #tpu.memory_space<vmem>>, vector<16xf32>,
      tpu.vector_store_idx %arg9[%get3A_1072, %get3A_1074], %get3A_1076 : memref<65x64xf32, #tpu.memory_space<vmem>>[vector<16xi32>, vector<16xi32>], vector<16xf32>,
      %get3A_1077 = arith.constant 112 : index
      %get3A_1078 = tpu.vector_load %arg6[%get3A_1077] {strides = array<i32>} : memref<2080xi32, #tpu.memory_space<vmem>>, vector<16xi32>,
      %get3A_1079 = arith.constant 112 : index
      %get3A_1080 = tpu.vector_load %arg7[%get3A_1079] {strides = array<i32>} : memref<2080xi32, #tpu.memory_space<vmem>>, vector<16xi32>,
      %get3A_1081 = arith.constant 112 : index
      %get3A_1082 = tpu.vector_load %arg8[%get3A_1081] {strides = array<i32>} : memref<2080xf32, #tpu.memory_space<vmem>>, vector<16xf32>,
      tpu.vector_store_idx %arg9[%get3A_1078, %get3A_1080], %get3A_1082 : memref<65x64xf32, #tpu.memory_space<vmem>>[vector<16xi32>, vector<16xi32>], vector<16xf32>,
      %get3A_1083 = arith.constant 128 : index
      %get3A_1084 = tpu.vector_load %arg6[%get3A_1083] {strides = array<i32>} : memref<2080xi32, #tpu.memory_space<vmem>>, vector<16xi32>,
      %get3A_1085 = arith.constant 128 : index
      %get3A_1086 = tpu.vector_load %arg7[%get3A_1085] {strides = array<i32>} : memref<2080xi32, #tpu.memory_space<vmem>>, vector<16xi32>,
      %get3A_1087 = arith.constant 128 : index
      %get3A_1088 = tpu.vector_load %arg8[%get3A_1087] {strides = array<i32>} : memref<2080xf32, #tpu.memory_space<vmem>>, vector<16xf32>,
      tpu.vector_store_idx %arg9[%get3A_1084, %get3A_1086], %get3A_1088 : memref<65x64xf32, #tpu.memory_space<vmem>>[vector<16xi32>, vector<16xi32>], vector<16xf32>,
      %get3A_1089 = arith.constant 144 : index
      %get3A_1090 = tpu.vector_load %arg6[%get3A_1089] {strides = array<i32>} : memref<2080xi32, #tpu.memory_space<vmem>>, vector<16xi32>,
      %get3A_1091 = arith.constant 144 : index
      %get3A_1092 = tpu.vector_load %arg7[%get3A_1091] {strides = array<i32>} : memref<2080xi32, #tpu.memory_space<vmem>>, vector<16xi32>,
      %get3A_1093 = arith.constant 144 : index
      %get3A_1094 = tpu.vector_load %arg8[%get3A_1093] {strides = array<i32>} : memref<2080xf32, #tpu.memory_space<vmem>>, vector<16xf32>,
      tpu.vector_store_idx %arg9[%get3A_1090, %get3A_1092], %get3A_1094 : memref<65x64xf32, #tpu.memory_space<vmem>>[vector<16xi32>, vector<16xi32>], vector<16xf32>,
      %get3A_1095 = arith.constant 160 : index
      %get3A_1096 = tpu.vector_load %arg6[%get3A_1095] {strides = array<i32>} : memref<2080xi32, #tpu.memory_space<vmem>>, vector<16xi32>,
      %get3A_1097 = arith.constant 160 : index
      %get3A_1098 = tpu.vector_load %arg7[%get3A_1097] {strides = array<i32>} : memref<2080xi32, #tpu.memory_space<vmem>>, vector<16xi32>,
      %get3A_1099 = arith.constant 160 : index
      %get3A_1100 = tpu.vector_load %arg8[%get3A_1099] {strides = array<i32>} : memref<2080xf32, #tpu.memory_space<vmem>>, vector<16xf32>,
      tpu.vector_store_idx %arg9[%get3A_1096, %get3A_1098], %get3A_1100 : memref<65x64xf32, #tpu.memory_space<vmem>>[vector<16xi32>, vector<16xi32>], vector<16xf32>,
      %get3A_1101 = arith.constant 176 : index
      %get3A_1102 = tpu.vector_load %arg6[%get3A_1101] {strides = array<i32>} : memref<2080xi32, #tpu.memory_space<vmem>>, vector<16xi32>,
      %get3A_1103 = arith.constant 176 : index
      %get3A_1104 = tpu.vector_load %arg7[%get3A_1103] {strides = array<i32>} : memref<2080xi32, #tpu.memory_space<vmem>>, vector<16xi32>,
      %get3A_1105 = arith.constant 176 : index
      %get3A_1106 = tpu.vector_load %arg8[%get3A_1105] {strides = array<i32>} : memref<2080xf32, #tpu.memory_space<vmem>>, vector<16xf32>,
      tpu.vector_store_idx %arg9[%get3A_1102, %get3A_1104], %get3A_1106 : memref<65x64xf32, #tpu.memory_space<vmem>>[vector<16xi32>, vector<16xi32>], vector<16xf32>,
      %get3A_1107 = arith.constant 192 : index
      %get3A_1108 = tpu.vector_load %arg6[%get3A_1107] {strides = array<i32>} : memref<2080xi32, #tpu.memory_space<vmem>>, vector<16xi32>,
      %get3A_1109 = arith.constant 192 : index
      %get3A_1110 = tpu.vector_load %arg7[%get3A_1109] {strides = array<i32>} : memref<2080xi32, #tpu.memory_space<vmem>>, vector<16xi32>,
      %get3A_1111 = arith.constant 192 : index
      %get3A_1112 = tpu.vector_load %arg8[%get3A_1111] {strides = array<i32>} : memref<2080xf32, #tpu.memory_space<vmem>>, vector<16xf32>,
      tpu.vector_store_idx %arg9[%get3A_1108, %get3A_1110], %get3A_1112 : memref<65x64xf32, #tpu.memory_space<vmem>>[vector<16xi32>, vector<16xi32>], vector<16xf32>,
      %get3A_1113 = arith.constant 208 : index
      %get3A_1114 = tpu.vector_load %arg6[%get3A_1113] {strides = array<i32>} : memref<2080xi32, #tpu.memory_space<vmem>>, vector<16xi32>,
      %get3A_1115 = arith.constant 208 : index
      %get3A_1116 = tpu.vector_load %arg7[%get3A_1115] {strides = array<i32>} : memref<2080xi32, #tpu.memory_space<vmem>>, vector<16xi32>,
      %get3A_1117 = arith.constant 208 : index
      %get3A_1118 = tpu.vector_load %arg8[%get3A_1117] {strides = array<i32>} : memref<2080xf32, #tpu.memory_space<vmem>>, vector<16xf32>,
      tpu.vector_store_idx %arg9[%get3A_1114, %get3A_1116], %get3A_1118 : memref<65x64xf32, #tpu.memory_space<vmem>>[vector<16xi32>, vector<16xi32>], vector<16xf32>,
      %get3A_1119 = arith.constant 224 : index
      %get3A_1120 = tpu.vector_load %arg6[%get3A_1119] {strides = array<i32>} : memref<2080xi32, #tpu.memory_space<vmem>>, vector<16xi32>,
      %get3A_1121 = arith.constant 224 : index
      %get3A_1122 = tpu.vector_load %arg7[%get3A_1121] {strides = array<i32>} : memref<2080xi32, #tpu.memory_space<vmem>>, vector<16xi32>,
      %get3A_1123 = arith.constant 224 : index
      %get3A_1124 = tpu.vector_load %arg8[%get3A_1123] {strides = array<i32>} : memref<2080xf32, #tpu.memory_space<vmem>>, vector<16xf32>,
      tpu.vector_store_idx %arg9[%get3A_1120, %get3A_1122], %get3A_1124 : memref<65x64xf32, #tpu.memory_space<vmem>>[vector<16xi32>, vector<16xi32>], vector<16xf32>,
      %get3A_1125 = arith.constant 240 : index
      %get3A_1126 = tpu.vector_load %arg6[%get3A_1125] {strides = array<i32>} : memref<2080xi32, #tpu.memory_space<vmem>>, vector<16xi32>,
      %get3A_1127 = arith.constant 240 : index
      %get3A_1128 = tpu.vector_load %arg7[%get3A_1127] {strides = array<i32>} : memref<2080xi32, #tpu.memory_space<vmem>>, vector<16xi32>,
      %get3A_1129 = arith.constant 240 : index
      %get3A_1130 = tpu.vector_load %arg8[%get3A_1129] {strides = array<i32>} : memref<2080xf32, #tpu.memory_space<vmem>>, vector<16xf32>,
      tpu.vector_store_idx %arg9[%get3A_1126, %get3A_1128], %get3A_1130 : memref<65x64xf32, #tpu.memory_space<vmem>>[vector<16xi32>, vector<16xi32>], vector<16xf32>,
      %get3A_1131 = arith.constant 256 : index
      %get3A_1132 = tpu.vector_load %arg6[%get3A_1131] {strides = array<i32>} : memref<2080xi32, #tpu.memory_space<vmem>>, vector<16xi32>,
      %get3A_1133 = arith.constant 256 : index
      %get3A_1134 = tpu.vector_load %arg7[%get3A_1133] {strides = array<i32>} : memref<2080xi32, #tpu.memory_space<vmem>>, vector<16xi32>,
      %get3A_1135 = arith.constant 256 : index
      %get3A_1136 = tpu.vector_load %arg8[%get3A_1135] {strides = array<i32>} : memref<2080xf32, #tpu.memory_space<vmem>>, vector<16xf32>,
      tpu.vector_store_idx %arg9[%get3A_1132, %get3A_1134], %get3A_1136 : memref<65x64xf32, #tpu.memory_space<vmem>>[vector<16xi32>, vector<16xi32>], vector<16xf32>,
      %get3A_1137 = arith.constant 272 : index
      %get3A_1138 = tpu.vector_load %arg6[%get3A_1137] {strides = array<i32>} : memref<2080xi32, #tpu.memory_space<vmem>>, vector<16xi32>,
      %get3A_1139 = arith.constant 272 : index
      %get3A_1140 = tpu.vector_load %arg7[%get3A_1139] {strides = array<i32>} : memref<2080xi32, #tpu.memory_space<vmem>>, vector<16xi32>,
      %get3A_1141 = arith.constant 272 : index
      %get3A_1142 = tpu.vector_load %arg8[%get3A_1141] {strides = array<i32>} : memref<2080xf32, #tpu.memory_space<vmem>>, vector<16xf32>,
      tpu.vector_store_idx %arg9[%get3A_1138, %get3A_1140], %get3A_1142 : memref<65x64xf32, #tpu.memory_space<vmem>>[vector<16xi32>, vector<16xi32>], vector<16xf32>,
      %get3A_1143 = arith.constant 288 : index
      %get3A_1144 = tpu.vector_load %arg6[%get3A_1143] {strides = array<i32>} : memref<2080xi32, #tpu.memory_space<vmem>>, vector<16xi32>,
      %get3A_1145 = arith.constant 288 : index
      %get3A_1146 = tpu.vector_load %arg7[%get3A_1145] {strides = array<i32>} : memref<2080xi32, #tpu.memory_space<vmem>>, vector<16xi32>,
      %get3A_1147 = arith.constant 288 : index
      %get3A_1148 = tpu.vector_load %arg8[%get3A_1147] {strides = array<i32>} : memref<2080xf32, #tpu.memory_space<vmem>>, vector<16xf32>,
      tpu.vector_store_idx %arg9[%get3A_1144, %get3A_1146], %get3A_1148 : memref<65x64xf32, #tpu.memory_space<vmem>>[vector<16xi32>, vector<16xi32>], vector<16xf32>,
      %get3A_1149 = arith.constant 304 : index
      %get3A_1150 = tpu.vector_load %arg6[%get3A_1149] {strides = array<i32>} : memref<2080xi32, #tpu.memory_space<vmem>>, vector<16xi32>,
      %get3A_1151 = arith.constant 304 : index
      %get3A_1152 = tpu.vector_load %arg7[%get3A_1151] {strides = array<i32>} : memref<2080xi32, #tpu.memory_space<vmem>>, vector<16xi32>,
      %get3A_1153 = arith.constant 304 : index
      %get3A_1154 = tpu.vector_load %arg8[%get3A_1153] {strides = array<i32>} : memref<2080xf32, #tpu.memory_space<vmem>>, vector<16xf32>,
      tpu.vector_store_idx %arg9[%get3A_1150, %get3A_1152], %get3A_1154 : memref<65x64xf32, #tpu.memory_space<vmem>>[vector<16xi32>, vector<16xi32>], vector<16xf32>,
      %get3A_1155 = arith.constant 320 : index
      %get3A_1156 = tpu.vector_load %arg6[%get3A_1155] {strides = array<i32>} : memref<2080xi32, #tpu.memory_space<vmem>>, vector<16xi32>,
      %get3A_1157 = arith.constant 320 : index
      %get3A_1158 = tpu.vector_load %arg7[%get3A_1157] {strides = array<i32>} : memref<2080xi32, #tpu.memory_space<vmem>>, vector<16xi32>,
      %get3A_1159 = arith.constant 320 : index
      %get3A_1160 = tpu.vector_load %arg8[%get3A_1159] {strides = array<i32>} : memref<2080xf32, #tpu.memory_space<vmem>>, vector<16xf32>,
      tpu.vector_store_idx %arg9[%get3A_1156, %get3A_1158], %get3A_1160 : memref<65x64xf32, #tpu.memory_space<vmem>>[vector<16xi32>, vector<16xi32>], vector<16xf32>,
      %get3A_1161 = arith.constant 336 : index
      %get3A_1162 = tpu.vector_load %arg6[%get3A_1161] {strides = array<i32>} : memref<2080xi32, #tpu.memory_space<vmem>>, vector<16xi32>,
      %get3A_1163 = arith.constant 336 : index
      %get3A_1164 = tpu.vector_load %arg7[%get3A_1163] {strides = array<i32>} : memref<2080xi32, #tpu.memory_space<vmem>>, vector<16xi32>,
      %get3A_1165 = arith.constant 336 : index
      %get3A_1166 = tpu.vector_load %arg8[%get3A_1165] {strides = array<i32>} : memref<2080xf32, #tpu.memory_space<vmem>>, vector<16xf32>,
      tpu.vector_store_idx %arg9[%get3A_1162, %get3A_1164], %get3A_1166 : memref<65x64xf32, #tpu.memory_space<vmem>>[vector<16xi32>, vector<16xi32>], vector<16xf32>,
      %get3A_1167 = arith.constant 352 : index
      %get3A_1168 = tpu.vector_load %arg6[%get3A_1167] {strides = array<i32>} : memref<2080xi32, #tpu.memory_space<vmem>>, vector<16xi32>,
      %get3A_1169 = arith.constant 352 : index
      %get3A_1170 = tpu.vector_load %arg7[%get3A_1169] {strides = array<i32>} : memref<2080xi32, #tpu.memory_space<vmem>>, vector<16xi32>,
      %get3A_1171 = arith.constant 352 : index
      %get3A_1172 = tpu.vector_load %arg8[%get3A_1171] {strides = array<i32>} : memref<2080xf32, #tpu.memory_space<vmem>>, vector<16xf32>,
      tpu.vector_store_idx %arg9[%get3A_1168, %get3A_1170], %get3A_1172 : memref<65x64xf32, #tpu.memory_space<vmem>>[vector<16xi32>, vector<16xi32>], vector<16xf32>,
      %get3A_1173 = arith.constant 368 : index
      %get3A_1174 = tpu.vector_load %arg6[%get3A_1173] {strides = array<i32>} : memref<2080xi32, #tpu.memory_space<vmem>>, vector<16xi32>,
      %get3A_1175 = arith.constant 368 : index
      %get3A_1176 = tpu.vector_load %arg7[%get3A_1175] {strides = array<i32>} : memref<2080xi32, #tpu.memory_space<vmem>>, vector<16xi32>,
      %get3A_1177 = arith.constant 368 : index
      %get3A_1178 = tpu.vector_load %arg8[%get3A_1177] {strides = array<i32>} : memref<2080xf32, #tpu.memory_space<vmem>>, vector<16xf32>,
      tpu.vector_store_idx %arg9[%get3A_1174, %get3A_1176], %get3A_1178 : memref<65x64xf32, #tpu.memory_space<vmem>>[vector<16xi32>, vector<16xi32>], vector<16xf32>,
      %get3A_1179 = arith.constant 384 : index
      %get3A_1180 = tpu.vector_load %arg6[%get3A_1179] {strides = array<i32>} : memref<2080xi32, #tpu.memory_space<vmem>>, vector<16xi32>,
      %get3A_1181 = arith.constant 384 : index
      %get3A_1182 = tpu.vector_load %arg7[%get3A_1181] {strides = array<i32>} : memref<2080xi32, #tpu.memory_space<vmem>>, vector<16xi32>,
      %get3A_1183 = arith.constant 384 : index
      %get3A_1184 = tpu.vector_load %arg8[%get3A_1183] {strides = array<i32>} : memref<2080xf32, #tpu.memory_space<vmem>>, vector<16xf32>,
      tpu.vector_store_idx %arg9[%get3A_1180, %get3A_1182], %get3A_1184 : memref<65x64xf32, #tpu.memory_space<vmem>>[vector<16xi32>, vector<16xi32>], vector<16xf32>,
      %get3A_1185 = arith.constant 400 : index
      %get3A_1186 = tpu.vector_load %arg6[%get3A_1185] {strides = array<i32>} : memref<2080xi32, #tpu.memory_space<vmem>>, vector<16xi32>,
      %get3A_1187 = arith.constant 400 : index
      %get3A_1188 = tpu.vector_load %arg7[%get3A_1187] {strides = array<i32>} : memref<2080xi32, #tpu.memory_space<vmem>>, vector<16xi32>,
      %get3A_1189 = arith.constant 400 : index
      %get3A_1190 = tpu.vector_load %arg8[%get3A_1189] {strides = array<i32>} : memref<2080xf32, #tpu.memory_space<vmem>>, vector<16xf32>,
      tpu.vector_store_idx %arg9[%get3A_1186, %get3A_1188], %get3A_1190 : memref<65x64xf32, #tpu.memory_space<vmem>>[vector<16xi32>, vector<16xi32>], vector<16xf32>,
      %get3A_1191 = arith.constant 416 : index
      %get3A_1192 = tpu.vector_load %arg6[%get3A_1191] {strides = array<i32>} : memref<2080xi32, #tpu.memory_space<vmem>>, vector<16xi32>,
      %get3A_1193 = arith.constant 416 : index
      %get3A_1194 = tpu.vector_load %arg7[%get3A_1193] {strides = array<i32>} : memref<2080xi32, #tpu.memory_space<vmem>>, vector<16xi32>,
      %get3A_1195 = arith.constant 416 : index
      %get3A_1196 = tpu.vector_load %arg8[%get3A_1195] {strides = array<i32>} : memref<2080xf32, #tpu.memory_space<vmem>>, vector<16xf32>,
      tpu.vector_store_idx %arg9[%get3A_1192, %get3A_1194], %get3A_1196 : memref<65x64xf32, #tpu.memory_space<vmem>>[vector<16xi32>, vector<16xi32>], vector<16xf32>,
      %get3A_1197 = arith.constant 432 : index
      %get3A_1198 = tpu.vector_load %arg6[%get3A_1197] {strides = array<i32>} : memref<2080xi32, #tpu.memory_space<vmem>>, vector<16xi32>,
      %get3A_1199 = arith.constant 432 : index
      %get3A_1200 = tpu.vector_load %arg7[%get3A_1199] {strides = array<i32>} : memref<2080xi32, #tpu.memory_space<vmem>>, vector<16xi32>,
      %get3A_1201 = arith.constant 432 : index
      %get3A_1202 = tpu.vector_load %arg8[%get3A_1201] {strides = array<i32>} : memref<2080xf32, #tpu.memory_space<vmem>>, vector<16xf32>,
      tpu.vector_store_idx %arg9[%get3A_1198, %get3A_1200], %get3A_1202 : memref<65x64xf32, #tpu.memory_space<vmem>>[vector<16xi32>, vector<16xi32>], vector<16xf32>,
      %get3A_1203 = arith.constant 448 : index
      %get3A_1204 = tpu.vector_load %arg6[%get3A_1203] {strides = array<i32>} : memref<2080xi32, #tpu.memory_space<vmem>>, vector<16xi32>,
      %get3A_1205 = arith.constant 448 : index
      %get3A_1206 = tpu.vector_load %arg7[%get3A_1205] {strides = array<i32>} : memref<2080xi32, #tpu.memory_space<vmem>>, vector<16xi32>,
      %get3A_1207 = arith.constant 448 : index
      %get3A_1208 = tpu.vector_load %arg8[%get3A_1207] {strides = array<i32>} : memref<2080xf32, #tpu.memory_space<vmem>>, vector<16xf32>,
      tpu.vector_store_idx %arg9[%get3A_1204, %get3A_1206], %get3A_1208 : memref<65x64xf32, #tpu.memory_space<vmem>>[vector<16xi32>, vector<16xi32>], vector<16xf32>,
      %get3A_1209 = arith.constant 464 : index
      %get3A_1210 = tpu.vector_load %arg6[%get3A_1209] {strides = array<i32>} : memref<2080xi32, #tpu.memory_space<vmem>>, vector<16xi32>,
      %get3A_1211 = arith.constant 464 : index
      %get3A_1212 = tpu.vector_load %arg7[%get3A_1211] {strides = array<i32>} : memref<2080xi32, #tpu.memory_space<vmem>>, vector<16xi32>,
      %get3A_1213 = arith.constant 464 : index
      %get3A_1214 = tpu.vector_load %arg8[%get3A_1213] {strides = array<i32>} : memref<2080xf32, #tpu.memory_space<vmem>>, vector<16xf32>,
      tpu.vector_store_idx %arg9[%get3A_1210, %get3A_1212], %get3A_1214 : memref<65x64xf32, #tpu.memory_space<vmem>>[vector<16xi32>, vector<16xi32>], vector<16xf32>,
      %get3A_1215 = arith.constant 480 : index
      %get3A_1216 = tpu.vector_load %arg6[%get3A_1215] {strides = array<i32>} : memref<2080xi32, #tpu.memory_space<vmem>>, vector<16xi32>,
      %get3A_1217 = arith.constant 480 : index
      %get3A_1218 = tpu.vector_load %arg7[%get3A_1217] {strides = array<i32>} : memref<2080xi32, #tpu.memory_space<vmem>>, vector<16xi32>,
      %get3A_1219 = arith.constant 480 : index
      %get3A_1220 = tpu.vector_load %arg8[%get3A_1219] {strides = array<i32>} : memref<2080xf32, #tpu.memory_space<vmem>>, vector<16xf32>,
      tpu.vector_store_idx %arg9[%get3A_1216, %get3A_1218], %get3A_1220 : memref<65x64xf32, #tpu.memory_space<vmem>>[vector<16xi32>, vector<16xi32>], vector<16xf32>,
      %get3A_1221 = arith.constant 496 : index
      %get3A_1222 = tpu.vector_load %arg6[%get3A_1221] {strides = array<i32>} : memref<2080xi32, #tpu.memory_space<vmem>>, vector<16xi32>,
      %get3A_1223 = arith.constant 496 : index
      %get3A_1224 = tpu.vector_load %arg7[%get3A_1223] {strides = array<i32>} : memref<2080xi32, #tpu.memory_space<vmem>>, vector<16xi32>,
      %get3A_1225 = arith.constant 496 : index
      %get3A_1226 = tpu.vector_load %arg8[%get3A_1225] {strides = array<i32>} : memref<2080xf32, #tpu.memory_space<vmem>>, vector<16xf32>,
      tpu.vector_store_idx %arg9[%get3A_1222, %get3A_1224], %get3A_1226 : memref<65x64xf32, #tpu.memory_space<vmem>>[vector<16xi32>, vector<16xi32>], vector<16xf32>,
      %get3A_1227 = arith.constant 512 : index
      %get3A_1228 = tpu.vector_load %arg6[%get3A_1227] {strides = array<i32>} : memref<2080xi32, #tpu.memory_space<vmem>>, vector<16xi32>,
      %get3A_1229 = arith.constant 512 : index
      %get3A_1230 = tpu.vector_load %arg7[%get3A_1229] {strides = array<i32>} : memref<2080xi32, #tpu.memory_space<vmem>>, vector<16xi32>,
      %get3A_1231 = arith.constant 512 : index
      %get3A_1232 = tpu.vector_load %arg8[%get3A_1231] {strides = array<i32>} : memref<2080xf32, #tpu.memory_space<vmem>>, vector<16xf32>,
      tpu.vector_store_idx %arg9[%get3A_1228, %get3A_1230], %get3A_1232 : memref<65x64xf32, #tpu.memory_space<vmem>>[vector<16xi32>, vector<16xi32>], vector<16xf32>,
      %get3A_1233 = arith.constant 528 : index
      %get3A_1234 = tpu.vector_load %arg6[%get3A_1233] {strides = array<i32>} : memref<2080xi32, #tpu.memory_space<vmem>>, vector<16xi32>,
      %get3A_1235 = arith.constant 528 : index
      %get3A_1236 = tpu.vector_load %arg7[%get3A_1235] {strides = array<i32>} : memref<2080xi32, #tpu.memory_space<vmem>>, vector<16xi32>,
      %get3A_1237 = arith.constant 528 : index
      %get3A_1238 = tpu.vector_load %arg8[%get3A_1237] {strides = array<i32>} : memref<2080xf32, #tpu.memory_space<vmem>>, vector<16xf32>,
      tpu.vector_store_idx %arg9[%get3A_1234, %get3A_1236], %get3A_1238 : memref<65x64xf32, #tpu.memory_space<vmem>>[vector<16xi32>, vector<16xi32>], vector<16xf32>,
      %get3A_1239 = arith.constant 544 : index
      %get3A_1240 = tpu.vector_load %arg6[%get3A_1239] {strides = array<i32>} : memref<2080xi32, #tpu.memory_space<vmem>>, vector<16xi32>,
      %get3A_1241 = arith.constant 544 : index
      %get3A_1242 = tpu.vector_load %arg7[%get3A_1241] {strides = array<i32>} : memref<2080xi32, #tpu.memory_space<vmem>>, vector<16xi32>,
      %get3A_1243 = arith.constant 544 : index
      %get3A_1244 = tpu.vector_load %arg8[%get3A_1243] {strides = array<i32>} : memref<2080xf32, #tpu.memory_space<vmem>>, vector<16xf32>,
      tpu.vector_store_idx %arg9[%get3A_1240, %get3A_1242], %get3A_1244 : memref<65x64xf32, #tpu.memory_space<vmem>>[vector<16xi32>, vector<16xi32>], vector<16xf32>,
      %get3A_1245 = arith.constant 560 : index
      %get3A_1246 = tpu.vector_load %arg6[%get3A_1245] {strides = array<i32>} : memref<2080xi32, #tpu.memory_space<vmem>>, vector<16xi32>,
      %get3A_1247 = arith.constant 560 : index
      %get3A_1248 = tpu.vector_load %arg7[%get3A_1247] {strides = array<i32>} : memref<2080xi32, #tpu.memory_space<vmem>>, vector<16xi32>,
      %get3A_1249 = arith.constant 560 : index
      %get3A_1250 = tpu.vector_load %arg8[%get3A_1249] {strides = array<i32>} : memref<2080xf32, #tpu.memory_space<vmem>>, vector<16xf32>,
      tpu.vector_store_idx %arg9[%get3A_1246, %get3A_1248], %get3A_1250 : memref<65x64xf32, #tpu.memory_space<vmem>>[vector<16xi32>, vector<16xi32>], vector<16xf32>,
      %get3A_1251 = arith.constant 576 : index
      %get3A_1252 = tpu.vector_load %arg6[%get3A_1251] {strides = array<i32>} : memref<2080xi32, #tpu.memory_space<vmem>>, vector<16xi32>,
      %get3A_1253 = arith.constant 576 : index
      %get3A_1254 = tpu.vector_load %arg7[%get3A_1253] {strides = array<i32>} : memref<2080xi32, #tpu.memory_space<vmem>>, vector<16xi32>,
      %get3A_1255 = arith.constant 576 : index
      %get3A_1256 = tpu.vector_load %arg8[%get3A_1255] {strides = array<i32>} : memref<2080xf32, #tpu.memory_space<vmem>>, vector<16xf32>,
      tpu.vector_store_idx %arg9[%get3A_1252, %get3A_1254], %get3A_1256 : memref<65x64xf32, #tpu.memory_space<vmem>>[vector<16xi32>, vector<16xi32>], vector<16xf32>,
      %get3A_1257 = arith.constant 592 : index
      %get3A_1258 = tpu.vector_load %arg6[%get3A_1257] {strides = array<i32>} : memref<2080xi32, #tpu.memory_space<vmem>>, vector<16xi32>,
      %get3A_1259 = arith.constant 592 : index
      %get3A_1260 = tpu.vector_load %arg7[%get3A_1259] {strides = array<i32>} : memref<2080xi32, #tpu.memory_space<vmem>>, vector<16xi32>,
      %get3A_1261 = arith.constant 592 : index
      %get3A_1262 = tpu.vector_load %arg8[%get3A_1261] {strides = array<i32>} : memref<2080xf32, #tpu.memory_space<vmem>>, vector<16xf32>,
      tpu.vector_store_idx %arg9[%get3A_1258, %get3A_1260], %get3A_1262 : memref<65x64xf32, #tpu.memory_space<vmem>>[vector<16xi32>, vector<16xi32>], vector<16xf32>,
      %get3A_1263 = arith.constant 608 : index
      %get3A_1264 = tpu.vector_load %arg6[%get3A_1263] {strides = array<i32>} : memref<2080xi32, #tpu.memory_space<vmem>>, vector<16xi32>,
      %get3A_1265 = arith.constant 608 : index
      %get3A_1266 = tpu.vector_load %arg7[%get3A_1265] {strides = array<i32>} : memref<2080xi32, #tpu.memory_space<vmem>>, vector<16xi32>,
      %get3A_1267 = arith.constant 608 : index
      %get3A_1268 = tpu.vector_load %arg8[%get3A_1267] {strides = array<i32>} : memref<2080xf32, #tpu.memory_space<vmem>>, vector<16xf32>,
      tpu.vector_store_idx %arg9[%get3A_1264, %get3A_1266], %get3A_1268 : memref<65x64xf32, #tpu.memory_space<vmem>>[vector<16xi32>, vector<16xi32>], vector<16xf32>,
      %get3A_1269 = arith.constant 624 : index
      %get3A_1270 = tpu.vector_load %arg6[%get3A_1269] {strides = array<i32>} : memref<2080xi32, #tpu.memory_space<vmem>>, vector<16xi32>,
      %get3A_1271 = arith.constant 624 : index
      %get3A_1272 = tpu.vector_load %arg7[%get3A_1271] {strides = array<i32>} : memref<2080xi32, #tpu.memory_space<vmem>>, vector<16xi32>,
      %get3A_1273 = arith.constant 624 : index
      %get3A_1274 = tpu.vector_load %arg8[%get3A_1273] {strides = array<i32>} : memref<2080xf32, #tpu.memory_space<vmem>>, vector<16xf32>,
      tpu.vector_store_idx %arg9[%get3A_1270, %get3A_1272], %get3A_1274 : memref<65x64xf32, #tpu.memory_space<vmem>>[vector<16xi32>, vector<16xi32>], vector<16xf32>,
      %get3A_1275 = arith.constant 640 : index
      %get3A_1276 = tpu.vector_load %arg6[%get3A_1275] {strides = array<i32>} : memref<2080xi32, #tpu.memory_space<vmem>>, vector<16xi32>,
      %get3A_1277 = arith.constant 640 : index
      %get3A_1278 = tpu.vector_load %arg7[%get3A_1277] {strides = array<i32>} : memref<2080xi32, #tpu.memory_space<vmem>>, vector<16xi32>,
      %get3A_1279 = arith.constant 640 : index
      %get3A_1280 = tpu.vector_load %arg8[%get3A_1279] {strides = array<i32>} : memref<2080xf32, #tpu.memory_space<vmem>>, vector<16xf32>,
      tpu.vector_store_idx %arg9[%get3A_1276, %get3A_1278], %get3A_1280 : memref<65x64xf32, #tpu.memory_space<vmem>>[vector<16xi32>, vector<16xi32>], vector<16xf32>,
      %get3A_1281 = arith.constant 656 : index
      %get3A_1282 = tpu.vector_load %arg6[%get3A_1281] {strides = array<i32>} : memref<2080xi32, #tpu.memory_space<vmem>>, vector<16xi32>,
      %get3A_1283 = arith.constant 656 : index
      %get3A_1284 = tpu.vector_load %arg7[%get3A_1283] {strides = array<i32>} : memref<2080xi32, #tpu.memory_space<vmem>>, vector<16xi32>,
      %get3A_1285 = arith.constant 656 : index
      %get3A_1286 = tpu.vector_load %arg8[%get3A_1285] {strides = array<i32>} : memref<2080xf32, #tpu.memory_space<vmem>>, vector<16xf32>,
      tpu.vector_store_idx %arg9[%get3A_1282, %get3A_1284], %get3A_1286 : memref<65x64xf32, #tpu.memory_space<vmem>>[vector<16xi32>, vector<16xi32>], vector<16xf32>,
      %get3A_1287 = arith.constant 672 : index
      %get3A_1288 = tpu.vector_load %arg6[%get3A_1287] {strides = array<i32>} : memref<2080xi32, #tpu.memory_space<vmem>>, vector<16xi32>,
      %get3A_1289 = arith.constant 672 : index
      %get3A_1290 = tpu.vector_load %arg7[%get3A_1289] {strides = array<i32>} : memref<2080xi32, #tpu.memory_space<vmem>>, vector<16xi32>,
      %get3A_1291 = arith.constant 672 : index
      %get3A_1292 = tpu.vector_load %arg8[%get3A_1291] {strides = array<i32>} : memref<2080xf32, #tpu.memory_space<vmem>>, vector<16xf32>,
      tpu.vector_store_idx %arg9[%get3A_1288, %get3A_1290], %get3A_1292 : memref<65x64xf32, #tpu.memory_space<vmem>>[vector<16xi32>, vector<16xi32>], vector<16xf32>,
      %get3A_1293 = arith.constant 688 : index
      %get3A_1294 = tpu.vector_load %arg6[%get3A_1293] {strides = array<i32>} : memref<2080xi32, #tpu.memory_space<vmem>>, vector<16xi32>,
      %get3A_1295 = arith.constant 688 : index
      %get3A_1296 = tpu.vector_load %arg7[%get3A_1295] {strides = array<i32>} : memref<2080xi32, #tpu.memory_space<vmem>>, vector<16xi32>,
      %get3A_1297 = arith.constant 688 : index
      %get3A_1298 = tpu.vector_load %arg8[%get3A_1297] {strides = array<i32>} : memref<2080xf32, #tpu.memory_space<vmem>>, vector<16xf32>,
      tpu.vector_store_idx %arg9[%get3A_1294, %get3A_1296], %get3A_1298 : memref<65x64xf32, #tpu.memory_space<vmem>>[vector<16xi32>, vector<16xi32>], vector<16xf32>,
      %get3A_1299 = arith.constant 704 : index
      %get3A_1300 = tpu.vector_load %arg6[%get3A_1299] {strides = array<i32>} : memref<2080xi32, #tpu.memory_space<vmem>>, vector<16xi32>,
      %get3A_1301 = arith.constant 704 : index
      %get3A_1302 = tpu.vector_load %arg7[%get3A_1301] {strides = array<i32>} : memref<2080xi32, #tpu.memory_space<vmem>>, vector<16xi32>,
      %get3A_1303 = arith.constant 704 : index
      %get3A_1304 = tpu.vector_load %arg8[%get3A_1303] {strides = array<i32>} : memref<2080xf32, #tpu.memory_space<vmem>>, vector<16xf32>,
      tpu.vector_store_idx %arg9[%get3A_1300, %get3A_1302], %get3A_1304 : memref<65x64xf32, #tpu.memory_space<vmem>>[vector<16xi32>, vector<16xi32>], vector<16xf32>,
      %get3A_1305 = arith.constant 720 : index
      %get3A_1306 = tpu.vector_load %arg6[%get3A_1305] {strides = array<i32>} : memref<2080xi32, #tpu.memory_space<vmem>>, vector<16xi32>,
      %get3A_1307 = arith.constant 720 : index
      %get3A_1308 = tpu.vector_load %arg7[%get3A_1307] {strides = array<i32>} : memref<2080xi32, #tpu.memory_space<vmem>>, vector<16xi32>,
      %get3A_1309 = arith.constant 720 : index
      %get3A_1310 = tpu.vector_load %arg8[%get3A_1309] {strides = array<i32>} : memref<2080xf32, #tpu.memory_space<vmem>>, vector<16xf32>,
      tpu.vector_store_idx %arg9[%get3A_1306, %get3A_1308], %get3A_1310 : memref<65x64xf32, #tpu.memory_space<vmem>>[vector<16xi32>, vector<16xi32>], vector<16xf32>,
      %get3A_1311 = arith.constant 736 : index
      %get3A_1312 = tpu.vector_load %arg6[%get3A_1311] {strides = array<i32>} : memref<2080xi32, #tpu.memory_space<vmem>>, vector<16xi32>,
      %get3A_1313 = arith.constant 736 : index
      %get3A_1314 = tpu.vector_load %arg7[%get3A_1313] {strides = array<i32>} : memref<2080xi32, #tpu.memory_space<vmem>>, vector<16xi32>,
      %get3A_1315 = arith.constant 736 : index
      %get3A_1316 = tpu.vector_load %arg8[%get3A_1315] {strides = array<i32>} : memref<2080xf32, #tpu.memory_space<vmem>>, vector<16xf32>,
      tpu.vector_store_idx %arg9[%get3A_1312, %get3A_1314], %get3A_1316 : memref<65x64xf32, #tpu.memory_space<vmem>>[vector<16xi32>, vector<16xi32>], vector<16xf32>,
      %get3A_1317 = arith.constant 752 : index
      %get3A_1318 = tpu.vector_load %arg6[%get3A_1317] {strides = array<i32>} : memref<2080xi32, #tpu.memory_space<vmem>>, vector<16xi32>,
      %get3A_1319 = arith.constant 752 : index
      %get3A_1320 = tpu.vector_load %arg7[%get3A_1319] {strides = array<i32>} : memref<2080xi32, #tpu.memory_space<vmem>>, vector<16xi32>,
      %get3A_1321 = arith.constant 752 : index
      %get3A_1322 = tpu.vector_load %arg8[%get3A_1321] {strides = array<i32>} : memref<2080xf32, #tpu.memory_space<vmem>>, vector<16xf32>,
      tpu.vector_store_idx %arg9[%get3A_1318, %get3A_1320], %get3A_1322 : memref<65x64xf32, #tpu.memory_space<vmem>>[vector<16xi32>, vector<16xi32>], vector<16xf32>,
      %get3A_1323 = arith.constant 768 : index
      %get3A_1324 = tpu.vector_load %arg6[%get3A_1323] {strides = array<i32>} : memref<2080xi32, #tpu.memory_space<vmem>>, vector<16xi32>,
      %get3A_1325 = arith.constant 768 : index
      %get3A_1326 = tpu.vector_load %arg7[%get3A_1325] {strides = array<i32>} : memref<2080xi32, #tpu.memory_space<vmem>>, vector<16xi32>,
      %get3A_1327 = arith.constant 768 : index
      %get3A_1328 = tpu.vector_load %arg8[%get3A_1327] {strides = array<i32>} : memref<2080xf32, #tpu.memory_space<vmem>>, vector<16xf32>,
      tpu.vector_store_idx %arg9[%get3A_1324, %get3A_1326], %get3A_1328 : memref<65x64xf32, #tpu.memory_space<vmem>>[vector<16xi32>, vector<16xi32>], vector<16xf32>,
      %get3A_1329 = arith.constant 784 : index
      %get3A_1330 = tpu.vector_load %arg6[%get3A_1329] {strides = array<i32>} : memref<2080xi32, #tpu.memory_space<vmem>>, vector<16xi32>,
      %get3A_1331 = arith.constant 784 : index
      %get3A_1332 = tpu.vector_load %arg7[%get3A_1331] {strides = array<i32>} : memref<2080xi32, #tpu.memory_space<vmem>>, vector<16xi32>,
      %get3A_1333 = arith.constant 784 : index
      %get3A_1334 = tpu.vector_load %arg8[%get3A_1333] {strides = array<i32>} : memref<2080xf32, #tpu.memory_space<vmem>>, vector<16xf32>,
      tpu.vector_store_idx %arg9[%get3A_1330, %get3A_1332], %get3A_1334 : memref<65x64xf32, #tpu.memory_space<vmem>>[vector<16xi32>, vector<16xi32>], vector<16xf32>,
      %get3A_1335 = arith.constant 800 : index
      %get3A_1336 = tpu.vector_load %arg6[%get3A_1335] {strides = array<i32>} : memref<2080xi32, #tpu.memory_space<vmem>>, vector<16xi32>,
      %get3A_1337 = arith.constant 800 : index
      %get3A_1338 = tpu.vector_load %arg7[%get3A_1337] {strides = array<i32>} : memref<2080xi32, #tpu.memory_space<vmem>>, vector<16xi32>,
      %get3A_1339 = arith.constant 800 : index
      %get3A_1340 = tpu.vector_load %arg8[%get3A_1339] {strides = array<i32>} : memref<2080xf32, #tpu.memory_space<vmem>>, vector<16xf32>,
      tpu.vector_store_idx %arg9[%get3A_1336, %get3A_1338], %get3A_1340 : memref<65x64xf32, #tpu.memory_space<vmem>>[vector<16xi32>, vector<16xi32>], vector<16xf32>,
      %get3A_1341 = arith.constant 816 : index
      %get3A_1342 = tpu.vector_load %arg6[%get3A_1341] {strides = array<i32>} : memref<2080xi32, #tpu.memory_space<vmem>>, vector<16xi32>,
      %get3A_1343 = arith.constant 816 : index
      %get3A_1344 = tpu.vector_load %arg7[%get3A_1343] {strides = array<i32>} : memref<2080xi32, #tpu.memory_space<vmem>>, vector<16xi32>,
      %get3A_1345 = arith.constant 816 : index
      %get3A_1346 = tpu.vector_load %arg8[%get3A_1345] {strides = array<i32>} : memref<2080xf32, #tpu.memory_space<vmem>>, vector<16xf32>,
      tpu.vector_store_idx %arg9[%get3A_1342, %get3A_1344], %get3A_1346 : memref<65x64xf32, #tpu.memory_space<vmem>>[vector<16xi32>, vector<16xi32>], vector<16xf32>,
      %get3A_1347 = arith.constant 832 : index
      %get3A_1348 = tpu.vector_load %arg6[%get3A_1347] {strides = array<i32>} : memref<2080xi32, #tpu.memory_space<vmem>>, vector<16xi32>,
      %get3A_1349 = arith.constant 832 : index
      %get3A_1350 = tpu.vector_load %arg7[%get3A_1349] {strides = array<i32>} : memref<2080xi32, #tpu.memory_space<vmem>>, vector<16xi32>,
      %get3A_1351 = arith.constant 832 : index
      %get3A_1352 = tpu.vector_load %arg8[%get3A_1351] {strides = array<i32>} : memref<2080xf32, #tpu.memory_space<vmem>>, vector<16xf32>,
      tpu.vector_store_idx %arg9[%get3A_1348, %get3A_1350], %get3A_1352 : memref<65x64xf32, #tpu.memory_space<vmem>>[vector<16xi32>, vector<16xi32>], vector<16xf32>,
      %get3A_1353 = arith.constant 848 : index
      %get3A_1354 = tpu.vector_load %arg6[%get3A_1353] {strides = array<i32>} : memref<2080xi32, #tpu.memory_space<vmem>>, vector<16xi32>,
      %get3A_1355 = arith.constant 848 : index
      %get3A_1356 = tpu.vector_load %arg7[%get3A_1355] {strides = array<i32>} : memref<2080xi32, #tpu.memory_space<vmem>>, vector<16xi32>,
      %get3A_1357 = arith.constant 848 : index
      %get3A_1358 = tpu.vector_load %arg8[%get3A_1357] {strides = array<i32>} : memref<2080xf32, #tpu.memory_space<vmem>>, vector<16xf32>,
      tpu.vector_store_idx %arg9[%get3A_1354, %get3A_1356], %get3A_1358 : memref<65x64xf32, #tpu.memory_space<vmem>>[vector<16xi32>, vector<16xi32>], vector<16xf32>,
      %get3A_1359 = arith.constant 864 : index
      %get3A_1360 = tpu.vector_load %arg6[%get3A_1359] {strides = array<i32>} : memref<2080xi32, #tpu.memory_space<vmem>>, vector<16xi32>,
      %get3A_1361 = arith.constant 864 : index
      %get3A_1362 = tpu.vector_load %arg7[%get3A_1361] {strides = array<i32>} : memref<2080xi32, #tpu.memory_space<vmem>>, vector<16xi32>,
      %get3A_1363 = arith.constant 864 : index
      %get3A_1364 = tpu.vector_load %arg8[%get3A_1363] {strides = array<i32>} : memref<2080xf32, #tpu.memory_space<vmem>>, vector<16xf32>,
      tpu.vector_store_idx %arg9[%get3A_1360, %get3A_1362], %get3A_1364 : memref<65x64xf32, #tpu.memory_space<vmem>>[vector<16xi32>, vector<16xi32>], vector<16xf32>,
      %get3A_1365 = arith.constant 880 : index
      %get3A_1366 = tpu.vector_load %arg6[%get3A_1365] {strides = array<i32>} : memref<2080xi32, #tpu.memory_space<vmem>>, vector<16xi32>,
      %get3A_1367 = arith.constant 880 : index
      %get3A_1368 = tpu.vector_load %arg7[%get3A_1367] {strides = array<i32>} : memref<2080xi32, #tpu.memory_space<vmem>>, vector<16xi32>,
      %get3A_1369 = arith.constant 880 : index
      %get3A_1370 = tpu.vector_load %arg8[%get3A_1369] {strides = array<i32>} : memref<2080xf32, #tpu.memory_space<vmem>>, vector<16xf32>,
      tpu.vector_store_idx %arg9[%get3A_1366, %get3A_1368], %get3A_1370 : memref<65x64xf32, #tpu.memory_space<vmem>>[vector<16xi32>, vector<16xi32>], vector<16xf32>,
      %get3A_1371 = arith.constant 896 : index
      %get3A_1372 = tpu.vector_load %arg6[%get3A_1371] {strides = array<i32>} : memref<2080xi32, #tpu.memory_space<vmem>>, vector<16xi32>,
      %get3A_1373 = arith.constant 896 : index
      %get3A_1374 = tpu.vector_load %arg7[%get3A_1373] {strides = array<i32>} : memref<2080xi32, #tpu.memory_space<vmem>>, vector<16xi32>,
      %get3A_1375 = arith.constant 896 : index
      %get3A_1376 = tpu.vector_load %arg8[%get3A_1375] {strides = array<i32>} : memref<2080xf32, #tpu.memory_space<vmem>>, vector<16xf32>,
      tpu.vector_store_idx %arg9[%get3A_1372, %get3A_1374], %get3A_1376 : memref<65x64xf32, #tpu.memory_space<vmem>>[vector<16xi32>, vector<16xi32>], vector<16xf32>,
      %get3A_1377 = arith.constant 912 : index
      %get3A_1378 = tpu.vector_load %arg6[%get3A_1377] {strides = array<i32>} : memref<2080xi32, #tpu.memory_space<vmem>>, vector<16xi32>,
      %get3A_1379 = arith.constant 912 : index
      %get3A_1380 = tpu.vector_load %arg7[%get3A_1379] {strides = array<i32>} : memref<2080xi32, #tpu.memory_space<vmem>>, vector<16xi32>,
      %get3A_1381 = arith.constant 912 : index
      %get3A_1382 = tpu.vector_load %arg8[%get3A_1381] {strides = array<i32>} : memref<2080xf32, #tpu.memory_space<vmem>>, vector<16xf32>,
      tpu.vector_store_idx %arg9[%get3A_1378, %get3A_1380], %get3A_1382 : memref<65x64xf32, #tpu.memory_space<vmem>>[vector<16xi32>, vector<16xi32>], vector<16xf32>,
      %get3A_1383 = arith.constant 928 : index
      %get3A_1384 = tpu.vector_load %arg6[%get3A_1383] {strides = array<i32>} : memref<2080xi32, #tpu.memory_space<vmem>>, vector<16xi32>,
      %get3A_1385 = arith.constant 928 : index
      %get3A_1386 = tpu.vector_load %arg7[%get3A_1385] {strides = array<i32>} : memref<2080xi32, #tpu.memory_space<vmem>>, vector<16xi32>,
      %get3A_1387 = arith.constant 928 : index
      %get3A_1388 = tpu.vector_load %arg8[%get3A_1387] {strides = array<i32>} : memref<2080xf32, #tpu.memory_space<vmem>>, vector<16xf32>,
      tpu.vector_store_idx %arg9[%get3A_1384, %get3A_1386], %get3A_1388 : memref<65x64xf32, #tpu.memory_space<vmem>>[vector<16xi32>, vector<16xi32>], vector<16xf32>,
      %get3A_1389 = arith.constant 944 : index
      %get3A_1390 = tpu.vector_load %arg6[%get3A_1389] {strides = array<i32>} : memref<2080xi32, #tpu.memory_space<vmem>>, vector<16xi32>,
      %get3A_1391 = arith.constant 944 : index
      %get3A_1392 = tpu.vector_load %arg7[%get3A_1391] {strides = array<i32>} : memref<2080xi32, #tpu.memory_space<vmem>>, vector<16xi32>,
      %get3A_1393 = arith.constant 944 : index
      %get3A_1394 = tpu.vector_load %arg8[%get3A_1393] {strides = array<i32>} : memref<2080xf32, #tpu.memory_space<vmem>>, vector<16xf32>,
      tpu.vector_store_idx %arg9[%get3A_1390, %get3A_1392], %get3A_1394 : memref<65x64xf32, #tpu.memory_space<vmem>>[vector<16xi32>, vector<16xi32>], vector<16xf32>,
      %get3A_1395 = arith.constant 960 : index
      %get3A_1396 = tpu.vector_load %arg6[%get3A_1395] {strides = array<i32>} : memref<2080xi32, #tpu.memory_space<vmem>>, vector<16xi32>,
      %get3A_1397 = arith.constant 960 : index
      %get3A_1398 = tpu.vector_load %arg7[%get3A_1397] {strides = array<i32>} : memref<2080xi32, #tpu.memory_space<vmem>>, vector<16xi32>,
      %get3A_1399 = arith.constant 960 : index
      %get3A_1400 = tpu.vector_load %arg8[%get3A_1399] {strides = array<i32>} : memref<2080xf32, #tpu.memory_space<vmem>>, vector<16xf32>,
      tpu.vector_store_idx %arg9[%get3A_1396, %get3A_1398], %get3A_1400 : memref<65x64xf32, #tpu.memory_space<vmem>>[vector<16xi32>, vector<16xi32>], vector<16xf32>,
      %get3A_1401 = arith.constant 976 : index
      %get3A_1402 = tpu.vector_load %arg6[%get3A_1401] {strides = array<i32>} : memref<2080xi32, #tpu.memory_space<vmem>>, vector<16xi32>,
      %get3A_1403 = arith.constant 976 : index
      %get3A_1404 = tpu.vector_load %arg7[%get3A_1403] {strides = array<i32>} : memref<2080xi32, #tpu.memory_space<vmem>>, vector<16xi32>,
      %get3A_1405 = arith.constant 976 : index
      %get3A_1406 = tpu.vector_load %arg8[%get3A_1405] {strides = array<i32>} : memref<2080xf32, #tpu.memory_space<vmem>>, vector<16xf32>,
      tpu.vector_store_idx %arg9[%get3A_1402, %get3A_1404], %get3A_1406 : memref<65x64xf32, #tpu.memory_space<vmem>>[vector<16xi32>, vector<16xi32>], vector<16xf32>,
      %get3A_1407 = arith.constant 992 : index
      %get3A_1408 = tpu.vector_load %arg6[%get3A_1407] {strides = array<i32>} : memref<2080xi32, #tpu.memory_space<vmem>>, vector<16xi32>,
      %get3A_1409 = arith.constant 992 : index
      %get3A_1410 = tpu.vector_load %arg7[%get3A_1409] {strides = array<i32>} : memref<2080xi32, #tpu.memory_space<vmem>>, vector<16xi32>,
      %get3A_1411 = arith.constant 992 : index
      %get3A_1412 = tpu.vector_load %arg8[%get3A_1411] {strides = array<i32>} : memref<2080xf32, #tpu.memory_space<vmem>>, vector<16xf32>,
      tpu.vector_store_idx %arg9[%get3A_1408, %get3A_1410], %get3A_1412 : memref<65x64xf32, #tpu.memory_space<vmem>>[vector<16xi32>, vector<16xi32>], vector<16xf32>,
      %get3A_1413 = arith.constant 1008 : index
      %get3A_1414 = tpu.vector_load %arg6[%get3A_1413] {strides = array<i32>} : memref<2080xi32, #tpu.memory_space<vmem>>, vector<16xi32>,
      %get3A_1415 = arith.constant 1008 : index
      %get3A_1416 = tpu.vector_load %arg7[%get3A_1415] {strides = array<i32>} : memref<2080xi32, #tpu.memory_space<vmem>>, vector<16xi32>,
      %get3A_1417 = arith.constant 1008 : index
      %get3A_1418 = tpu.vector_load %arg8[%get3A_1417] {strides = array<i32>} : memref<2080xf32, #tpu.memory_space<vmem>>, vector<16xf32>,
      tpu.vector_store_idx %arg9[%get3A_1414, %get3A_1416], %get3A_1418 : memref<65x64xf32, #tpu.memory_space<vmem>>[vector<16xi32>, vector<16xi32>], vector<16xf32>,
      %get3A_1419 = arith.constant 1024 : index
      %get3A_1420 = tpu.vector_load %arg6[%get3A_1419] {strides = array<i32>} : memref<2080xi32, #tpu.memory_space<vmem>>, vector<16xi32>,
      %get3A_1421 = arith.constant 1024 : index
      %get3A_1422 = tpu.vector_load %arg7[%get3A_1421] {strides = array<i32>} : memref<2080xi32, #tpu.memory_space<vmem>>, vector<16xi32>,
      %get3A_1423 = arith.constant 1024 : index
      %get3A_1424 = tpu.vector_load %arg8[%get3A_1423] {strides = array<i32>} : memref<2080xf32, #tpu.memory_space<vmem>>, vector<16xf32>,
      tpu.vector_store_idx %arg9[%get3A_1420, %get3A_1422], %get3A_1424 : memref<65x64xf32, #tpu.memory_space<vmem>>[vector<16xi32>, vector<16xi32>], vector<16xf32>,
      %get3A_1425 = arith.constant 1040 : index
      %get3A_1426 = tpu.vector_load %arg6[%get3A_1425] {strides = array<i32>} : memref<2080xi32, #tpu.memory_space<vmem>>, vector<16xi32>,
      %get3A_1427 = arith.constant 1040 : index
      %get3A_1428 = tpu.vector_load %arg7[%get3A_1427] {strides = array<i32>} : memref<2080xi32, #tpu.memory_space<vmem>>, vector<16xi32>,
      %get3A_1429 = arith.constant 1040 : index
      %get3A_1430 = tpu.vector_load %arg8[%get3A_1429] {strides = array<i32>} : memref<2080xf32, #tpu.memory_space<vmem>>, vector<16xf32>,
      tpu.vector_store_idx %arg9[%get3A_1426, %get3A_1428], %get3A_1430 : memref<65x64xf32, #tpu.memory_space<vmem>>[vector<16xi32>, vector<16xi32>], vector<16xf32>,
      %get3A_1431 = arith.constant 1056 : index
      %get3A_1432 = tpu.vector_load %arg6[%get3A_1431] {strides = array<i32>} : memref<2080xi32, #tpu.memory_space<vmem>>, vector<16xi32>,
      %get3A_1433 = arith.constant 1056 : index
      %get3A_1434 = tpu.vector_load %arg7[%get3A_1433] {strides = array<i32>} : memref<2080xi32, #tpu.memory_space<vmem>>, vector<16xi32>,
      %get3A_1435 = arith.constant 1056 : index
      %get3A_1436 = tpu.vector_load %arg8[%get3A_1435] {strides = array<i32>} : memref<2080xf32, #tpu.memory_space<vmem>>, vector<16xf32>,
      tpu.vector_store_idx %arg9[%get3A_1432, %get3A_1434], %get3A_1436 : memref<65x64xf32, #tpu.memory_space<vmem>>[vector<16xi32>, vector<16xi32>], vector<16xf32>,
      %get3A_1437 = arith.constant 1072 : index
      %get3A_1438 = tpu.vector_load %arg6[%get3A_1437] {strides = array<i32>} : memref<2080xi32, #tpu.memory_space<vmem>>, vector<16xi32>,
      %get3A_1439 = arith.constant 1072 : index
      %get3A_1440 = tpu.vector_load %arg7[%get3A_1439] {strides = array<i32>} : memref<2080xi32, #tpu.memory_space<vmem>>, vector<16xi32>,
      %get3A_1441 = arith.constant 1072 : index
      %get3A_1442 = tpu.vector_load %arg8[%get3A_1441] {strides = array<i32>} : memref<2080xf32, #tpu.memory_space<vmem>>, vector<16xf32>,
      tpu.vector_store_idx %arg9[%get3A_1438, %get3A_1440], %get3A_1442 : memref<65x64xf32, #tpu.memory_space<vmem>>[vector<16xi32>, vector<16xi32>], vector<16xf32>,
      %get3A_1443 = arith.constant 1088 : index
      %get3A_1444 = tpu.vector_load %arg6[%get3A_1443] {strides = array<i32>} : memref<2080xi32, #tpu.memory_space<vmem>>, vector<16xi32>,
      %get3A_1445 = arith.constant 1088 : index
      %get3A_1446 = tpu.vector_load %arg7[%get3A_1445] {strides = array<i32>} : memref<2080xi32, #tpu.memory_space<vmem>>, vector<16xi32>,
      %get3A_1447 = arith.constant 1088 : index
      %get3A_1448 = tpu.vector_load %arg8[%get3A_1447] {strides = array<i32>} : memref<2080xf32, #tpu.memory_space<vmem>>, vector<16xf32>,
      tpu.vector_store_idx %arg9[%get3A_1444, %get3A_1446], %get3A_1448 : memref<65x64xf32, #tpu.memory_space<vmem>>[vector<16xi32>, vector<16xi32>], vector<16xf32>,
      %get3A_1449 = arith.constant 1104 : index
      %get3A_1450 = tpu.vector_load %arg6[%get3A_1449] {strides = array<i32>} : memref<2080xi32, #tpu.memory_space<vmem>>, vector<16xi32>,
      %get3A_1451 = arith.constant 1104 : index
      %get3A_1452 = tpu.vector_load %arg7[%get3A_1451] {strides = array<i32>} : memref<2080xi32, #tpu.memory_space<vmem>>, vector<16xi32>,
      %get3A_1453 = arith.constant 1104 : index
      %get3A_1454 = tpu.vector_load %arg8[%get3A_1453] {strides = array<i32>} : memref<2080xf32, #tpu.memory_space<vmem>>, vector<16xf32>,
      tpu.vector_store_idx %arg9[%get3A_1450, %get3A_1452], %get3A_1454 : memref<65x64xf32, #tpu.memory_space<vmem>>[vector<16xi32>, vector<16xi32>], vector<16xf32>,
      %get3A_1455 = arith.constant 1120 : index
      %get3A_1456 = tpu.vector_load %arg6[%get3A_1455] {strides = array<i32>} : memref<2080xi32, #tpu.memory_space<vmem>>, vector<16xi32>,
      %get3A_1457 = arith.constant 1120 : index
      %get3A_1458 = tpu.vector_load %arg7[%get3A_1457] {strides = array<i32>} : memref<2080xi32, #tpu.memory_space<vmem>>, vector<16xi32>,
      %get3A_1459 = arith.constant 1120 : index
      %get3A_1460 = tpu.vector_load %arg8[%get3A_1459] {strides = array<i32>} : memref<2080xf32, #tpu.memory_space<vmem>>, vector<16xf32>,
      tpu.vector_store_idx %arg9[%get3A_1456, %get3A_1458], %get3A_1460 : memref<65x64xf32, #tpu.memory_space<vmem>>[vector<16xi32>, vector<16xi32>], vector<16xf32>,
      %get3A_1461 = arith.constant 1136 : index
      %get3A_1462 = tpu.vector_load %arg6[%get3A_1461] {strides = array<i32>} : memref<2080xi32, #tpu.memory_space<vmem>>, vector<16xi32>,
      %get3A_1463 = arith.constant 1136 : index
      %get3A_1464 = tpu.vector_load %arg7[%get3A_1463] {strides = array<i32>} : memref<2080xi32, #tpu.memory_space<vmem>>, vector<16xi32>,
      %get3A_1465 = arith.constant 1136 : index
      %get3A_1466 = tpu.vector_load %arg8[%get3A_1465] {strides = array<i32>} : memref<2080xf32, #tpu.memory_space<vmem>>, vector<16xf32>,
      tpu.vector_store_idx %arg9[%get3A_1462, %get3A_1464], %get3A_1466 : memref<65x64xf32, #tpu.memory_space<vmem>>[vector<16xi32>, vector<16xi32>], vector<16xf32>,
      %get3A_1467 = arith.constant 1152 : index
      %get3A_1468 = tpu.vector_load %arg6[%get3A_1467] {strides = array<i32>} : memref<2080xi32, #tpu.memory_space<vmem>>, vector<16xi32>,
      %get3A_1469 = arith.constant 1152 : index
      %get3A_1470 = tpu.vector_load %arg7[%get3A_1469] {strides = array<i32>} : memref<2080xi32, #tpu.memory_space<vmem>>, vector<16xi32>,
      %get3A_1471 = arith.constant 1152 : index
      %get3A_1472 = tpu.vector_load %arg8[%get3A_1471] {strides = array<i32>} : memref<2080xf32, #tpu.memory_space<vmem>>, vector<16xf32>,
      tpu.vector_store_idx %arg9[%get3A_1468, %get3A_1470], %get3A_1472 : memref<65x64xf32, #tpu.memory_space<vmem>>[vector<16xi32>, vector<16xi32>], vector<16xf32>,
      %get3A_1473 = arith.constant 1168 : index
      %get3A_1474 = tpu.vector_load %arg6[%get3A_1473] {strides = array<i32>} : memref<2080xi32, #tpu.memory_space<vmem>>, vector<16xi32>,
      %get3A_1475 = arith.constant 1168 : index
      %get3A_1476 = tpu.vector_load %arg7[%get3A_1475] {strides = array<i32>} : memref<2080xi32, #tpu.memory_space<vmem>>, vector<16xi32>,
      %get3A_1477 = arith.constant 1168 : index
      %get3A_1478 = tpu.vector_load %arg8[%get3A_1477] {strides = array<i32>} : memref<2080xf32, #tpu.memory_space<vmem>>, vector<16xf32>,
      tpu.vector_store_idx %arg9[%get3A_1474, %get3A_1476], %get3A_1478 : memref<65x64xf32, #tpu.memory_space<vmem>>[vector<16xi32>, vector<16xi32>], vector<16xf32>,
      %get3A_1479 = arith.constant 1184 : index
      %get3A_1480 = tpu.vector_load %arg6[%get3A_1479] {strides = array<i32>} : memref<2080xi32, #tpu.memory_space<vmem>>, vector<16xi32>,
      %get3A_1481 = arith.constant 1184 : index
      %get3A_1482 = tpu.vector_load %arg7[%get3A_1481] {strides = array<i32>} : memref<2080xi32, #tpu.memory_space<vmem>>, vector<16xi32>,
      %get3A_1483 = arith.constant 1184 : index
      %get3A_1484 = tpu.vector_load %arg8[%get3A_1483] {strides = array<i32>} : memref<2080xf32, #tpu.memory_space<vmem>>, vector<16xf32>,
      tpu.vector_store_idx %arg9[%get3A_1480, %get3A_1482], %get3A_1484 : memref<65x64xf32, #tpu.memory_space<vmem>>[vector<16xi32>, vector<16xi32>], vector<16xf32>,
      %get3A_1485 = arith.constant 1200 : index
      %get3A_1486 = tpu.vector_load %arg6[%get3A_1485] {strides = array<i32>} : memref<2080xi32, #tpu.memory_space<vmem>>, vector<16xi32>,
      %get3A_1487 = arith.constant 1200 : index
      %get3A_1488 = tpu.vector_load %arg7[%get3A_1487] {strides = array<i32>} : memref<2080xi32, #tpu.memory_space<vmem>>, vector<16xi32>,
      %get3A_1489 = arith.constant 1200 : index
      %get3A_1490 = tpu.vector_load %arg8[%get3A_1489] {strides = array<i32>} : memref<2080xf32, #tpu.memory_space<vmem>>, vector<16xf32>,
      tpu.vector_store_idx %arg9[%get3A_1486, %get3A_1488], %get3A_1490 : memref<65x64xf32, #tpu.memory_space<vmem>>[vector<16xi32>, vector<16xi32>], vector<16xf32>,
      %get3A_1491 = arith.constant 1216 : index
      %get3A_1492 = tpu.vector_load %arg6[%get3A_1491] {strides = array<i32>} : memref<2080xi32, #tpu.memory_space<vmem>>, vector<16xi32>,
      %get3A_1493 = arith.constant 1216 : index
      %get3A_1494 = tpu.vector_load %arg7[%get3A_1493] {strides = array<i32>} : memref<2080xi32, #tpu.memory_space<vmem>>, vector<16xi32>,
      %get3A_1495 = arith.constant 1216 : index
      %get3A_1496 = tpu.vector_load %arg8[%get3A_1495] {strides = array<i32>} : memref<2080xf32, #tpu.memory_space<vmem>>, vector<16xf32>,
      tpu.vector_store_idx %arg9[%get3A_1492, %get3A_1494], %get3A_1496 : memref<65x64xf32, #tpu.memory_space<vmem>>[vector<16xi32>, vector<16xi32>], vector<16xf32>,
      %get3A_1497 = arith.constant 1232 : index
      %get3A_1498 = tpu.vector_load %arg6[%get3A_1497] {strides = array<i32>} : memref<2080xi32, #tpu.memory_space<vmem>>, vector<16xi32>,
      %get3A_1499 = arith.constant 1232 : index
      %get3A_1500 = tpu.vector_load %arg7[%get3A_1499] {strides = array<i32>} : memref<2080xi32, #tpu.memory_space<vmem>>, vector<16xi32>,
      %get3A_1501 = arith.constant 1232 : index
      %get3A_1502 = tpu.vector_load %arg8[%get3A_1501] {strides = array<i32>} : memref<2080xf32, #tpu.memory_space<vmem>>, vector<16xf32>,
      tpu.vector_store_idx %arg9[%get3A_1498, %get3A_1500], %get3A_1502 : memref<65x64xf32, #tpu.memory_space<vmem>>[vector<16xi32>, vector<16xi32>], vector<16xf32>,
      %get3A_1503 = arith.constant 1248 : index
      %get3A_1504 = tpu.vector_load %arg6[%get3A_1503] {strides = array<i32>} : memref<2080xi32, #tpu.memory_space<vmem>>, vector<16xi32>,
      %get3A_1505 = arith.constant 1248 : index
      %get3A_1506 = tpu.vector_load %arg7[%get3A_1505] {strides = array<i32>} : memref<2080xi32, #tpu.memory_space<vmem>>, vector<16xi32>,
      %get3A_1507 = arith.constant 1248 : index
      %get3A_1508 = tpu.vector_load %arg8[%get3A_1507] {strides = array<i32>} : memref<2080xf32, #tpu.memory_space<vmem>>, vector<16xf32>,
      tpu.vector_store_idx %arg9[%get3A_1504, %get3A_1506], %get3A_1508 : memref<65x64xf32, #tpu.memory_space<vmem>>[vector<16xi32>, vector<16xi32>], vector<16xf32>,
      %get3A_1509 = arith.constant 1264 : index
      %get3A_1510 = tpu.vector_load %arg6[%get3A_1509] {strides = array<i32>} : memref<2080xi32, #tpu.memory_space<vmem>>, vector<16xi32>,
      %get3A_1511 = arith.constant 1264 : index
      %get3A_1512 = tpu.vector_load %arg7[%get3A_1511] {strides = array<i32>} : memref<2080xi32, #tpu.memory_space<vmem>>, vector<16xi32>,
      %get3A_1513 = arith.constant 1264 : index
      %get3A_1514 = tpu.vector_load %arg8[%get3A_1513] {strides = array<i32>} : memref<2080xf32, #tpu.memory_space<vmem>>, vector<16xf32>,
      tpu.vector_store_idx %arg9[%get3A_1510, %get3A_1512], %get3A_1514 : memref<65x64xf32, #tpu.memory_space<vmem>>[vector<16xi32>, vector<16xi32>], vector<16xf32>,
      %get3A_1515 = arith.constant 1280 : index
      %get3A_1516 = tpu.vector_load %arg6[%get3A_1515] {strides = array<i32>} : memref<2080xi32, #tpu.memory_space<vmem>>, vector<16xi32>,
      %get3A_1517 = arith.constant 1280 : index
      %get3A_1518 = tpu.vector_load %arg7[%get3A_1517] {strides = array<i32>} : memref<2080xi32, #tpu.memory_space<vmem>>, vector<16xi32>,
      %get3A_1519 = arith.constant 1280 : index
      %get3A_1520 = tpu.vector_load %arg8[%get3A_1519] {strides = array<i32>} : memref<2080xf32, #tpu.memory_space<vmem>>, vector<16xf32>,
      tpu.vector_store_idx %arg9[%get3A_1516, %get3A_1518], %get3A_1520 : memref<65x64xf32, #tpu.memory_space<vmem>>[vector<16xi32>, vector<16xi32>], vector<16xf32>,
      %get3A_1521 = arith.constant 1296 : index
      %get3A_1522 = tpu.vector_load %arg6[%get3A_1521] {strides = array<i32>} : memref<2080xi32, #tpu.memory_space<vmem>>, vector<16xi32>,
      %get3A_1523 = arith.constant 1296 : index
      %get3A_1524 = tpu.vector_load %arg7[%get3A_1523] {strides = array<i32>} : memref<2080xi32, #tpu.memory_space<vmem>>, vector<16xi32>,
      %get3A_1525 = arith.constant 1296 : index
      %get3A_1526 = tpu.vector_load %arg8[%get3A_1525] {strides = array<i32>} : memref<2080xf32, #tpu.memory_space<vmem>>, vector<16xf32>,
      tpu.vector_store_idx %arg9[%get3A_1522, %get3A_1524], %get3A_1526 : memref<65x64xf32, #tpu.memory_space<vmem>>[vector<16xi32>, vector<16xi32>], vector<16xf32>,
      %get3A_1527 = arith.constant 1312 : index
      %get3A_1528 = tpu.vector_load %arg6[%get3A_1527] {strides = array<i32>} : memref<2080xi32, #tpu.memory_space<vmem>>, vector<16xi32>,
      %get3A_1529 = arith.constant 1312 : index
      %get3A_1530 = tpu.vector_load %arg7[%get3A_1529] {strides = array<i32>} : memref<2080xi32, #tpu.memory_space<vmem>>, vector<16xi32>,
      %get3A_1531 = arith.constant 1312 : index
      %get3A_1532 = tpu.vector_load %arg8[%get3A_1531] {strides = array<i32>} : memref<2080xf32, #tpu.memory_space<vmem>>, vector<16xf32>,
      tpu.vector_store_idx %arg9[%get3A_1528, %get3A_1530], %get3A_1532 : memref<65x64xf32, #tpu.memory_space<vmem>>[vector<16xi32>, vector<16xi32>], vector<16xf32>,
      %get3A_1533 = arith.constant 1328 : index
      %get3A_1534 = tpu.vector_load %arg6[%get3A_1533] {strides = array<i32>} : memref<2080xi32, #tpu.memory_space<vmem>>, vector<16xi32>,
      %get3A_1535 = arith.constant 1328 : index
      %get3A_1536 = tpu.vector_load %arg7[%get3A_1535] {strides = array<i32>} : memref<2080xi32, #tpu.memory_space<vmem>>, vector<16xi32>,
      %get3A_1537 = arith.constant 1328 : index
      %get3A_1538 = tpu.vector_load %arg8[%get3A_1537] {strides = array<i32>} : memref<2080xf32, #tpu.memory_space<vmem>>, vector<16xf32>,
      tpu.vector_store_idx %arg9[%get3A_1534, %get3A_1536], %get3A_1538 : memref<65x64xf32, #tpu.memory_space<vmem>>[vector<16xi32>, vector<16xi32>], vector<16xf32>,
      %get3A_1539 = arith.constant 1344 : index
      %get3A_1540 = tpu.vector_load %arg6[%get3A_1539] {strides = array<i32>} : memref<2080xi32, #tpu.memory_space<vmem>>, vector<16xi32>,
      %get3A_1541 = arith.constant 1344 : index
      %get3A_1542 = tpu.vector_load %arg7[%get3A_1541] {strides = array<i32>} : memref<2080xi32, #tpu.memory_space<vmem>>, vector<16xi32>,
      %get3A_1543 = arith.constant 1344 : index
      %get3A_1544 = tpu.vector_load %arg8[%get3A_1543] {strides = array<i32>} : memref<2080xf32, #tpu.memory_space<vmem>>, vector<16xf32>,
      tpu.vector_store_idx %arg9[%get3A_1540, %get3A_1542], %get3A_1544 : memref<65x64xf32, #tpu.memory_space<vmem>>[vector<16xi32>, vector<16xi32>], vector<16xf32>,
      %get3A_1545 = arith.constant 1360 : index
      %get3A_1546 = tpu.vector_load %arg6[%get3A_1545] {strides = array<i32>} : memref<2080xi32, #tpu.memory_space<vmem>>, vector<16xi32>,
      %get3A_1547 = arith.constant 1360 : index
      %get3A_1548 = tpu.vector_load %arg7[%get3A_1547] {strides = array<i32>} : memref<2080xi32, #tpu.memory_space<vmem>>, vector<16xi32>,
      %get3A_1549 = arith.constant 1360 : index
      %get3A_1550 = tpu.vector_load %arg8[%get3A_1549] {strides = array<i32>} : memref<2080xf32, #tpu.memory_space<vmem>>, vector<16xf32>,
      tpu.vector_store_idx %arg9[%get3A_1546, %get3A_1548], %get3A_1550 : memref<65x64xf32, #tpu.memory_space<vmem>>[vector<16xi32>, vector<16xi32>], vector<16xf32>,
      %get3A_1551 = arith.constant 1376 : index
      %get3A_1552 = tpu.vector_load %arg6[%get3A_1551] {strides = array<i32>} : memref<2080xi32, #tpu.memory_space<vmem>>, vector<16xi32>,
      %get3A_1553 = arith.constant 1376 : index
      %get3A_1554 = tpu.vector_load %arg7[%get3A_1553] {strides = array<i32>} : memref<2080xi32, #tpu.memory_space<vmem>>, vector<16xi32>,
      %get3A_1555 = arith.constant 1376 : index
      %get3A_1556 = tpu.vector_load %arg8[%get3A_1555] {strides = array<i32>} : memref<2080xf32, #tpu.memory_space<vmem>>, vector<16xf32>,
      tpu.vector_store_idx %arg9[%get3A_1552, %get3A_1554], %get3A_1556 : memref<65x64xf32, #tpu.memory_space<vmem>>[vector<16xi32>, vector<16xi32>], vector<16xf32>,
      %get3A_1557 = arith.constant 1392 : index
      %get3A_1558 = tpu.vector_load %arg6[%get3A_1557] {strides = array<i32>} : memref<2080xi32, #tpu.memory_space<vmem>>, vector<16xi32>,
      %get3A_1559 = arith.constant 1392 : index
      %get3A_1560 = tpu.vector_load %arg7[%get3A_1559] {strides = array<i32>} : memref<2080xi32, #tpu.memory_space<vmem>>, vector<16xi32>,
      %get3A_1561 = arith.constant 1392 : index
      %get3A_1562 = tpu.vector_load %arg8[%get3A_1561] {strides = array<i32>} : memref<2080xf32, #tpu.memory_space<vmem>>, vector<16xf32>,
      tpu.vector_store_idx %arg9[%get3A_1558, %get3A_1560], %get3A_1562 : memref<65x64xf32, #tpu.memory_space<vmem>>[vector<16xi32>, vector<16xi32>], vector<16xf32>,
      %get3A_1563 = arith.constant 1408 : index
      %get3A_1564 = tpu.vector_load %arg6[%get3A_1563] {strides = array<i32>} : memref<2080xi32, #tpu.memory_space<vmem>>, vector<16xi32>,
      %get3A_1565 = arith.constant 1408 : index
      %get3A_1566 = tpu.vector_load %arg7[%get3A_1565] {strides = array<i32>} : memref<2080xi32, #tpu.memory_space<vmem>>, vector<16xi32>,
      %get3A_1567 = arith.constant 1408 : index
      %get3A_1568 = tpu.vector_load %arg8[%get3A_1567] {strides = array<i32>} : memref<2080xf32, #tpu.memory_space<vmem>>, vector<16xf32>,
      tpu.vector_store_idx %arg9[%get3A_1564, %get3A_1566], %get3A_1568 : memref<65x64xf32, #tpu.memory_space<vmem>>[vector<16xi32>, vector<16xi32>], vector<16xf32>,
      %get3A_1569 = arith.constant 1424 : index
      %get3A_1570 = tpu.vector_load %arg6[%get3A_1569] {strides = array<i32>} : memref<2080xi32, #tpu.memory_space<vmem>>, vector<16xi32>,
      %get3A_1571 = arith.constant 1424 : index
      %get3A_1572 = tpu.vector_load %arg7[%get3A_1571] {strides = array<i32>} : memref<2080xi32, #tpu.memory_space<vmem>>, vector<16xi32>,
      %get3A_1573 = arith.constant 1424 : index
      %get3A_1574 = tpu.vector_load %arg8[%get3A_1573] {strides = array<i32>} : memref<2080xf32, #tpu.memory_space<vmem>>, vector<16xf32>,
      tpu.vector_store_idx %arg9[%get3A_1570, %get3A_1572], %get3A_1574 : memref<65x64xf32, #tpu.memory_space<vmem>>[vector<16xi32>, vector<16xi32>], vector<16xf32>,
      %get3A_1575 = arith.constant 1440 : index
      %get3A_1576 = tpu.vector_load %arg6[%get3A_1575] {strides = array<i32>} : memref<2080xi32, #tpu.memory_space<vmem>>, vector<16xi32>,
      %get3A_1577 = arith.constant 1440 : index
      %get3A_1578 = tpu.vector_load %arg7[%get3A_1577] {strides = array<i32>} : memref<2080xi32, #tpu.memory_space<vmem>>, vector<16xi32>,
      %get3A_1579 = arith.constant 1440 : index
      %get3A_1580 = tpu.vector_load %arg8[%get3A_1579] {strides = array<i32>} : memref<2080xf32, #tpu.memory_space<vmem>>, vector<16xf32>,
      tpu.vector_store_idx %arg9[%get3A_1576, %get3A_1578], %get3A_1580 : memref<65x64xf32, #tpu.memory_space<vmem>>[vector<16xi32>, vector<16xi32>], vector<16xf32>,
      %get3A_1581 = arith.constant 1456 : index
      %get3A_1582 = tpu.vector_load %arg6[%get3A_1581] {strides = array<i32>} : memref<2080xi32, #tpu.memory_space<vmem>>, vector<16xi32>,
      %get3A_1583 = arith.constant 1456 : index
      %get3A_1584 = tpu.vector_load %arg7[%get3A_1583] {strides = array<i32>} : memref<2080xi32, #tpu.memory_space<vmem>>, vector<16xi32>,
      %get3A_1585 = arith.constant 1456 : index
      %get3A_1586 = tpu.vector_load %arg8[%get3A_1585] {strides = array<i32>} : memref<2080xf32, #tpu.memory_space<vmem>>, vector<16xf32>,
      tpu.vector_store_idx %arg9[%get3A_1582, %get3A_1584], %get3A_1586 : memref<65x64xf32, #tpu.memory_space<vmem>>[vector<16xi32>, vector<16xi32>], vector<16xf32>,
      %get3A_1587 = arith.constant 1472 : index
      %get3A_1588 = tpu.vector_load %arg6[%get3A_1587] {strides = array<i32>} : memref<2080xi32, #tpu.memory_space<vmem>>, vector<16xi32>,
      %get3A_1589 = arith.constant 1472 : index
      %get3A_1590 = tpu.vector_load %arg7[%get3A_1589] {strides = array<i32>} : memref<2080xi32, #tpu.memory_space<vmem>>, vector<16xi32>,
      %get3A_1591 = arith.constant 1472 : index
      %get3A_1592 = tpu.vector_load %arg8[%get3A_1591] {strides = array<i32>} : memref<2080xf32, #tpu.memory_space<vmem>>, vector<16xf32>,
      tpu.vector_store_idx %arg9[%get3A_1588, %get3A_1590], %get3A_1592 : memref<65x64xf32, #tpu.memory_space<vmem>>[vector<16xi32>, vector<16xi32>], vector<16xf32>,
      %get3A_1593 = arith.constant 1488 : index
      %get3A_1594 = tpu.vector_load %arg6[%get3A_1593] {strides = array<i32>} : memref<2080xi32, #tpu.memory_space<vmem>>, vector<16xi32>,
      %get3A_1595 = arith.constant 1488 : index
      %get3A_1596 = tpu.vector_load %arg7[%get3A_1595] {strides = array<i32>} : memref<2080xi32, #tpu.memory_space<vmem>>, vector<16xi32>,
      %get3A_1597 = arith.constant 1488 : index
      %get3A_1598 = tpu.vector_load %arg8[%get3A_1597] {strides = array<i32>} : memref<2080xf32, #tpu.memory_space<vmem>>, vector<16xf32>,
      tpu.vector_store_idx %arg9[%get3A_1594, %get3A_1596], %get3A_1598 : memref<65x64xf32, #tpu.memory_space<vmem>>[vector<16xi32>, vector<16xi32>], vector<16xf32>,
      %get3A_1599 = arith.constant 1504 : index
      %get3A_1600 = tpu.vector_load %arg6[%get3A_1599] {strides = array<i32>} : memref<2080xi32, #tpu.memory_space<vmem>>, vector<16xi32>,
      %get3A_1601 = arith.constant 1504 : index
      %get3A_1602 = tpu.vector_load %arg7[%get3A_1601] {strides = array<i32>} : memref<2080xi32, #tpu.memory_space<vmem>>, vector<16xi32>,
      %get3A_1603 = arith.constant 1504 : index
      %get3A_1604 = tpu.vector_load %arg8[%get3A_1603] {strides = array<i32>} : memref<2080xf32, #tpu.memory_space<vmem>>, vector<16xf32>,
      tpu.vector_store_idx %arg9[%get3A_1600, %get3A_1602], %get3A_1604 : memref<65x64xf32, #tpu.memory_space<vmem>>[vector<16xi32>, vector<16xi32>], vector<16xf32>,
      %get3A_1605 = arith.constant 1520 : index
      %get3A_1606 = tpu.vector_load %arg6[%get3A_1605] {strides = array<i32>} : memref<2080xi32, #tpu.memory_space<vmem>>, vector<16xi32>,
      %get3A_1607 = arith.constant 1520 : index
      %get3A_1608 = tpu.vector_load %arg7[%get3A_1607] {strides = array<i32>} : memref<2080xi32, #tpu.memory_space<vmem>>, vector<16xi32>,
      %get3A_1609 = arith.constant 1520 : index
      %get3A_1610 = tpu.vector_load %arg8[%get3A_1609] {strides = array<i32>} : memref<2080xf32, #tpu.memory_space<vmem>>, vector<16xf32>,
      tpu.vector_store_idx %arg9[%get3A_1606, %get3A_1608], %get3A_1610 : memref<65x64xf32, #tpu.memory_space<vmem>>[vector<16xi32>, vector<16xi32>], vector<16xf32>,
      %get3A_1611 = arith.constant 1536 : index
      %get3A_1612 = tpu.vector_load %arg6[%get3A_1611] {strides = array<i32>} : memref<2080xi32, #tpu.memory_space<vmem>>, vector<16xi32>,
      %get3A_1613 = arith.constant 1536 : index
      %get3A_1614 = tpu.vector_load %arg7[%get3A_1613] {strides = array<i32>} : memref<2080xi32, #tpu.memory_space<vmem>>, vector<16xi32>,
      %get3A_1615 = arith.constant 1536 : index
      %get3A_1616 = tpu.vector_load %arg8[%get3A_1615] {strides = array<i32>} : memref<2080xf32, #tpu.memory_space<vmem>>, vector<16xf32>,
      tpu.vector_store_idx %arg9[%get3A_1612, %get3A_1614], %get3A_1616 : memref<65x64xf32, #tpu.memory_space<vmem>>[vector<16xi32>, vector<16xi32>], vector<16xf32>,
      %get3A_1617 = arith.constant 1552 : index
      %get3A_1618 = tpu.vector_load %arg6[%get3A_1617] {strides = array<i32>} : memref<2080xi32, #tpu.memory_space<vmem>>, vector<16xi32>,
      %get3A_1619 = arith.constant 1552 : index
      %get3A_1620 = tpu.vector_load %arg7[%get3A_1619] {strides = array<i32>} : memref<2080xi32, #tpu.memory_space<vmem>>, vector<16xi32>,
      %get3A_1621 = arith.constant 1552 : index
      %get3A_1622 = tpu.vector_load %arg8[%get3A_1621] {strides = array<i32>} : memref<2080xf32, #tpu.memory_space<vmem>>, vector<16xf32>,
      tpu.vector_store_idx %arg9[%get3A_1618, %get3A_1620], %get3A_1622 : memref<65x64xf32, #tpu.memory_space<vmem>>[vector<16xi32>, vector<16xi32>], vector<16xf32>,
      %get3A_1623 = arith.constant 1568 : index
      %get3A_1624 = tpu.vector_load %arg6[%get3A_1623] {strides = array<i32>} : memref<2080xi32, #tpu.memory_space<vmem>>, vector<16xi32>,
      %get3A_1625 = arith.constant 1568 : index
      %get3A_1626 = tpu.vector_load %arg7[%get3A_1625] {strides = array<i32>} : memref<2080xi32, #tpu.memory_space<vmem>>, vector<16xi32>,
      %get3A_1627 = arith.constant 1568 : index
      %get3A_1628 = tpu.vector_load %arg8[%get3A_1627] {strides = array<i32>} : memref<2080xf32, #tpu.memory_space<vmem>>, vector<16xf32>,
      tpu.vector_store_idx %arg9[%get3A_1624, %get3A_1626], %get3A_1628 : memref<65x64xf32, #tpu.memory_space<vmem>>[vector<16xi32>, vector<16xi32>], vector<16xf32>,
      %get3A_1629 = arith.constant 1584 : index
      %get3A_1630 = tpu.vector_load %arg6[%get3A_1629] {strides = array<i32>} : memref<2080xi32, #tpu.memory_space<vmem>>, vector<16xi32>,
      %get3A_1631 = arith.constant 1584 : index
      %get3A_1632 = tpu.vector_load %arg7[%get3A_1631] {strides = array<i32>} : memref<2080xi32, #tpu.memory_space<vmem>>, vector<16xi32>,
      %get3A_1633 = arith.constant 1584 : index
      %get3A_1634 = tpu.vector_load %arg8[%get3A_1633] {strides = array<i32>} : memref<2080xf32, #tpu.memory_space<vmem>>, vector<16xf32>,
      tpu.vector_store_idx %arg9[%get3A_1630, %get3A_1632], %get3A_1634 : memref<65x64xf32, #tpu.memory_space<vmem>>[vector<16xi32>, vector<16xi32>], vector<16xf32>,
      %get3A_1635 = arith.constant 1600 : index
      %get3A_1636 = tpu.vector_load %arg6[%get3A_1635] {strides = array<i32>} : memref<2080xi32, #tpu.memory_space<vmem>>, vector<16xi32>,
      %get3A_1637 = arith.constant 1600 : index
      %get3A_1638 = tpu.vector_load %arg7[%get3A_1637] {strides = array<i32>} : memref<2080xi32, #tpu.memory_space<vmem>>, vector<16xi32>,
      %get3A_1639 = arith.constant 1600 : index
      %get3A_1640 = tpu.vector_load %arg8[%get3A_1639] {strides = array<i32>} : memref<2080xf32, #tpu.memory_space<vmem>>, vector<16xf32>,
      tpu.vector_store_idx %arg9[%get3A_1636, %get3A_1638], %get3A_1640 : memref<65x64xf32, #tpu.memory_space<vmem>>[vector<16xi32>, vector<16xi32>], vector<16xf32>,
      %get3A_1641 = arith.constant 1616 : index
      %get3A_1642 = tpu.vector_load %arg6[%get3A_1641] {strides = array<i32>} : memref<2080xi32, #tpu.memory_space<vmem>>, vector<16xi32>,
      %get3A_1643 = arith.constant 1616 : index
      %get3A_1644 = tpu.vector_load %arg7[%get3A_1643] {strides = array<i32>} : memref<2080xi32, #tpu.memory_space<vmem>>, vector<16xi32>,
      %get3A_1645 = arith.constant 1616 : index
      %get3A_1646 = tpu.vector_load %arg8[%get3A_1645] {strides = array<i32>} : memref<2080xf32, #tpu.memory_space<vmem>>, vector<16xf32>,
      tpu.vector_store_idx %arg9[%get3A_1642, %get3A_1644], %get3A_1646 : memref<65x64xf32, #tpu.memory_space<vmem>>[vector<16xi32>, vector<16xi32>], vector<16xf32>,
      %get3A_1647 = arith.constant 1632 : index
      %get3A_1648 = tpu.vector_load %arg6[%get3A_1647] {strides = array<i32>} : memref<2080xi32, #tpu.memory_space<vmem>>, vector<16xi32>,
      %get3A_1649 = arith.constant 1632 : index
      %get3A_1650 = tpu.vector_load %arg7[%get3A_1649] {strides = array<i32>} : memref<2080xi32, #tpu.memory_space<vmem>>, vector<16xi32>,
      %get3A_1651 = arith.constant 1632 : index
      %get3A_1652 = tpu.vector_load %arg8[%get3A_1651] {strides = array<i32>} : memref<2080xf32, #tpu.memory_space<vmem>>, vector<16xf32>,
      tpu.vector_store_idx %arg9[%get3A_1648, %get3A_1650], %get3A_1652 : memref<65x64xf32, #tpu.memory_space<vmem>>[vector<16xi32>, vector<16xi32>], vector<16xf32>,
      %get3A_1653 = arith.constant 1648 : index
      %get3A_1654 = tpu.vector_load %arg6[%get3A_1653] {strides = array<i32>} : memref<2080xi32, #tpu.memory_space<vmem>>, vector<16xi32>,
      %get3A_1655 = arith.constant 1648 : index
      %get3A_1656 = tpu.vector_load %arg7[%get3A_1655] {strides = array<i32>} : memref<2080xi32, #tpu.memory_space<vmem>>, vector<16xi32>,
      %get3A_1657 = arith.constant 1648 : index
      %get3A_1658 = tpu.vector_load %arg8[%get3A_1657] {strides = array<i32>} : memref<2080xf32, #tpu.memory_space<vmem>>, vector<16xf32>,
      tpu.vector_store_idx %arg9[%get3A_1654, %get3A_1656], %get3A_1658 : memref<65x64xf32, #tpu.memory_space<vmem>>[vector<16xi32>, vector<16xi32>], vector<16xf32>,
      %get3A_1659 = arith.constant 1664 : index
      %get3A_1660 = tpu.vector_load %arg6[%get3A_1659] {strides = array<i32>} : memref<2080xi32, #tpu.memory_space<vmem>>, vector<16xi32>,
      %get3A_1661 = arith.constant 1664 : index
      %get3A_1662 = tpu.vector_load %arg7[%get3A_1661] {strides = array<i32>} : memref<2080xi32, #tpu.memory_space<vmem>>, vector<16xi32>,
      %get3A_1663 = arith.constant 1664 : index
      %get3A_1664 = tpu.vector_load %arg8[%get3A_1663] {strides = array<i32>} : memref<2080xf32, #tpu.memory_space<vmem>>, vector<16xf32>,
      tpu.vector_store_idx %arg9[%get3A_1660, %get3A_1662], %get3A_1664 : memref<65x64xf32, #tpu.memory_space<vmem>>[vector<16xi32>, vector<16xi32>], vector<16xf32>,
      %get3A_1665 = arith.constant 1680 : index
      %get3A_1666 = tpu.vector_load %arg6[%get3A_1665] {strides = array<i32>} : memref<2080xi32, #tpu.memory_space<vmem>>, vector<16xi32>,
      %get3A_1667 = arith.constant 1680 : index
      %get3A_1668 = tpu.vector_load %arg7[%get3A_1667] {strides = array<i32>} : memref<2080xi32, #tpu.memory_space<vmem>>, vector<16xi32>,
      %get3A_1669 = arith.constant 1680 : index
      %get3A_1670 = tpu.vector_load %arg8[%get3A_1669] {strides = array<i32>} : memref<2080xf32, #tpu.memory_space<vmem>>, vector<16xf32>,
      tpu.vector_store_idx %arg9[%get3A_1666, %get3A_1668], %get3A_1670 : memref<65x64xf32, #tpu.memory_space<vmem>>[vector<16xi32>, vector<16xi32>], vector<16xf32>,
      %get3A_1671 = arith.constant 1696 : index
      %get3A_1672 = tpu.vector_load %arg6[%get3A_1671] {strides = array<i32>} : memref<2080xi32, #tpu.memory_space<vmem>>, vector<16xi32>,
      %get3A_1673 = arith.constant 1696 : index
      %get3A_1674 = tpu.vector_load %arg7[%get3A_1673] {strides = array<i32>} : memref<2080xi32, #tpu.memory_space<vmem>>, vector<16xi32>,
      %get3A_1675 = arith.constant 1696 : index
      %get3A_1676 = tpu.vector_load %arg8[%get3A_1675] {strides = array<i32>} : memref<2080xf32, #tpu.memory_space<vmem>>, vector<16xf32>,
      tpu.vector_store_idx %arg9[%get3A_1672, %get3A_1674], %get3A_1676 : memref<65x64xf32, #tpu.memory_space<vmem>>[vector<16xi32>, vector<16xi32>], vector<16xf32>,
      %get3A_1677 = arith.constant 1712 : index
      %get3A_1678 = tpu.vector_load %arg6[%get3A_1677] {strides = array<i32>} : memref<2080xi32, #tpu.memory_space<vmem>>, vector<16xi32>,
      %get3A_1679 = arith.constant 1712 : index
      %get3A_1680 = tpu.vector_load %arg7[%get3A_1679] {strides = array<i32>} : memref<2080xi32, #tpu.memory_space<vmem>>, vector<16xi32>,
      %get3A_1681 = arith.constant 1712 : index
      %get3A_1682 = tpu.vector_load %arg8[%get3A_1681] {strides = array<i32>} : memref<2080xf32, #tpu.memory_space<vmem>>, vector<16xf32>,
      tpu.vector_store_idx %arg9[%get3A_1678, %get3A_1680], %get3A_1682 : memref<65x64xf32, #tpu.memory_space<vmem>>[vector<16xi32>, vector<16xi32>], vector<16xf32>,
      %get3A_1683 = arith.constant 1728 : index
      %get3A_1684 = tpu.vector_load %arg6[%get3A_1683] {strides = array<i32>} : memref<2080xi32, #tpu.memory_space<vmem>>, vector<16xi32>,
      %get3A_1685 = arith.constant 1728 : index
      %get3A_1686 = tpu.vector_load %arg7[%get3A_1685] {strides = array<i32>} : memref<2080xi32, #tpu.memory_space<vmem>>, vector<16xi32>,
      %get3A_1687 = arith.constant 1728 : index
      %get3A_1688 = tpu.vector_load %arg8[%get3A_1687] {strides = array<i32>} : memref<2080xf32, #tpu.memory_space<vmem>>, vector<16xf32>,
      tpu.vector_store_idx %arg9[%get3A_1684, %get3A_1686], %get3A_1688 : memref<65x64xf32, #tpu.memory_space<vmem>>[vector<16xi32>, vector<16xi32>], vector<16xf32>,
      %get3A_1689 = arith.constant 1744 : index
      %get3A_1690 = tpu.vector_load %arg6[%get3A_1689] {strides = array<i32>} : memref<2080xi32, #tpu.memory_space<vmem>>, vector<16xi32>,
      %get3A_1691 = arith.constant 1744 : index
      %get3A_1692 = tpu.vector_load %arg7[%get3A_1691] {strides = array<i32>} : memref<2080xi32, #tpu.memory_space<vmem>>, vector<16xi32>,
      %get3A_1693 = arith.constant 1744 : index
      %get3A_1694 = tpu.vector_load %arg8[%get3A_1693] {strides = array<i32>} : memref<2080xf32, #tpu.memory_space<vmem>>, vector<16xf32>,
      tpu.vector_store_idx %arg9[%get3A_1690, %get3A_1692], %get3A_1694 : memref<65x64xf32, #tpu.memory_space<vmem>>[vector<16xi32>, vector<16xi32>], vector<16xf32>,
      %get3A_1695 = arith.constant 1760 : index
      %get3A_1696 = tpu.vector_load %arg6[%get3A_1695] {strides = array<i32>} : memref<2080xi32, #tpu.memory_space<vmem>>, vector<16xi32>,
      %get3A_1697 = arith.constant 1760 : index
      %get3A_1698 = tpu.vector_load %arg7[%get3A_1697] {strides = array<i32>} : memref<2080xi32, #tpu.memory_space<vmem>>, vector<16xi32>,
      %get3A_1699 = arith.constant 1760 : index
      %get3A_1700 = tpu.vector_load %arg8[%get3A_1699] {strides = array<i32>} : memref<2080xf32, #tpu.memory_space<vmem>>, vector<16xf32>,
      tpu.vector_store_idx %arg9[%get3A_1696, %get3A_1698], %get3A_1700 : memref<65x64xf32, #tpu.memory_space<vmem>>[vector<16xi32>, vector<16xi32>], vector<16xf32>,
      %get3A_1701 = arith.constant 1776 : index
      %get3A_1702 = tpu.vector_load %arg6[%get3A_1701] {strides = array<i32>} : memref<2080xi32, #tpu.memory_space<vmem>>, vector<16xi32>,
      %get3A_1703 = arith.constant 1776 : index
      %get3A_1704 = tpu.vector_load %arg7[%get3A_1703] {strides = array<i32>} : memref<2080xi32, #tpu.memory_space<vmem>>, vector<16xi32>,
      %get3A_1705 = arith.constant 1776 : index
      %get3A_1706 = tpu.vector_load %arg8[%get3A_1705] {strides = array<i32>} : memref<2080xf32, #tpu.memory_space<vmem>>, vector<16xf32>,
      tpu.vector_store_idx %arg9[%get3A_1702, %get3A_1704], %get3A_1706 : memref<65x64xf32, #tpu.memory_space<vmem>>[vector<16xi32>, vector<16xi32>], vector<16xf32>,
      %get3A_1707 = arith.constant 1792 : index
      %get3A_1708 = tpu.vector_load %arg6[%get3A_1707] {strides = array<i32>} : memref<2080xi32, #tpu.memory_space<vmem>>, vector<16xi32>,
      %get3A_1709 = arith.constant 1792 : index
      %get3A_1710 = tpu.vector_load %arg7[%get3A_1709] {strides = array<i32>} : memref<2080xi32, #tpu.memory_space<vmem>>, vector<16xi32>,
      %get3A_1711 = arith.constant 1792 : index
      %get3A_1712 = tpu.vector_load %arg8[%get3A_1711] {strides = array<i32>} : memref<2080xf32, #tpu.memory_space<vmem>>, vector<16xf32>,
      tpu.vector_store_idx %arg9[%get3A_1708, %get3A_1710], %get3A_1712 : memref<65x64xf32, #tpu.memory_space<vmem>>[vector<16xi32>, vector<16xi32>], vector<16xf32>,
      %get3A_1713 = arith.constant 1808 : index
      %get3A_1714 = tpu.vector_load %arg6[%get3A_1713] {strides = array<i32>} : memref<2080xi32, #tpu.memory_space<vmem>>, vector<16xi32>,
      %get3A_1715 = arith.constant 1808 : index
      %get3A_1716 = tpu.vector_load %arg7[%get3A_1715] {strides = array<i32>} : memref<2080xi32, #tpu.memory_space<vmem>>, vector<16xi32>,
      %get3A_1717 = arith.constant 1808 : index
      %get3A_1718 = tpu.vector_load %arg8[%get3A_1717] {strides = array<i32>} : memref<2080xf32, #tpu.memory_space<vmem>>, vector<16xf32>,
      tpu.vector_store_idx %arg9[%get3A_1714, %get3A_1716], %get3A_1718 : memref<65x64xf32, #tpu.memory_space<vmem>>[vector<16xi32>, vector<16xi32>], vector<16xf32>,
      %get3A_1719 = arith.constant 1824 : index
      %get3A_1720 = tpu.vector_load %arg6[%get3A_1719] {strides = array<i32>} : memref<2080xi32, #tpu.memory_space<vmem>>, vector<16xi32>,
      %get3A_1721 = arith.constant 1824 : index
      %get3A_1722 = tpu.vector_load %arg7[%get3A_1721] {strides = array<i32>} : memref<2080xi32, #tpu.memory_space<vmem>>, vector<16xi32>,
      %get3A_1723 = arith.constant 1824 : index
      %get3A_1724 = tpu.vector_load %arg8[%get3A_1723] {strides = array<i32>} : memref<2080xf32, #tpu.memory_space<vmem>>, vector<16xf32>,
      tpu.vector_store_idx %arg9[%get3A_1720, %get3A_1722], %get3A_1724 : memref<65x64xf32, #tpu.memory_space<vmem>>[vector<16xi32>, vector<16xi32>], vector<16xf32>,
      %get3A_1725 = arith.constant 1840 : index
      %get3A_1726 = tpu.vector_load %arg6[%get3A_1725] {strides = array<i32>} : memref<2080xi32, #tpu.memory_space<vmem>>, vector<16xi32>,
      %get3A_1727 = arith.constant 1840 : index
      %get3A_1728 = tpu.vector_load %arg7[%get3A_1727] {strides = array<i32>} : memref<2080xi32, #tpu.memory_space<vmem>>, vector<16xi32>,
      %get3A_1729 = arith.constant 1840 : index
      %get3A_1730 = tpu.vector_load %arg8[%get3A_1729] {strides = array<i32>} : memref<2080xf32, #tpu.memory_space<vmem>>, vector<16xf32>,
      tpu.vector_store_idx %arg9[%get3A_1726, %get3A_1728], %get3A_1730 : memref<65x64xf32, #tpu.memory_space<vmem>>[vector<16xi32>, vector<16xi32>], vector<16xf32>,
      %get3A_1731 = arith.constant 1856 : index
      %get3A_1732 = tpu.vector_load %arg6[%get3A_1731] {strides = array<i32>} : memref<2080xi32, #tpu.memory_space<vmem>>, vector<16xi32>,
      %get3A_1733 = arith.constant 1856 : index
      %get3A_1734 = tpu.vector_load %arg7[%get3A_1733] {strides = array<i32>} : memref<2080xi32, #tpu.memory_space<vmem>>, vector<16xi32>,
      %get3A_1735 = arith.constant 1856 : index
      %get3A_1736 = tpu.vector_load %arg8[%get3A_1735] {strides = array<i32>} : memref<2080xf32, #tpu.memory_space<vmem>>, vector<16xf32>,
      tpu.vector_store_idx %arg9[%get3A_1732, %get3A_1734], %get3A_1736 : memref<65x64xf32, #tpu.memory_space<vmem>>[vector<16xi32>, vector<16xi32>], vector<16xf32>,
      %get3A_1737 = arith.constant 1872 : index
      %get3A_1738 = tpu.vector_load %arg6[%get3A_1737] {strides = array<i32>} : memref<2080xi32, #tpu.memory_space<vmem>>, vector<16xi32>,
      %get3A_1739 = arith.constant 1872 : index
      %get3A_1740 = tpu.vector_load %arg7[%get3A_1739] {strides = array<i32>} : memref<2080xi32, #tpu.memory_space<vmem>>, vector<16xi32>,
      %get3A_1741 = arith.constant 1872 : index
      %get3A_1742 = tpu.vector_load %arg8[%get3A_1741] {strides = array<i32>} : memref<2080xf32, #tpu.memory_space<vmem>>, vector<16xf32>,
      tpu.vector_store_idx %arg9[%get3A_1738, %get3A_1740], %get3A_1742 : memref<65x64xf32, #tpu.memory_space<vmem>>[vector<16xi32>, vector<16xi32>], vector<16xf32>,
      %get3A_1743 = arith.constant 1888 : index
      %get3A_1744 = tpu.vector_load %arg6[%get3A_1743] {strides = array<i32>} : memref<2080xi32, #tpu.memory_space<vmem>>, vector<16xi32>,
      %get3A_1745 = arith.constant 1888 : index
      %get3A_1746 = tpu.vector_load %arg7[%get3A_1745] {strides = array<i32>} : memref<2080xi32, #tpu.memory_space<vmem>>, vector<16xi32>,
      %get3A_1747 = arith.constant 1888 : index
      %get3A_1748 = tpu.vector_load %arg8[%get3A_1747] {strides = array<i32>} : memref<2080xf32, #tpu.memory_space<vmem>>, vector<16xf32>,
      tpu.vector_store_idx %arg9[%get3A_1744, %get3A_1746], %get3A_1748 : memref<65x64xf32, #tpu.memory_space<vmem>>[vector<16xi32>, vector<16xi32>], vector<16xf32>,
      %get3A_1749 = arith.constant 1904 : index
      %get3A_1750 = tpu.vector_load %arg6[%get3A_1749] {strides = array<i32>} : memref<2080xi32, #tpu.memory_space<vmem>>, vector<16xi32>,
      %get3A_1751 = arith.constant 1904 : index
      %get3A_1752 = tpu.vector_load %arg7[%get3A_1751] {strides = array<i32>} : memref<2080xi32, #tpu.memory_space<vmem>>, vector<16xi32>,
      %get3A_1753 = arith.constant 1904 : index
      %get3A_1754 = tpu.vector_load %arg8[%get3A_1753] {strides = array<i32>} : memref<2080xf32, #tpu.memory_space<vmem>>, vector<16xf32>,
      tpu.vector_store_idx %arg9[%get3A_1750, %get3A_1752], %get3A_1754 : memref<65x64xf32, #tpu.memory_space<vmem>>[vector<16xi32>, vector<16xi32>], vector<16xf32>,
      %get3A_1755 = arith.constant 1920 : index
      %get3A_1756 = tpu.vector_load %arg6[%get3A_1755] {strides = array<i32>} : memref<2080xi32, #tpu.memory_space<vmem>>, vector<16xi32>,
      %get3A_1757 = arith.constant 1920 : index
      %get3A_1758 = tpu.vector_load %arg7[%get3A_1757] {strides = array<i32>} : memref<2080xi32, #tpu.memory_space<vmem>>, vector<16xi32>,
      %get3A_1759 = arith.constant 1920 : index
      %get3A_1760 = tpu.vector_load %arg8[%get3A_1759] {strides = array<i32>} : memref<2080xf32, #tpu.memory_space<vmem>>, vector<16xf32>,
      tpu.vector_store_idx %arg9[%get3A_1756, %get3A_1758], %get3A_1760 : memref<65x64xf32, #tpu.memory_space<vmem>>[vector<16xi32>, vector<16xi32>], vector<16xf32>,
      %get3A_1761 = arith.constant 1936 : index
      %get3A_1762 = tpu.vector_load %arg6[%get3A_1761] {strides = array<i32>} : memref<2080xi32, #tpu.memory_space<vmem>>, vector<16xi32>,
      %get3A_1763 = arith.constant 1936 : index
      %get3A_1764 = tpu.vector_load %arg7[%get3A_1763] {strides = array<i32>} : memref<2080xi32, #tpu.memory_space<vmem>>, vector<16xi32>,
      %get3A_1765 = arith.constant 1936 : index
      %get3A_1766 = tpu.vector_load %arg8[%get3A_1765] {strides = array<i32>} : memref<2080xf32, #tpu.memory_space<vmem>>, vector<16xf32>,
      tpu.vector_store_idx %arg9[%get3A_1762, %get3A_1764], %get3A_1766 : memref<65x64xf32, #tpu.memory_space<vmem>>[vector<16xi32>, vector<16xi32>], vector<16xf32>,
      %get3A_1767 = arith.constant 1952 : index
      %get3A_1768 = tpu.vector_load %arg6[%get3A_1767] {strides = array<i32>} : memref<2080xi32, #tpu.memory_space<vmem>>, vector<16xi32>,
      %get3A_1769 = arith.constant 1952 : index
      %get3A_1770 = tpu.vector_load %arg7[%get3A_1769] {strides = array<i32>} : memref<2080xi32, #tpu.memory_space<vmem>>, vector<16xi32>,
      %get3A_1771 = arith.constant 1952 : index
      %get3A_1772 = tpu.vector_load %arg8[%get3A_1771] {strides = array<i32>} : memref<2080xf32, #tpu.memory_space<vmem>>, vector<16xf32>,
      tpu.vector_store_idx %arg9[%get3A_1768, %get3A_1770], %get3A_1772 : memref<65x64xf32, #tpu.memory_space<vmem>>[vector<16xi32>, vector<16xi32>], vector<16xf32>,
      %get3A_1773 = arith.constant 1968 : index
      %get3A_1774 = tpu.vector_load %arg6[%get3A_1773] {strides = array<i32>} : memref<2080xi32, #tpu.memory_space<vmem>>, vector<16xi32>,
      %get3A_1775 = arith.constant 1968 : index
      %get3A_1776 = tpu.vector_load %arg7[%get3A_1775] {strides = array<i32>} : memref<2080xi32, #tpu.memory_space<vmem>>, vector<16xi32>,
      %get3A_1777 = arith.constant 1968 : index
      %get3A_1778 = tpu.vector_load %arg8[%get3A_1777] {strides = array<i32>} : memref<2080xf32, #tpu.memory_space<vmem>>, vector<16xf32>,
      tpu.vector_store_idx %arg9[%get3A_1774, %get3A_1776], %get3A_1778 : memref<65x64xf32, #tpu.memory_space<vmem>>[vector<16xi32>, vector<16xi32>], vector<16xf32>,
      %get3A_1779 = arith.constant 1984 : index
      %get3A_1780 = tpu.vector_load %arg6[%get3A_1779] {strides = array<i32>} : memref<2080xi32, #tpu.memory_space<vmem>>, vector<16xi32>,
      %get3A_1781 = arith.constant 1984 : index
      %get3A_1782 = tpu.vector_load %arg7[%get3A_1781] {strides = array<i32>} : memref<2080xi32, #tpu.memory_space<vmem>>, vector<16xi32>,
      %get3A_1783 = arith.constant 1984 : index
      %get3A_1784 = tpu.vector_load %arg8[%get3A_1783] {strides = array<i32>} : memref<2080xf32, #tpu.memory_space<vmem>>, vector<16xf32>,
      tpu.vector_store_idx %arg9[%get3A_1780, %get3A_1782], %get3A_1784 : memref<65x64xf32, #tpu.memory_space<vmem>>[vector<16xi32>, vector<16xi32>], vector<16xf32>,
      %get3A_1785 = arith.constant 2000 : index
      %get3A_1786 = tpu.vector_load %arg6[%get3A_1785] {strides = array<i32>} : memref<2080xi32, #tpu.memory_space<vmem>>, vector<16xi32>,
      %get3A_1787 = arith.constant 2000 : index
      %get3A_1788 = tpu.vector_load %arg7[%get3A_1787] {strides = array<i32>} : memref<2080xi32, #tpu.memory_space<vmem>>, vector<16xi32>,
      %get3A_1789 = arith.constant 2000 : index
      %get3A_1790 = tpu.vector_load %arg8[%get3A_1789] {strides = array<i32>} : memref<2080xf32, #tpu.memory_space<vmem>>, vector<16xf32>,
      tpu.vector_store_idx %arg9[%get3A_1786, %get3A_1788], %get3A_1790 : memref<65x64xf32, #tpu.memory_space<vmem>>[vector<16xi32>, vector<16xi32>], vector<16xf32>,
      %get3A_1791 = arith.constant 2016 : index
      %get3A_1792 = tpu.vector_load %arg6[%get3A_1791] {strides = array<i32>} : memref<2080xi32, #tpu.memory_space<vmem>>, vector<16xi32>,
      %get3A_1793 = arith.constant 2016 : index
      %get3A_1794 = tpu.vector_load %arg7[%get3A_1793] {strides = array<i32>} : memref<2080xi32, #tpu.memory_space<vmem>>, vector<16xi32>,
      %get3A_1795 = arith.constant 2016 : index
      %get3A_1796 = tpu.vector_load %arg8[%get3A_1795] {strides = array<i32>} : memref<2080xf32, #tpu.memory_space<vmem>>, vector<16xf32>,
      tpu.vector_store_idx %arg9[%get3A_1792, %get3A_1794], %get3A_1796 : memref<65x64xf32, #tpu.memory_space<vmem>>[vector<16xi32>, vector<16xi32>], vector<16xf32>,
      %get3A_1797 = arith.constant 2032 : index
      %get3A_1798 = tpu.vector_load %arg6[%get3A_1797] {strides = array<i32>} : memref<2080xi32, #tpu.memory_space<vmem>>, vector<16xi32>,
      %get3A_1799 = arith.constant 2032 : index
      %get3A_1800 = tpu.vector_load %arg7[%get3A_1799] {strides = array<i32>} : memref<2080xi32, #tpu.memory_space<vmem>>, vector<16xi32>,
      %get3A_1801 = arith.constant 2032 : index
      %get3A_1802 = tpu.vector_load %arg8[%get3A_1801] {strides = array<i32>} : memref<2080xf32, #tpu.memory_space<vmem>>, vector<16xf32>,
      tpu.vector_store_idx %arg9[%get3A_1798, %get3A_1800], %get3A_1802 : memref<65x64xf32, #tpu.memory_space<vmem>>[vector<16xi32>, vector<16xi32>], vector<16xf32>,
      %get3A_1803 = arith.constant 2048 : index
      %get3A_1804 = tpu.vector_load %arg6[%get3A_1803] {strides = array<i32>} : memref<2080xi32, #tpu.memory_space<vmem>>, vector<16xi32>,
      %get3A_1805 = arith.constant 2048 : index
      %get3A_1806 = tpu.vector_load %arg7[%get3A_1805] {strides = array<i32>} : memref<2080xi32, #tpu.memory_space<vmem>>, vector<16xi32>,
      %get3A_1807 = arith.constant 2048 : index
      %get3A_1808 = tpu.vector_load %arg8[%get3A_1807] {strides = array<i32>} : memref<2080xf32, #tpu.memory_space<vmem>>, vector<16xf32>,
      tpu.vector_store_idx %arg9[%get3A_1804, %get3A_1806], %get3A_1808 : memref<65x64xf32, #tpu.memory_space<vmem>>[vector<16xi32>, vector<16xi32>], vector<16xf32>,
      %get3A_1809 = arith.constant 2064 : index
      %get3A_1810 = tpu.vector_load %arg6[%get3A_1809] {strides = array<i32>} : memref<2080xi32, #tpu.memory_space<vmem>>, vector<16xi32>,
      %get3A_1811 = arith.constant 2064 : index
      %get3A_1812 = tpu.vector_load %arg7[%get3A_1811] {strides = array<i32>} : memref<2080xi32, #tpu.memory_space<vmem>>, vector<16xi32>,
      %get3A_1813 = arith.constant 2064 : index
      %get3A_1814 = tpu.vector_load %arg8[%get3A_1813] {strides = array<i32>} : memref<2080xf32, #tpu.memory_space<vmem>>, vector<16xf32>,
      tpu.vector_store_idx %arg9[%get3A_1810, %get3A_1812], %get3A_1814 : memref<65x64xf32, #tpu.memory_space<vmem>>[vector<16xi32>, vector<16xi32>], vector<16xf32>,
      tpu.enqueue_dma source(%arg9 : memref<65x64xf32, #tpu.memory_space<vmem>>) target(%arg5 : memref<65x64xf32, #tpu.memory_space<hbm>>) target_semaphore(%arg10 : memref<!tpu.dma_semaphore, #tpu.memory_space<semaphore_mem>>)
      tpu.wait_dma2 semaphore(%arg10 : memref<!tpu.dma_semaphore, #tpu.memory_space<semaphore_mem>>) src(%arg9 : memref<65x64xf32, #tpu.memory_space<vmem>>) dst(%arg5 : memref<65x64xf32, #tpu.memory_space<hbm>>)
    } else {
    }
    return
  }
}

module attributes {stable_mosaic.version = 14 : i64} {
  func.func @_tc_body(%arg0: memref<4096x64xi32, #tpu.memory_space<vmem>>, %arg1: memref<65x64xf32, #tpu.memory_space<vmem>>, %arg2: memref<4096x1xf32, #tpu.memory_space<vmem>>) attributes {dimension_semantics = [], scalar_prefetch = 0 : i64, scratch_operands = 0 : i64, tpu.core_type = #tpu.core_type<tc>} {
    %get3A = arith.constant 0 : index
    %get3A_0 = arith.constant 0 : index
    %get3A_1 = vector.load %arg0[%get3A, %get3A_0] : memref<4096x64xi32, #tpu.memory_space<vmem>>, vector<4096x64xi32>
    %mul3A = arith.constant 2 : i32
    %mul3A_2 = vector.broadcast %mul3A : i32 to vector<4096x64xi32>
    %mul3A_3 = arith.muli %mul3A_2, %get3A_1 : vector<4096x64xi32>
    %sub3A = arith.constant 1 : i32
    %sub3A_4 = vector.broadcast %sub3A : i32 to vector<4096x64xi32>
    %sub3A_5 = arith.subi %sub3A_4, %mul3A_3 : vector<4096x64xi32>
    %convert_element_type3A = arith.sitofp %sub3A_5 : vector<4096x64xi32> to vector<4096x64xf32>
    %get3A_6 = arith.constant 0 : index
    %get3A_7 = arith.constant 0 : index
    %get3A_8 = vector.load %arg1[%get3A_6, %get3A_7] : memref<65x64xf32, #tpu.memory_space<vmem>>, vector<64x64xf32>
    %get3A_9 = arith.constant 64 : index
    %get3A_10 = arith.constant 0 : index
    %get3A_11 = vector.load %arg1[%get3A_9, %get3A_10] : memref<65x64xf32, #tpu.memory_space<vmem>>, vector<1x64xf32>
    %dot_general3A = arith.constant dense<0.000000e+00> : vector<4096x64xf32>
    %dot_general3A_12 = tpu.matmul %convert_element_type3A, %get3A_8, %dot_general3A {dimension_numbers = #tpu.dot_dimension_numbers<[1], [0], [0], [1], [0, 0, 1, 1], [], []>, transpose_lhs_hint = false} : vector<4096x64xf32>, vector<64x64xf32>, vector<4096x64xf32> -> vector<4096x64xf32>
    %add3A = vector.broadcast %get3A_11 : vector<1x64xf32> to vector<4096x64xf32>
    %add3A_13 = arith.addf %dot_general3A_12, %add3A : vector<4096x64xf32>
    %mul3A_14 = arith.mulf %add3A_13, %convert_element_type3A : vector<4096x64xf32>
    %reduce_sum3A = arith.constant dense<0.000000e+00> : vector<4096xf32>
    %reduce_sum3A_15 = vector.multi_reduction <add>, %mul3A_14, %reduce_sum3A [1] : vector<4096x64xf32> to vector<4096xf32>
    %broadcast_in_dim3A = vector.shape_cast %reduce_sum3A_15 : vector<4096xf32> to vector<4096x1xf32>
    %swap3A = arith.constant 0 : index
    %swap3A_16 = arith.constant 0 : index
    %swap3A_17 = vector.load %arg2[%swap3A, %swap3A_16] : memref<4096x1xf32, #tpu.memory_space<vmem>>, vector<4096x1xf32>
    tpu.vector_store %arg2[%swap3A, %swap3A_16], %broadcast_in_dim3A {strides = array<i32>} : memref<4096x1xf32, #tpu.memory_space<vmem>>, vector<4096x1xf32>,
    return
  }
}

</mosaic_0001>

<sc_bundles>
// kernel: kernel.5.cloned.1.call-start
scs
__scs_entry_jumppad:
0x0: {  	(pc) =	sbr.rel $0x88, $3  }
0x1: {  	(tag) =	ssettag $0x0;
	lr =	simm.s32 $0x1  }
0x2: {  	[smem:$0x3F9E] =	sst lr;
	_ =	strace $0xD0000000  }
0x3: {  	_ = 	snop  }
0x4: {  	_ = 	snop  }
0x5: {  	_ = 	snop  }
0x6: {  	_ = 	snop  }
0x7: {  	_ = 	snop  }
__scs_overlays_trampoline_lowered:
0x8: {  	[smem:$0x3FAD] =	sst s0  }
0x9: {  	[smem:$0x3FAE] =	sst s1  }
0xa: {  	[smem:$0x3FAF] =	sst s2  }
0xb: {  	[smem:$0x3FB0] =	sst s3  }
0xc: {  	[smem:$0x3FB1] =	sst s4  }
0xd: {  	[smem:$0x3FB2] =	sst s5  }
0xe: {  	[smem:$0x3FB3] =	sst s6  }
0xf: {  	[smem:$0x3FB4] =	sst s7  }
0x10: {  	[smem:$0x3FB5] =	sst s8  }
0x11: {  	[smem:$0x3FB6] =	sst s9;
	s0 =	simm.s32 @!p0 $0x0  }
0x12: {  	s1 =	sld [smem:$0x3F9C];
	s0 =	simm.s32 @p0 $0x1  }
0x13: {  	[smem:$0x3FB7] =	sst s0;
	s0 =	simm.s32 @!p1 $0x0  }
0x14: {  	s2 =	sld [smem:$0x3F9B];
	s0 =	simm.s32 @p1 $0x1  }
0x15: {  	[smem:$0x3FB8] =	sst s0;
	s0 =	simm.s32 @!p2 $0x0  }
0x16: {  	s3 =	sld [smem:$0x3FDB];
	s0 =	simm.s32 @p2 $0x1  }
0x17: {  	s4 =	simm.s32 $0x1BF5;
	[smem:$0x3FBA] =	sst s0  }
0x18: {  	s0 =	sld [smem:$0x3F9D];
	_ =	swait.ge [sflag:s4], $0x0  }
0x19: {  	s7 =	sld [smem:$0x3F9E]  }
0x1a: {  	s8 =	sadd.s32 $0xFFFFE003, lr  }
0x1b: {  	s9 =	sadd.s32 $0xFFFFFEF7, lr;
	s5 =	simm.s32 $0xFFFFFFFF;
	p2 =	slt.u32 s8, $0xFFFFF086  }
0x1c: {  	p1 =	slt.u32 s9, $0xF7A;
	s5 =	simm.s32 @!p2 $0x0  }
0x1d: {  	s5 =	simm.s32 @p1 $0x1;
	p0 =	seq.s32 s7, s2  }
0x1e: {  	s7 =	smul.u32 @!p0 $0xF7A, s2;
	p2 =	seq.s32 @!p0 s5, $0x0  }
0x1f: {  	s9 =	smul.u32 $0xF7A, s1;
	s8 =	simm.s32 @!p0 $0x1BF5;
	p2 =	por !p2, p0  }
0x20: {  	[sflag:s8] =	ssyncset.s32 @!p0 $0xFFFFF086;
	s6 =	sadd.s32 @!p0 s3, s7;
	s7 =	simm.s32 @!p0 $0x108  }
0x21: {  	s3 =	sadd.s32 s3, s9;
	s6 =	sadd.s32 @!p0 $0x88, s6;
	s7 =	simm.s32 @p2 $0x1082  }
0x22: {  	[simem:s7], [sflag:s8] =	dma.local @!p0 [hbm:s6], $0xF7A  }
0x23: {  	s9 =	sor.u32 $0xD0000000, s2;
	s6 =	simm.s32 $0x108;
	_ =	swait.ge @!p0 [sflag:s8], $0x0  }
0x24: {  	s3 =	sadd.s32 $0x88, s3;
	s6 =	simm.s32 @!p1 $0x1082;
	[sflag:s4] =	ssyncset.s32 $0xFFFFF086  }
0x25: {  	[simem:s6], [sflag:s4] =	dma.local [hbm:s3], $0xF7A  }
0x26: {  	[smem:$0x3F9E] =	sst s1;
	(tag) =	ssettag s2;
	_ =	strace s9  }
0x27: {  	s1 =	sld [smem:$0x3FAE]  }
0x28: {  	s2 =	sld [smem:$0x3FAF]  }
0x29: {  	s4 =	sld [smem:$0x3FB1]  }
0x2a: {  	p0 =	seq.s32 s5, $0x0;
	s5 =	sld [smem:$0x3FB2]  }
0x2b: {  	s6 =	sld [smem:$0x3FB3]  }
0x2c: {  	s7 =	sld [smem:$0x3FB4]  }
0x2d: {  	s3 =	simm.s32 $0x108;
	s8 =	sld [smem:$0x3FB5]  }
0x2e: {  	s3 =	simm.s32 @!p0 $0x1082;
	s9 =	sld [smem:$0x3FB6]  }
0x2f: {  	lr =	sadd.s32 s0, s3;
	s0 =	sld [smem:$0x3FAD]  }
0x30: {  	s3 =	sld [smem:$0x3FB0]  }
0x31: {  	[smem:$0x3FB9] =	sst s10  }
0x32: {  	s10 =	sld [smem:$0x3FB7];
	_ =	sdelay $0x3  }
0x33: {  	p0 =	seq.s32 s10, $0x1;
	s10 =	sld [smem:$0x3FB9];
	_ =	sdelay $0x3  }
0x34: {  	[smem:$0x3FB9] =	sst s10  }
0x35: {  	s10 =	sld [smem:$0x3FB8];
	_ =	sdelay $0x3  }
0x36: {  	p1 =	seq.s32 s10, $0x1;
	s10 =	sld [smem:$0x3FB9];
	_ =	sdelay $0x3  }
0x37: {  	[smem:$0x3FB9] =	sst s10  }
0x38: {  	s10 =	sld [smem:$0x3FBA]  }
0x39: {  	_ = 	snop;
	(pc) =	sbr.ind lr, $3  }
0x3a: {  	_ = 	snop  }
0x3b: {  	_ = 	snop  }
0x3c: {  	p2 =	seq.s32 s10, $0x1;
	s10 =	sld [smem:$0x3FB9]  }
0x3d: {  	_ =	shalt  }
0x3e: {  	_ =	shalt  }
0x3f: {  	_ =	shalt  }
0x40: {  	_ =	shalt  }
0x41: {  	_ =	shalt  }
0x42: {  	_ =	shalt  }
0x43: {  	_ =	shalt  }
0x44: {  	_ =	shalt  }
0x45: {  	_ =	shalt  }
0x46: {  	_ =	shalt  }
0x47: {  	_ =	shalt  }
0x48: {  	_ =	shalt  }
0x49: {  	_ =	shalt  }
0x4a: {  	_ =	shalt  }
0x4b: {  	_ =	shalt  }
0x4c: {  	_ =	shalt  }
0x4d: {  	_ =	shalt  }
0x4e: {  	_ =	shalt  }
0x4f: {  	_ =	shalt  }
0x50: {  	_ =	shalt  }
0x51: {  	_ =	shalt  }
0x52: {  	_ =	shalt  }
0x53: {  	_ =	shalt  }
0x54: {  	_ =	shalt  }
0x55: {  	_ =	shalt  }
0x56: {  	_ =	shalt  }
0x57: {  	_ =	shalt  }
0x58: {  	_ =	shalt  }
0x59: {  	_ =	shalt  }
0x5a: {  	_ =	shalt  }
0x5b: {  	_ =	shalt  }
0x5c: {  	_ =	shalt  }
0x5d: {  	_ =	shalt  }
0x5e: {  	_ =	shalt  }
0x5f: {  	_ =	shalt  }
0x60: {  	_ =	shalt  }
0x61: {  	_ =	shalt  }
0x62: {  	_ =	shalt  }
0x63: {  	_ =	shalt  }
0x64: {  	_ =	shalt  }
0x65: {  	_ =	shalt  }
0x66: {  	_ =	shalt  }
0x67: {  	_ =	shalt  }
0x68: {  	_ =	shalt  }
0x69: {  	_ =	shalt  }
0x6a: {  	_ =	shalt  }
0x6b: {  	_ =	shalt  }
0x6c: {  	_ =	shalt  }
0x6d: {  	_ =	shalt  }
0x6e: {  	_ =	shalt  }
0x6f: {  	_ =	shalt  }
0x70: {  	_ =	shalt  }
0x71: {  	_ =	shalt  }
0x72: {  	_ =	shalt  }
0x73: {  	_ =	shalt  }
0x74: {  	_ =	shalt  }
0x75: {  	_ =	shalt  }
0x76: {  	_ =	shalt  }
0x77: {  	_ =	shalt  }
0x78: {  	_ =	shalt  }
0x79: {  	_ =	shalt  }
0x7a: {  	_ =	shalt  }
0x7b: {  	_ =	shalt  }
0x7c: {  	_ =	shalt  }
0x7d: {  	_ =	shalt  }
0x7e: {  	_ =	shalt  }
0x7f: {  	_ =	shalt  }
0x80: {  	_ =	shalt  }
0x81: {  	_ =	shalt  }
0x82: {  	_ =	shalt  }
0x83: {  	_ =	shalt  }
0x84: {  	_ =	shalt  }
0x85: {  	_ =	shalt  }
0x86: {  	_ =	shalt  }
0x87: {  	_ =	shalt  }
.Lfunc_end0:
.L_simem_size_0:
called_computation_lowered:
.L_overlay_start_0:
0x88: {  	s0 =	sld [smem:$0x3FD9]  }
0x89: {  	s1 =	sld [smem:$0x3FFE];
	_ =	sdelay $0x3  }
0x8a: {  	s0 =	sadd.s32 s1, s0  }
0x8b: {  	[smem:$0x3FC5] =	sst s0  }
0x8c: {  	_ = 	snop  }
0x8d: {  	s0 =	sld [smem:$0x3FC8]  }
0x8e: {  	s16 =	sld [smem:$0x3FD0];
	(tm) =	ssettm $0x1  }
0x8f: {  	s2 =	sld [smem:$0x3FFB];
	_ =	sdelay $0x3  }
0x90: {  	_ =	strace s2  }
0x91: {  	s2 =	sld [smem:$0x3FFC];
	_ =	sdelay $0x3  }
0x92: {  	_ =	strace s2  }
0x93: {  	s2 =	sld [smem:$0x3FFD];
	_ =	sdelay $0x3  }
0x94: {  	_ =	strace s2  }
0x95: {  	_ =	strace $0x8FFFFFFF  }
0x96: {  	s17 =	sld [smem:$0x3FDB];
	_ =	sdelay $0x1  }
0x97: {  	s3 =	simm.s32 $_scs_section_size  }
0x98: {  	s4 =	simm.s32 $_size__tile_overlayer_lowered;
	s5 =	simm.s32 $_tile_overlayer_lowered  }
0x99: {  	s20 =	simm.s32 $0x1BFF;
	s19 =	sshll.u32 s5, $0x1;
	s2 =	sadd.s32 s3, s17  }
0x9a: {  	s6 =	simm.s32 $0x0;
	s18 =	sshll.u32 s4, $0x1;
	s4 =	sadd.s32 s19, s2  }
0x9b: {  	[timem:s6], [sflag:s20] =	dma.local [hbm:s4], s18  }
0x9c: {  	_ =	swait.ge [sflag:s20], s18  }
0x9d: {  	s3 =	ssub.s32 $0x0, s18;
	[sflag:s20] =	ssyncset.done $0x0  }
0x9e: {  	[sflag:s20] =	ssyncadd.s32 s3;
	_ =	sdelay $0x1  }
0x9f: {  	s21 =	simm.s32 $0x1B8B  }
0xa0: {  	_ =	swait.ge [sflag:s21], $0x1  }
0xa1: {  	[sflag:s21] =	ssyncset.done $0x0  }
0xa2: {  	s23 =	simm.s32 $0x1B8E;
	s22 =	sld [smem:$0x3FFE];
	[sflag:s21] =	ssyncadd.s32 $0xFFFFFFFF  }
0xa3: {  	s24 =	simm.s32 $execute0_lowered;
	[smem:$0x3FD2] =	sst s23  }
0xa4: {  	s4 =	sshll.u32 s24, $0x1;
	_ =	strace $0x80000046;
	[dreg:$0x1] =	wrdreg $0xFFFFFFFF  }
0xa5: {  	s25 =	simm.s32 $_size_execute0_lowered;
	s2 =	sadd.s32 s2, s4;
	[dreg:$0x0] =	wrdreg $0x0  }
0xa6: {  	s4 =	sshll.u32 s25, $0x1;
	[dreg:$0x2] =	wrdreg s2  }
0xa7: {  	[dreg:$0x3] =	wrdreg s4  }
0xa8: {  	[dreg:$0x4] =	wrdreg $0xC0  }
0xa9: {  	_ =	task [dreg:s6], $0x5FFFF  }
0xaa: {  	[dreg:$0x1] =	wrdreg $0xFFFFFFFF  }
0xab: {  	[dreg:$0x0] =	wrdreg $0x60  }
0xac: {  	[dreg:$0x2] =	wrdreg s22  }
0xad: {  	[dreg:$0x3] =	wrdreg s16  }
0xae: {  	[dreg:$0x4] =	wrdreg s0  }
0xaf: {  	[dreg:$0x5] =	wrdreg $0x9  }
0xb0: {  	_ =	task.clear_ibuf [dreg:s6], $0x6FFFF;
	_ =	strace $0x90000046  }
0xb1: {  	s26 =	simm.s32 $0x9;
	_ =	strace $0x80000048  }
0xb2: {  	_ =	swait.ge [sflag:s26], $0x1  }
0xb3: {  	[sflag:s26] =	ssyncadd.s32 $0xFFFFFFFF  }
0xb4: {  	_ =	strace $0x90000048  }
0xb5: {  	_ =	sfence  }
0xb6: {  	s28 =	sld [smem:$0x0];
	_ =	sdelay $0x1  }
0xb7: {  	s29 =	srdreg.scid  }
0xb8: {  	s30 =	sshll.u32 s29, $0xD;
	s31 =	sshrl.u32 s29, $0x2  }
0xb9: {  	s1 =	sand.u32 $0x1, s29;
	s2 =	sand.u32 $0x4000, s30;
	s0 =	sadd.s32 s31, s28  }
0xba: {  	s1 =	sor.u32 s2, s1;
	s0 =	sshll.u32 s0, $0x11  }
0xbb: {  	s0 =	sor.u32 s0, s1  }
0xbc: {  	s0 =	sadd.s32 $0x8F2B, s0  }
0xbd: {  	[sflag:s0] =	ssyncadd.remote.s32 $0x1  }
0xbe: {  	_ =	sfence.sel $0xFFFF  }
0xbf: {  	[dreg:$0x0] =	wrdreg $0xFFFFFFFF;
	(pc) =	sbr.abs _section_cstart, $3  }
0xc0: {  	[dreg:$0x1] =	wrdreg $0xFFFFFFFF  }
0xc1: {  	_ =	task.clear_ibuf [dreg:s6], $0x2FFFF;
	_ =	strace $0x9FFFFFFF  }
0xc2: {  	(tm) =	ssettm $0x7FFFFFFF  }
0xc3: {  	_ =	shalt  }
tec
execute0_lowered:
.L_overlay_start_1:
0x0: {  	(tag) =	ssettag $0x1  }
0x1: {  	s1 =	rddreg [dreg:$0x0]  }
0x2: {  	s4 =	rddreg [dreg:$0x1]  }
0x3: {  	s3 =	rddreg [dreg:$0x2];
	s2 =	stileid.u32  }
0x4: {  	s0 =	rddreg [dreg:$0x3];
	_ =	strace $0x80000047;
	p0 =	sne.s32 s2, $0x0  }
0x5: {  	_ =	sfence.sel @p0 $0x180000  }
0x6: {  	[bflag:$0x0] =	sbarrier.arrive @p0 $0xFFFF  }
0x7: {  	_ =	strace @p0 $0x90000047  }
0x8: {  	[bflag:$0x2] =	sbarrier.arrive @p0 $0xFFFF  }
0x9: {  	_ =	shalt @p0  }
.LBB2_1:
0xa: {  	s2 =	simm.s32 $0x0  }
0xb: {  	[tilespmem:s2], [sflag:$0x1] =	stream.linear.gather [hbm4b:s1+s2], $0x880, $0x38;
	[tilespmem:$0x3D80] =	vst v63  }
0xc: {  	s5 =	simm.s32 $0x880  }
0xd: {  	[tilespmem:s5], [sflag:$0x2] =	stream.linear.gather [hbm4b:s4+s2], $0x880, $0x38;
	[tilespmem:$0x3D80] =	vst v63  }
0xe: {  	s25 =	simm.s32 $0x1100  }
0xf: {  	v0 =	vimm.f32 $0.0e+00;
	[tilespmem:s25], [sflag:$0x3] =	stream.linear.gather [hbm4b:s3+s2], $0x880, $0x38;
	[tilespmem:$0x3D80] =	vst v63  }
0x10: {  	[tilespmem:$0x1980] =	vst v0  }
0x11: {  	[tilespmem:$0x1990] =	vst v0  }
0x12: {  	[tilespmem:$0x19A0] =	vst v0  }
0x13: {  	[tilespmem:$0x19B0] =	vst v0  }
0x14: {  	[tilespmem:$0x1A00] =	vst v0  }
0x15: {  	[tilespmem:$0x1A10] =	vst v0  }
0x16: {  	[tilespmem:$0x1A20] =	vst v0  }
0x17: {  	[tilespmem:$0x1A30] =	vst v0  }
0x18: {  	[tilespmem:$0x1A80] =	vst v0  }
0x19: {  	[tilespmem:$0x1A90] =	vst v0  }
0x1a: {  	[tilespmem:$0x1AA0] =	vst v0  }
0x1b: {  	[tilespmem:$0x1AB0] =	vst v0  }
0x1c: {  	[tilespmem:$0x1B00] =	vst v0  }
0x1d: {  	[tilespmem:$0x1B10] =	vst v0  }
0x1e: {  	[tilespmem:$0x1B20] =	vst v0  }
0x1f: {  	[tilespmem:$0x1B30] =	vst v0  }
0x20: {  	[tilespmem:$0x1B80] =	vst v0  }
0x21: {  	[tilespmem:$0x1B90] =	vst v0  }
0x22: {  	[tilespmem:$0x1BA0] =	vst v0  }
0x23: {  	[tilespmem:$0x1BB0] =	vst v0  }
0x24: {  	[tilespmem:$0x1C00] =	vst v0  }
0x25: {  	[tilespmem:$0x1C10] =	vst v0  }
0x26: {  	[tilespmem:$0x1C20] =	vst v0  }
0x27: {  	[tilespmem:$0x1C30] =	vst v0  }
0x28: {  	[tilespmem:$0x1C80] =	vst v0  }
0x29: {  	[tilespmem:$0x1C90] =	vst v0  }
0x2a: {  	[tilespmem:$0x1CA0] =	vst v0  }
0x2b: {  	[tilespmem:$0x1CB0] =	vst v0  }
0x2c: {  	[tilespmem:$0x1D00] =	vst v0  }
0x2d: {  	[tilespmem:$0x1D10] =	vst v0  }
0x2e: {  	[tilespmem:$0x1D20] =	vst v0  }
0x2f: {  	[tilespmem:$0x1D30] =	vst v0  }
0x30: {  	[tilespmem:$0x1D80] =	vst v0  }
0x31: {  	[tilespmem:$0x1D90] =	vst v0  }
0x32: {  	[tilespmem:$0x1DA0] =	vst v0  }
0x33: {  	[tilespmem:$0x1DB0] =	vst v0  }
0x34: {  	[tilespmem:$0x1E00] =	vst v0  }
0x35: {  	[tilespmem:$0x1E10] =	vst v0  }
0x36: {  	[tilespmem:$0x1E20] =	vst v0  }
0x37: {  	[tilespmem:$0x1E30] =	vst v0  }
0x38: {  	[tilespmem:$0x1E80] =	vst v0  }
0x39: {  	[tilespmem:$0x1E90] =	vst v0  }
0x3a: {  	[tilespmem:$0x1EA0] =	vst v0  }
0x3b: {  	[tilespmem:$0x1EB0] =	vst v0  }
0x3c: {  	[tilespmem:$0x1F00] =	vst v0  }
0x3d: {  	[tilespmem:$0x1F10] =	vst v0  }
0x3e: {  	[tilespmem:$0x1F20] =	vst v0  }
0x3f: {  	[tilespmem:$0x1F30] =	vst v0  }
0x40: {  	[tilespmem:$0x1F80] =	vst v0  }
0x41: {  	[tilespmem:$0x1F90] =	vst v0  }
0x42: {  	[tilespmem:$0x1FA0] =	vst v0  }
0x43: {  	[tilespmem:$0x1FB0] =	vst v0  }
0x44: {  	[tilespmem:$0x2000] =	vst v0  }
0x45: {  	[tilespmem:$0x2010] =	vst v0  }
0x46: {  	[tilespmem:$0x2020] =	vst v0  }
0x47: {  	[tilespmem:$0x2030] =	vst v0  }
0x48: {  	[tilespmem:$0x2080] =	vst v0  }
0x49: {  	[tilespmem:$0x2090] =	vst v0  }
0x4a: {  	[tilespmem:$0x20A0] =	vst v0  }
0x4b: {  	[tilespmem:$0x20B0] =	vst v0  }
0x4c: {  	[tilespmem:$0x2100] =	vst v0  }
0x4d: {  	[tilespmem:$0x2110] =	vst v0  }
0x4e: {  	[tilespmem:$0x2120] =	vst v0  }
0x4f: {  	[tilespmem:$0x2130] =	vst v0  }
0x50: {  	[tilespmem:$0x2180] =	vst v0  }
0x51: {  	[tilespmem:$0x2190] =	vst v0  }
0x52: {  	[tilespmem:$0x21A0] =	vst v0  }
0x53: {  	[tilespmem:$0x21B0] =	vst v0  }
0x54: {  	[tilespmem:$0x2200] =	vst v0  }
0x55: {  	[tilespmem:$0x2210] =	vst v0  }
0x56: {  	[tilespmem:$0x2220] =	vst v0  }
0x57: {  	[tilespmem:$0x2230] =	vst v0  }
0x58: {  	[tilespmem:$0x2280] =	vst v0  }
0x59: {  	[tilespmem:$0x2290] =	vst v0  }
0x5a: {  	[tilespmem:$0x22A0] =	vst v0  }
0x5b: {  	[tilespmem:$0x22B0] =	vst v0  }
0x5c: {  	[tilespmem:$0x2300] =	vst v0  }
0x5d: {  	[tilespmem:$0x2310] =	vst v0  }
0x5e: {  	[tilespmem:$0x2320] =	vst v0  }
0x5f: {  	[tilespmem:$0x2330] =	vst v0  }
0x60: {  	[tilespmem:$0x2380] =	vst v0  }
0x61: {  	[tilespmem:$0x2390] =	vst v0  }
0x62: {  	[tilespmem:$0x23A0] =	vst v0  }
0x63: {  	[tilespmem:$0x23B0] =	vst v0  }
0x64: {  	[tilespmem:$0x2400] =	vst v0  }
0x65: {  	[tilespmem:$0x2410] =	vst v0  }
0x66: {  	[tilespmem:$0x2420] =	vst v0  }
0x67: {  	[tilespmem:$0x2430] =	vst v0  }
0x68: {  	[tilespmem:$0x2480] =	vst v0  }
0x69: {  	[tilespmem:$0x2490] =	vst v0  }
0x6a: {  	[tilespmem:$0x24A0] =	vst v0  }
0x6b: {  	[tilespmem:$0x24B0] =	vst v0  }
0x6c: {  	[tilespmem:$0x2500] =	vst v0  }
0x6d: {  	[tilespmem:$0x2510] =	vst v0  }
0x6e: {  	[tilespmem:$0x2520] =	vst v0  }
0x6f: {  	[tilespmem:$0x2530] =	vst v0  }
0x70: {  	[tilespmem:$0x2580] =	vst v0  }
0x71: {  	[tilespmem:$0x2590] =	vst v0  }
0x72: {  	[tilespmem:$0x25A0] =	vst v0  }
0x73: {  	[tilespmem:$0x25B0] =	vst v0  }
0x74: {  	[tilespmem:$0x2600] =	vst v0  }
0x75: {  	[tilespmem:$0x2610] =	vst v0  }
0x76: {  	[tilespmem:$0x2620] =	vst v0  }
0x77: {  	[tilespmem:$0x2630] =	vst v0  }
0x78: {  	[tilespmem:$0x2680] =	vst v0  }
0x79: {  	[tilespmem:$0x2690] =	vst v0  }
0x7a: {  	[tilespmem:$0x26A0] =	vst v0  }
0x7b: {  	[tilespmem:$0x26B0] =	vst v0  }
0x7c: {  	[tilespmem:$0x2700] =	vst v0  }
0x7d: {  	[tilespmem:$0x2710] =	vst v0  }
0x7e: {  	[tilespmem:$0x2720] =	vst v0  }
0x7f: {  	[tilespmem:$0x2730] =	vst v0  }
0x80: {  	[tilespmem:$0x2780] =	vst v0  }
0x81: {  	[tilespmem:$0x2790] =	vst v0  }
0x82: {  	[tilespmem:$0x27A0] =	vst v0  }
0x83: {  	[tilespmem:$0x27B0] =	vst v0  }
0x84: {  	[tilespmem:$0x2800] =	vst v0  }
0x85: {  	[tilespmem:$0x2810] =	vst v0  }
0x86: {  	[tilespmem:$0x2820] =	vst v0  }
0x87: {  	[tilespmem:$0x2830] =	vst v0  }
0x88: {  	[tilespmem:$0x2880] =	vst v0  }
0x89: {  	[tilespmem:$0x2890] =	vst v0  }
0x8a: {  	[tilespmem:$0x28A0] =	vst v0  }
0x8b: {  	[tilespmem:$0x28B0] =	vst v0  }
0x8c: {  	[tilespmem:$0x2900] =	vst v0  }
0x8d: {  	[tilespmem:$0x2910] =	vst v0  }
0x8e: {  	[tilespmem:$0x2920] =	vst v0  }
0x8f: {  	[tilespmem:$0x2930] =	vst v0  }
0x90: {  	[tilespmem:$0x2980] =	vst v0  }
0x91: {  	[tilespmem:$0x2990] =	vst v0  }
0x92: {  	[tilespmem:$0x29A0] =	vst v0  }
0x93: {  	[tilespmem:$0x29B0] =	vst v0  }
0x94: {  	[tilespmem:$0x2A00] =	vst v0  }
0x95: {  	[tilespmem:$0x2A10] =	vst v0  }
0x96: {  	[tilespmem:$0x2A20] =	vst v0  }
0x97: {  	[tilespmem:$0x2A30] =	vst v0  }
0x98: {  	[tilespmem:$0x2A80] =	vst v0  }
0x99: {  	[tilespmem:$0x2A90] =	vst v0  }
0x9a: {  	[tilespmem:$0x2AA0] =	vst v0  }
0x9b: {  	[tilespmem:$0x2AB0] =	vst v0  }
0x9c: {  	[tilespmem:$0x2B00] =	vst v0  }
0x9d: {  	[tilespmem:$0x2B10] =	vst v0  }
0x9e: {  	[tilespmem:$0x2B20] =	vst v0  }
0x9f: {  	[tilespmem:$0x2B30] =	vst v0  }
0xa0: {  	[tilespmem:$0x2B80] =	vst v0  }
0xa1: {  	[tilespmem:$0x2B90] =	vst v0  }
0xa2: {  	[tilespmem:$0x2BA0] =	vst v0  }
0xa3: {  	[tilespmem:$0x2BB0] =	vst v0  }
0xa4: {  	[tilespmem:$0x2C00] =	vst v0  }
0xa5: {  	[tilespmem:$0x2C10] =	vst v0  }
0xa6: {  	[tilespmem:$0x2C20] =	vst v0  }
0xa7: {  	[tilespmem:$0x2C30] =	vst v0  }
0xa8: {  	[tilespmem:$0x2C80] =	vst v0  }
0xa9: {  	[tilespmem:$0x2C90] =	vst v0  }
0xaa: {  	[tilespmem:$0x2CA0] =	vst v0  }
0xab: {  	[tilespmem:$0x2CB0] =	vst v0  }
0xac: {  	[tilespmem:$0x2D00] =	vst v0  }
0xad: {  	[tilespmem:$0x2D10] =	vst v0  }
0xae: {  	[tilespmem:$0x2D20] =	vst v0  }
0xaf: {  	[tilespmem:$0x2D30] =	vst v0  }
0xb0: {  	[tilespmem:$0x2D80] =	vst v0  }
0xb1: {  	[tilespmem:$0x2D90] =	vst v0  }
0xb2: {  	[tilespmem:$0x2DA0] =	vst v0  }
0xb3: {  	[tilespmem:$0x2DB0] =	vst v0  }
0xb4: {  	[tilespmem:$0x2E00] =	vst v0  }
0xb5: {  	[tilespmem:$0x2E10] =	vst v0  }
0xb6: {  	[tilespmem:$0x2E20] =	vst v0  }
0xb7: {  	[tilespmem:$0x2E30] =	vst v0  }
0xb8: {  	[tilespmem:$0x2E80] =	vst v0  }
0xb9: {  	[tilespmem:$0x2E90] =	vst v0  }
0xba: {  	[tilespmem:$0x2EA0] =	vst v0  }
0xbb: {  	[tilespmem:$0x2EB0] =	vst v0  }
0xbc: {  	[tilespmem:$0x2F00] =	vst v0  }
0xbd: {  	[tilespmem:$0x2F10] =	vst v0  }
0xbe: {  	[tilespmem:$0x2F20] =	vst v0  }
0xbf: {  	[tilespmem:$0x2F30] =	vst v0  }
0xc0: {  	[tilespmem:$0x2F80] =	vst v0  }
0xc1: {  	[tilespmem:$0x2F90] =	vst v0  }
0xc2: {  	[tilespmem:$0x2FA0] =	vst v0  }
0xc3: {  	[tilespmem:$0x2FB0] =	vst v0  }
0xc4: {  	[tilespmem:$0x3000] =	vst v0  }
0xc5: {  	[tilespmem:$0x3010] =	vst v0  }
0xc6: {  	[tilespmem:$0x3020] =	vst v0  }
0xc7: {  	[tilespmem:$0x3030] =	vst v0  }
0xc8: {  	[tilespmem:$0x3080] =	vst v0  }
0xc9: {  	[tilespmem:$0x3090] =	vst v0  }
0xca: {  	[tilespmem:$0x30A0] =	vst v0  }
0xcb: {  	[tilespmem:$0x30B0] =	vst v0  }
0xcc: {  	[tilespmem:$0x3100] =	vst v0  }
0xcd: {  	[tilespmem:$0x3110] =	vst v0  }
0xce: {  	[tilespmem:$0x3120] =	vst v0  }
0xcf: {  	[tilespmem:$0x3130] =	vst v0  }
0xd0: {  	[tilespmem:$0x3180] =	vst v0  }
0xd1: {  	[tilespmem:$0x3190] =	vst v0  }
0xd2: {  	[tilespmem:$0x31A0] =	vst v0  }
0xd3: {  	[tilespmem:$0x31B0] =	vst v0  }
0xd4: {  	[tilespmem:$0x3200] =	vst v0  }
0xd5: {  	[tilespmem:$0x3210] =	vst v0  }
0xd6: {  	[tilespmem:$0x3220] =	vst v0  }
0xd7: {  	[tilespmem:$0x3230] =	vst v0  }
0xd8: {  	[tilespmem:$0x3280] =	vst v0  }
0xd9: {  	[tilespmem:$0x3290] =	vst v0  }
0xda: {  	[tilespmem:$0x32A0] =	vst v0  }
0xdb: {  	[tilespmem:$0x32B0] =	vst v0  }
0xdc: {  	[tilespmem:$0x3300] =	vst v0  }
0xdd: {  	[tilespmem:$0x3310] =	vst v0  }
0xde: {  	[tilespmem:$0x3320] =	vst v0  }
0xdf: {  	[tilespmem:$0x3330] =	vst v0  }
0xe0: {  	[tilespmem:$0x3380] =	vst v0  }
0xe1: {  	[tilespmem:$0x3390] =	vst v0  }
0xe2: {  	[tilespmem:$0x33A0] =	vst v0  }
0xe3: {  	[tilespmem:$0x33B0] =	vst v0  }
0xe4: {  	[tilespmem:$0x3400] =	vst v0  }
0xe5: {  	[tilespmem:$0x3410] =	vst v0  }
0xe6: {  	[tilespmem:$0x3420] =	vst v0  }
0xe7: {  	[tilespmem:$0x3430] =	vst v0  }
0xe8: {  	[tilespmem:$0x3480] =	vst v0  }
0xe9: {  	[tilespmem:$0x3490] =	vst v0  }
0xea: {  	[tilespmem:$0x34A0] =	vst v0  }
0xeb: {  	[tilespmem:$0x34B0] =	vst v0  }
0xec: {  	[tilespmem:$0x3500] =	vst v0  }
0xed: {  	[tilespmem:$0x3510] =	vst v0  }
0xee: {  	[tilespmem:$0x3520] =	vst v0  }
0xef: {  	[tilespmem:$0x3530] =	vst v0  }
0xf0: {  	[tilespmem:$0x3580] =	vst v0  }
0xf1: {  	[tilespmem:$0x3590] =	vst v0  }
0xf2: {  	[tilespmem:$0x35A0] =	vst v0  }
0xf3: {  	[tilespmem:$0x35B0] =	vst v0  }
0xf4: {  	[tilespmem:$0x3600] =	vst v0  }
0xf5: {  	[tilespmem:$0x3610] =	vst v0  }
0xf6: {  	[tilespmem:$0x3620] =	vst v0  }
0xf7: {  	[tilespmem:$0x3630] =	vst v0  }
0xf8: {  	[tilespmem:$0x3680] =	vst v0  }
0xf9: {  	[tilespmem:$0x3690] =	vst v0  }
0xfa: {  	[tilespmem:$0x36A0] =	vst v0  }
0xfb: {  	[tilespmem:$0x36B0] =	vst v0  }
0xfc: {  	[tilespmem:$0x3700] =	vst v0  }
0xfd: {  	[tilespmem:$0x3710] =	vst v0  }
0xfe: {  	[tilespmem:$0x3720] =	vst v0  }
0xff: {  	[tilespmem:$0x3730] =	vst v0  }
0x100: {  	[tilespmem:$0x3780] =	vst v0  }
0x101: {  	[tilespmem:$0x3790] =	vst v0  }
0x102: {  	[tilespmem:$0x37A0] =	vst v0  }
0x103: {  	[tilespmem:$0x37B0] =	vst v0  }
0x104: {  	[tilespmem:$0x3800] =	vst v0  }
0x105: {  	[tilespmem:$0x3810] =	vst v0  }
0x106: {  	[tilespmem:$0x3820] =	vst v0  }
0x107: {  	[tilespmem:$0x3830] =	vst v0  }
0x108: {  	[tilespmem:$0x3880] =	vst v0  }
0x109: {  	[tilespmem:$0x3890] =	vst v0  }
0x10a: {  	[tilespmem:$0x38A0] =	vst v0  }
0x10b: {  	[tilespmem:$0x38B0] =	vst v0  }
0x10c: {  	[tilespmem:$0x3900] =	vst v0  }
0x10d: {  	[tilespmem:$0x3910] =	vst v0  }
0x10e: {  	[tilespmem:$0x39B0] =	vst v0  }
0x10f: {  	[tilespmem:$0x3930] =	vst v0  }
0x110: {  	[tilespmem:$0x3980] =	vst v0  }
0x111: {  	[tilespmem:$0x3990] =	vst v0  }
0x112: {  	[tilespmem:$0x39A0] =	vst v0  }
0x113: {  	s26 =	simm.s32 $0x1;
	[tilespmem:$0x3920] =	vst v0  }
0x114: {  	_ =	swait.ge [sflag:s26], $0x880  }
0x115: {  	[sflag:s26] =	ssyncset.done $0x0  }
0x116: {  	s28 =	simm.s32 $0x2;
	[sflag:s26] =	ssyncadd.s32 $0xFFFFF780  }
0x117: {  	_ =	swait.ge [sflag:s28], $0x880  }
0x118: {  	[sflag:s28] =	ssyncset.done $0x0  }
0x119: {  	s29 =	simm.s32 $0x3;
	[sflag:s28] =	ssyncadd.s32 $0xFFFFF780  }
0x11a: {  	_ =	swait.ge [sflag:s29], $0x880  }
0x11b: {  	[sflag:s29] =	ssyncset.done $0x0  }
0x11c: {  	[sflag:s29] =	ssyncadd.s32 $0xFFFFF780  }
0x11d: {  	v47 =	vld [tilespmem:$0x0];
	_ =	sdelay $0x4  }
0x11e: {  	v1 =	vld [tilespmem:$0x1100];
	v0 =	vadd.s32 $0x2000, v47;
	_ =	sdelay $0x3  }
0x11f: {  	s30 =	simm.s32 $0x1980  }
0x120: {  	[tilespmem:v0+s30+$0x0] =	vst.idx.msk $0xffff, v1  }
0x121: {  	v0 =	vld [tilespmem:$0x10];
	_ =	sdelay $0x4  }
0x122: {  	v1 =	vld [tilespmem:$0x1110];
	v0 =	vadd.s32 $0x2000, v0;
	_ =	sdelay $0x4  }
0x123: {  	[tilespmem:v0+s30+$0x0] =	vst.idx.msk $0xffff, v1  }
0x124: {  	v0 =	vld [tilespmem:$0x20];
	_ =	sdelay $0x4  }
0x125: {  	v1 =	vld [tilespmem:$0x1120];
	v0 =	vadd.s32 $0x2000, v0;
	_ =	sdelay $0x4  }
0x126: {  	[tilespmem:v0+s30+$0x0] =	vst.idx.msk $0xffff, v1  }
0x127: {  	v0 =	vld [tilespmem:$0x30];
	_ =	sdelay $0x4  }
0x128: {  	v1 =	vld [tilespmem:$0x1130];
	v0 =	vadd.s32 $0x2000, v0;
	_ =	sdelay $0x4  }
0x129: {  	[tilespmem:v0+s30+$0x0] =	vst.idx.msk $0xffff, v1  }
0x12a: {  	v0 =	vld [tilespmem:$0x40]  }
0x12b: {  	v1 =	vld [tilespmem:$0x8C0];
	_ =	sdelay $0x4  }
0x12c: {  	v2 =	vand.u32 $0xFFFFFF80, v1;
	v0 =	vshll.u32 v0, $0x7  }
0x12d: {  	v1 =	vand.u32 $0x7F, v1;
	v0 =	vadd.s32 v0, v2  }
0x12e: {  	v48 =	vld [tilespmem:$0x1140];
	v0 =	vor.u32 v1, v0;
	_ =	sdelay $0x4  }
0x12f: {  	[tilespmem:v0+s30+$0x0] =	vst.idx.msk $0xffff, v48  }
0x130: {  	v0 =	vld [tilespmem:$0x50]  }
0x131: {  	v49 =	vld [tilespmem:$0x8D0];
	_ =	sdelay $0x4  }
0x132: {  	v50 =	vand.u32 $0xFFFFFF80, v49;
	v0 =	vshll.u32 v0, $0x7  }
0x133: {  	v1 =	vand.u32 $0x7F, v49;
	v0 =	vadd.s32 v0, v50  }
0x134: {  	v51 =	vld [tilespmem:$0x1150];
	v0 =	vor.u32 v1, v0;
	_ =	sdelay $0x4  }
0x135: {  	[tilespmem:v0+s30+$0x0] =	vst.idx.msk $0xffff, v51  }
0x136: {  	v0 =	vld [tilespmem:$0x60]  }
0x137: {  	v52 =	vld [tilespmem:$0x8E0];
	_ =	sdelay $0x4  }
0x138: {  	v53 =	vand.u32 $0xFFFFFF80, v52;
	v0 =	vshll.u32 v0, $0x7  }
0x139: {  	v1 =	vand.u32 $0x7F, v52;
	v0 =	vadd.s32 v0, v53  }
0x13a: {  	v54 =	vld [tilespmem:$0x1160];
	v0 =	vor.u32 v1, v0;
	_ =	sdelay $0x4  }
0x13b: {  	[tilespmem:v0+s30+$0x0] =	vst.idx.msk $0xffff, v54  }
0x13c: {  	v0 =	vld [tilespmem:$0x70]  }
0x13d: {  	v55 =	vld [tilespmem:$0x8F0];
	_ =	sdelay $0x4  }
0x13e: {  	v56 =	vand.u32 $0xFFFFFF80, v55;
	v0 =	vshll.u32 v0, $0x7  }
0x13f: {  	v1 =	vand.u32 $0x7F, v55;
	v0 =	vadd.s32 v0, v56  }
0x140: {  	v57 =	vld [tilespmem:$0x1170];
	v0 =	vor.u32 v1, v0;
	_ =	sdelay $0x4  }
0x141: {  	[tilespmem:v0+s30+$0x0] =	vst.idx.msk $0xffff, v57  }
0x142: {  	v0 =	vld [tilespmem:$0x80]  }
0x143: {  	v58 =	vld [tilespmem:$0x900];
	_ =	sdelay $0x4  }
0x144: {  	v59 =	vand.u32 $0xFFFFFF80, v58;
	v0 =	vshll.u32 v0, $0x7  }
0x145: {  	v1 =	vand.u32 $0x7F, v58;
	v0 =	vadd.s32 v0, v59  }
0x146: {  	v60 =	vld [tilespmem:$0x1180];
	v0 =	vor.u32 v1, v0;
	_ =	sdelay $0x4  }
0x147: {  	[tilespmem:v0+s30+$0x0] =	vst.idx.msk $0xffff, v60  }
0x148: {  	v0 =	vld [tilespmem:$0x90]  }
0x149: {  	v61 =	vld [tilespmem:$0x910];
	_ =	sdelay $0x4  }
0x14a: {  	v62 =	vand.u32 $0xFFFFFF80, v61;
	v0 =	vshll.u32 v0, $0x7  }
0x14b: {  	v1 =	vand.u32 $0x7F, v61;
	v0 =	vadd.s32 v0, v62  }
0x14c: {  	v63 =	vld [tilespmem:$0x1190];
	v0 =	vor.u32 v1, v0;
	_ =	sdelay $0x4  }
0x14d: {  	[tilespmem:v0+s30+$0x0] =	vst.idx.msk $0xffff, v63  }
0x14e: {  	v0 =	vld [tilespmem:$0xA0]  }
0x14f: {  	v4 =	vld [tilespmem:$0x920];
	_ =	sdelay $0x4  }
0x150: {  	v5 =	vand.u32 $0xFFFFFF80, v4;
	v0 =	vshll.u32 v0, $0x7  }
0x151: {  	v1 =	vand.u32 $0x7F, v4;
	v0 =	vadd.s32 v0, v5  }
0x152: {  	v6 =	vld [tilespmem:$0x11A0];
	v0 =	vor.u32 v1, v0;
	_ =	sdelay $0x4  }
0x153: {  	[tilespmem:v0+s30+$0x0] =	vst.idx.msk $0xffff, v6  }
0x154: {  	v0 =	vld [tilespmem:$0xB0]  }
0x155: {  	v7 =	vld [tilespmem:$0x930];
	_ =	sdelay $0x4  }
0x156: {  	v8 =	vand.u32 $0xFFFFFF80, v7;
	v0 =	vshll.u32 v0, $0x7  }
0x157: {  	v1 =	vand.u32 $0x7F, v7;
	v0 =	vadd.s32 v0, v8  }
0x158: {  	v9 =	vld [tilespmem:$0x11B0];
	v0 =	vor.u32 v1, v0;
	_ =	sdelay $0x4  }
0x159: {  	[tilespmem:v0+s30+$0x0] =	vst.idx.msk $0xffff, v9  }
0x15a: {  	v0 =	vld [tilespmem:$0xC0]  }
0x15b: {  	v10 =	vld [tilespmem:$0x940];
	_ =	sdelay $0x4  }
0x15c: {  	v11 =	vand.u32 $0xFFFFFF80, v10;
	v0 =	vshll.u32 v0, $0x7  }
0x15d: {  	v1 =	vand.u32 $0x7F, v10;
	v0 =	vadd.s32 v0, v11  }
0x15e: {  	v12 =	vld [tilespmem:$0x11C0];
	v0 =	vor.u32 v1, v0;
	_ =	sdelay $0x4  }
0x15f: {  	[tilespmem:v0+s30+$0x0] =	vst.idx.msk $0xffff, v12  }
0x160: {  	v0 =	vld [tilespmem:$0xD0]  }
0x161: {  	v13 =	vld [tilespmem:$0x950];
	_ =	sdelay $0x4  }
0x162: {  	v14 =	vand.u32 $0xFFFFFF80, v13;
	v0 =	vshll.u32 v0, $0x7  }
0x163: {  	v1 =	vand.u32 $0x7F, v13;
	v0 =	vadd.s32 v0, v14  }
0x164: {  	v15 =	vld [tilespmem:$0x11D0];
	v0 =	vor.u32 v1, v0;
	_ =	sdelay $0x4  }
0x165: {  	[tilespmem:v0+s30+$0x0] =	vst.idx.msk $0xffff, v15  }
0x166: {  	v0 =	vld [tilespmem:$0xE0]  }
0x167: {  	v16 =	vld [tilespmem:$0x960];
	_ =	sdelay $0x4  }
0x168: {  	v17 =	vand.u32 $0xFFFFFF80, v16;
	v0 =	vshll.u32 v0, $0x7  }
0x169: {  	v1 =	vand.u32 $0x7F, v16;
	v0 =	vadd.s32 v0, v17  }
0x16a: {  	v18 =	vld [tilespmem:$0x11E0];
	v0 =	vor.u32 v1, v0;
	_ =	sdelay $0x4  }
0x16b: {  	[tilespmem:v0+s30+$0x0] =	vst.idx.msk $0xffff, v18  }
0x16c: {  	v0 =	vld [tilespmem:$0xF0]  }
0x16d: {  	v19 =	vld [tilespmem:$0x970];
	_ =	sdelay $0x4  }
0x16e: {  	v20 =	vand.u32 $0xFFFFFF80, v19;
	v0 =	vshll.u32 v0, $0x7  }
0x16f: {  	v1 =	vand.u32 $0x7F, v19;
	v0 =	vadd.s32 v0, v20  }
0x170: {  	v21 =	vld [tilespmem:$0x11F0];
	v0 =	vor.u32 v1, v0;
	_ =	sdelay $0x4  }
0x171: {  	[tilespmem:v0+s30+$0x0] =	vst.idx.msk $0xffff, v21  }
0x172: {  	v0 =	vld [tilespmem:$0x100]  }
0x173: {  	v22 =	vld [tilespmem:$0x980];
	_ =	sdelay $0x4  }
0x174: {  	v23 =	vand.u32 $0xFFFFFF80, v22;
	v0 =	vshll.u32 v0, $0x7  }
0x175: {  	v1 =	vand.u32 $0x7F, v22;
	v0 =	vadd.s32 v0, v23  }
0x176: {  	v24 =	vld [tilespmem:$0x1200];
	v0 =	vor.u32 v1, v0;
	_ =	sdelay $0x4  }
0x177: {  	[tilespmem:v0+s30+$0x0] =	vst.idx.msk $0xffff, v24  }
0x178: {  	v0 =	vld [tilespmem:$0x110]  }
0x179: {  	v25 =	vld [tilespmem:$0x990];
	_ =	sdelay $0x4  }
0x17a: {  	v26 =	vand.u32 $0xFFFFFF80, v25;
	v0 =	vshll.u32 v0, $0x7  }
0x17b: {  	v1 =	vand.u32 $0x7F, v25;
	v0 =	vadd.s32 v0, v26  }
0x17c: {  	v27 =	vld [tilespmem:$0x1210];
	v0 =	vor.u32 v1, v0;
	_ =	sdelay $0x4  }
0x17d: {  	[tilespmem:v0+s30+$0x0] =	vst.idx.msk $0xffff, v27  }
0x17e: {  	v0 =	vld [tilespmem:$0x120]  }
0x17f: {  	v28 =	vld [tilespmem:$0x9A0];
	_ =	sdelay $0x4  }
0x180: {  	v29 =	vand.u32 $0xFFFFFF80, v28;
	v0 =	vshll.u32 v0, $0x7  }
0x181: {  	v1 =	vand.u32 $0x7F, v28;
	v0 =	vadd.s32 v0, v29  }
0x182: {  	v30 =	vld [tilespmem:$0x1220];
	v0 =	vor.u32 v1, v0;
	_ =	sdelay $0x4  }
0x183: {  	[tilespmem:v0+s30+$0x0] =	vst.idx.msk $0xffff, v30  }
0x184: {  	v0 =	vld [tilespmem:$0x130]  }
0x185: {  	v31 =	vld [tilespmem:$0x9B0];
	_ =	sdelay $0x4  }
0x186: {  	v32 =	vand.u32 $0xFFFFFF80, v31;
	v0 =	vshll.u32 v0, $0x7  }
0x187: {  	v1 =	vand.u32 $0x7F, v31;
	v0 =	vadd.s32 v0, v32  }
0x188: {  	v33 =	vld [tilespmem:$0x1230];
	v0 =	vor.u32 v1, v0;
	_ =	sdelay $0x4  }
0x189: {  	[tilespmem:v0+s30+$0x0] =	vst.idx.msk $0xffff, v33  }
0x18a: {  	v0 =	vld [tilespmem:$0x140]  }
0x18b: {  	v34 =	vld [tilespmem:$0x9C0];
	_ =	sdelay $0x4  }
0x18c: {  	v35 =	vand.u32 $0xFFFFFF80, v34;
	v0 =	vshll.u32 v0, $0x7  }
0x18d: {  	v1 =	vand.u32 $0x7F, v34;
	v0 =	vadd.s32 v0, v35  }
0x18e: {  	v36 =	vld [tilespmem:$0x1240];
	v0 =	vor.u32 v1, v0;
	_ =	sdelay $0x4  }
0x18f: {  	[tilespmem:v0+s30+$0x0] =	vst.idx.msk $0xffff, v36  }
0x190: {  	v0 =	vld [tilespmem:$0x150]  }
0x191: {  	v37 =	vld [tilespmem:$0x9D0];
	_ =	sdelay $0x4  }
0x192: {  	v38 =	vand.u32 $0xFFFFFF80, v37;
	v0 =	vshll.u32 v0, $0x7  }
0x193: {  	v1 =	vand.u32 $0x7F, v37;
	v0 =	vadd.s32 v0, v38  }
0x194: {  	v39 =	vld [tilespmem:$0x1250];
	v0 =	vor.u32 v1, v0;
	_ =	sdelay $0x4  }
0x195: {  	[tilespmem:v0+s30+$0x0] =	vst.idx.msk $0xffff, v39  }
0x196: {  	v0 =	vld [tilespmem:$0x160]  }
0x197: {  	v40 =	vld [tilespmem:$0x9E0];
	_ =	sdelay $0x4  }
0x198: {  	v41 =	vand.u32 $0xFFFFFF80, v40;
	v0 =	vshll.u32 v0, $0x7  }
0x199: {  	v1 =	vand.u32 $0x7F, v40;
	v0 =	vadd.s32 v0, v41  }
0x19a: {  	v42 =	vld [tilespmem:$0x1260];
	v0 =	vor.u32 v1, v0;
	_ =	sdelay $0x4  }
0x19b: {  	[tilespmem:v0+s30+$0x0] =	vst.idx.msk $0xffff, v42  }
0x19c: {  	v0 =	vld [tilespmem:$0x170]  }
0x19d: {  	v43 =	vld [tilespmem:$0x9F0];
	_ =	sdelay $0x4  }
0x19e: {  	v44 =	vand.u32 $0xFFFFFF80, v43;
	v0 =	vshll.u32 v0, $0x7  }
0x19f: {  	v1 =	vand.u32 $0x7F, v43;
	v0 =	vadd.s32 v0, v44  }
0x1a0: {  	v45 =	vld [tilespmem:$0x1270];
	v0 =	vor.u32 v1, v0;
	_ =	sdelay $0x4  }
0x1a1: {  	[tilespmem:v0+s30+$0x0] =	vst.idx.msk $0xffff, v45  }
0x1a2: {  	v0 =	vld [tilespmem:$0x180]  }
0x1a3: {  	v46 =	vld [tilespmem:$0xA00];
	_ =	sdelay $0x4  }
0x1a4: {  	v47 =	vand.u32 $0xFFFFFF80, v46;
	v0 =	vshll.u32 v0, $0x7  }
0x1a5: {  	v1 =	vand.u32 $0x7F, v46;
	v0 =	vadd.s32 v0, v47  }
0x1a6: {  	v48 =	vld [tilespmem:$0x1280];
	v0 =	vor.u32 v1, v0;
	_ =	sdelay $0x4  }
0x1a7: {  	[tilespmem:v0+s30+$0x0] =	vst.idx.msk $0xffff, v48  }
0x1a8: {  	v0 =	vld [tilespmem:$0x190]  }
0x1a9: {  	v49 =	vld [tilespmem:$0xA10];
	_ =	sdelay $0x4  }
0x1aa: {  	v50 =	vand.u32 $0xFFFFFF80, v49;
	v0 =	vshll.u32 v0, $0x7  }
0x1ab: {  	v1 =	vand.u32 $0x7F, v49;
	v0 =	vadd.s32 v0, v50  }
0x1ac: {  	v51 =	vld [tilespmem:$0x1290];
	v0 =	vor.u32 v1, v0;
	_ =	sdelay $0x4  }
0x1ad: {  	[tilespmem:v0+s30+$0x0] =	vst.idx.msk $0xffff, v51  }
0x1ae: {  	v0 =	vld [tilespmem:$0x1A0]  }
0x1af: {  	v52 =	vld [tilespmem:$0xA20];
	_ =	sdelay $0x4  }
0x1b0: {  	v53 =	vand.u32 $0xFFFFFF80, v52;
	v0 =	vshll.u32 v0, $0x7  }
0x1b1: {  	v1 =	vand.u32 $0x7F, v52;
	v0 =	vadd.s32 v0, v53  }
0x1b2: {  	v54 =	vld [tilespmem:$0x12A0];
	v0 =	vor.u32 v1, v0;
	_ =	sdelay $0x4  }
0x1b3: {  	[tilespmem:v0+s30+$0x0] =	vst.idx.msk $0xffff, v54  }
0x1b4: {  	v0 =	vld [tilespmem:$0x1B0]  }
0x1b5: {  	v55 =	vld [tilespmem:$0xA30];
	_ =	sdelay $0x4  }
0x1b6: {  	v56 =	vand.u32 $0xFFFFFF80, v55;
	v0 =	vshll.u32 v0, $0x7  }
0x1b7: {  	v1 =	vand.u32 $0x7F, v55;
	v0 =	vadd.s32 v0, v56  }
0x1b8: {  	v57 =	vld [tilespmem:$0x12B0];
	v0 =	vor.u32 v1, v0;
	_ =	sdelay $0x4  }
0x1b9: {  	[tilespmem:v0+s30+$0x0] =	vst.idx.msk $0xffff, v57  }
0x1ba: {  	v0 =	vld [tilespmem:$0x1C0]  }
0x1bb: {  	v58 =	vld [tilespmem:$0xA40];
	_ =	sdelay $0x4  }
0x1bc: {  	v59 =	vand.u32 $0xFFFFFF80, v58;
	v0 =	vshll.u32 v0, $0x7  }
0x1bd: {  	v1 =	vand.u32 $0x7F, v58;
	v0 =	vadd.s32 v0, v59  }
0x1be: {  	v60 =	vld [tilespmem:$0x12C0];
	v0 =	vor.u32 v1, v0;
	_ =	sdelay $0x4  }
0x1bf: {  	[tilespmem:v0+s30+$0x0] =	vst.idx.msk $0xffff, v60  }
0x1c0: {  	v0 =	vld [tilespmem:$0x1D0]  }
0x1c1: {  	v61 =	vld [tilespmem:$0xA50];
	_ =	sdelay $0x4  }
0x1c2: {  	v62 =	vand.u32 $0xFFFFFF80, v61;
	v0 =	vshll.u32 v0, $0x7  }
0x1c3: {  	v1 =	vand.u32 $0x7F, v61;
	v0 =	vadd.s32 v0, v62  }
0x1c4: {  	v63 =	vld [tilespmem:$0x12D0];
	v0 =	vor.u32 v1, v0;
	_ =	sdelay $0x4  }
0x1c5: {  	[tilespmem:v0+s30+$0x0] =	vst.idx.msk $0xffff, v63  }
0x1c6: {  	v0 =	vld [tilespmem:$0x1E0]  }
0x1c7: {  	v4 =	vld [tilespmem:$0xA60];
	_ =	sdelay $0x4  }
0x1c8: {  	v5 =	vand.u32 $0xFFFFFF80, v4;
	v0 =	vshll.u32 v0, $0x7  }
0x1c9: {  	v1 =	vand.u32 $0x7F, v4;
	v0 =	vadd.s32 v0, v5  }
0x1ca: {  	v6 =	vld [tilespmem:$0x12E0];
	v0 =	vor.u32 v1, v0;
	_ =	sdelay $0x4  }
0x1cb: {  	[tilespmem:v0+s30+$0x0] =	vst.idx.msk $0xffff, v6  }
0x1cc: {  	v0 =	vld [tilespmem:$0x1F0]  }
0x1cd: {  	v7 =	vld [tilespmem:$0xA70];
	_ =	sdelay $0x4  }
0x1ce: {  	v8 =	vand.u32 $0xFFFFFF80, v7;
	v0 =	vshll.u32 v0, $0x7  }
0x1cf: {  	v1 =	vand.u32 $0x7F, v7;
	v0 =	vadd.s32 v0, v8  }
0x1d0: {  	v9 =	vld [tilespmem:$0x12F0];
	v0 =	vor.u32 v1, v0;
	_ =	sdelay $0x4  }
0x1d1: {  	[tilespmem:v0+s30+$0x0] =	vst.idx.msk $0xffff, v9  }
0x1d2: {  	v0 =	vld [tilespmem:$0x200]  }
0x1d3: {  	v10 =	vld [tilespmem:$0xA80];
	_ =	sdelay $0x4  }
0x1d4: {  	v11 =	vand.u32 $0xFFFFFF80, v10;
	v0 =	vshll.u32 v0, $0x7  }
0x1d5: {  	v1 =	vand.u32 $0x7F, v10;
	v0 =	vadd.s32 v0, v11  }
0x1d6: {  	v12 =	vld [tilespmem:$0x1300];
	v0 =	vor.u32 v1, v0;
	_ =	sdelay $0x4  }
0x1d7: {  	[tilespmem:v0+s30+$0x0] =	vst.idx.msk $0xffff, v12  }
0x1d8: {  	v0 =	vld [tilespmem:$0x210]  }
0x1d9: {  	v13 =	vld [tilespmem:$0xA90];
	_ =	sdelay $0x4  }
0x1da: {  	v14 =	vand.u32 $0xFFFFFF80, v13;
	v0 =	vshll.u32 v0, $0x7  }
0x1db: {  	v1 =	vand.u32 $0x7F, v13;
	v0 =	vadd.s32 v0, v14  }
0x1dc: {  	v15 =	vld [tilespmem:$0x1310];
	v0 =	vor.u32 v1, v0;
	_ =	sdelay $0x4  }
0x1dd: {  	[tilespmem:v0+s30+$0x0] =	vst.idx.msk $0xffff, v15  }
0x1de: {  	v0 =	vld [tilespmem:$0x220]  }
0x1df: {  	v16 =	vld [tilespmem:$0xAA0];
	_ =	sdelay $0x4  }
0x1e0: {  	v17 =	vand.u32 $0xFFFFFF80, v16;
	v0 =	vshll.u32 v0, $0x7  }
0x1e1: {  	v1 =	vand.u32 $0x7F, v16;
	v0 =	vadd.s32 v0, v17  }
0x1e2: {  	v18 =	vld [tilespmem:$0x1320];
	v0 =	vor.u32 v1, v0;
	_ =	sdelay $0x4  }
0x1e3: {  	[tilespmem:v0+s30+$0x0] =	vst.idx.msk $0xffff, v18  }
0x1e4: {  	v0 =	vld [tilespmem:$0x230]  }
0x1e5: {  	v19 =	vld [tilespmem:$0xAB0];
	_ =	sdelay $0x4  }
0x1e6: {  	v20 =	vand.u32 $0xFFFFFF80, v19;
	v0 =	vshll.u32 v0, $0x7  }
0x1e7: {  	v1 =	vand.u32 $0x7F, v19;
	v0 =	vadd.s32 v0, v20  }
0x1e8: {  	v21 =	vld [tilespmem:$0x1330];
	v0 =	vor.u32 v1, v0;
	_ =	sdelay $0x4  }
0x1e9: {  	[tilespmem:v0+s30+$0x0] =	vst.idx.msk $0xffff, v21  }
0x1ea: {  	v0 =	vld [tilespmem:$0x240]  }
0x1eb: {  	v22 =	vld [tilespmem:$0xAC0];
	_ =	sdelay $0x4  }
0x1ec: {  	v23 =	vand.u32 $0xFFFFFF80, v22;
	v0 =	vshll.u32 v0, $0x7  }
0x1ed: {  	v1 =	vand.u32 $0x7F, v22;
	v0 =	vadd.s32 v0, v23  }
0x1ee: {  	v24 =	vld [tilespmem:$0x1340];
	v0 =	vor.u32 v1, v0;
	_ =	sdelay $0x4  }
0x1ef: {  	[tilespmem:v0+s30+$0x0] =	vst.idx.msk $0xffff, v24  }
0x1f0: {  	v0 =	vld [tilespmem:$0x250]  }
0x1f1: {  	v25 =	vld [tilespmem:$0xAD0];
	_ =	sdelay $0x4  }
0x1f2: {  	v26 =	vand.u32 $0xFFFFFF80, v25;
	v0 =	vshll.u32 v0, $0x7  }
0x1f3: {  	v1 =	vand.u32 $0x7F, v25;
	v0 =	vadd.s32 v0, v26  }
0x1f4: {  	v27 =	vld [tilespmem:$0x1350];
	v0 =	vor.u32 v1, v0;
	_ =	sdelay $0x4  }
0x1f5: {  	[tilespmem:v0+s30+$0x0] =	vst.idx.msk $0xffff, v27  }
0x1f6: {  	v0 =	vld [tilespmem:$0x260]  }
0x1f7: {  	v28 =	vld [tilespmem:$0xAE0];
	_ =	sdelay $0x4  }
0x1f8: {  	v29 =	vand.u32 $0xFFFFFF80, v28;
	v0 =	vshll.u32 v0, $0x7  }
0x1f9: {  	v1 =	vand.u32 $0x7F, v28;
	v0 =	vadd.s32 v0, v29  }
0x1fa: {  	v30 =	vld [tilespmem:$0x1360];
	v0 =	vor.u32 v1, v0;
	_ =	sdelay $0x4  }
0x1fb: {  	[tilespmem:v0+s30+$0x0] =	vst.idx.msk $0xffff, v30  }
0x1fc: {  	v0 =	vld [tilespmem:$0x270]  }
0x1fd: {  	v31 =	vld [tilespmem:$0xAF0];
	_ =	sdelay $0x4  }
0x1fe: {  	v32 =	vand.u32 $0xFFFFFF80, v31;
	v0 =	vshll.u32 v0, $0x7  }
0x1ff: {  	v1 =	vand.u32 $0x7F, v31;
	v0 =	vadd.s32 v0, v32  }
0x200: {  	v33 =	vld [tilespmem:$0x1370];
	v0 =	vor.u32 v1, v0;
	_ =	sdelay $0x4  }
0x201: {  	[tilespmem:v0+s30+$0x0] =	vst.idx.msk $0xffff, v33  }
0x202: {  	v0 =	vld [tilespmem:$0x280]  }
0x203: {  	v34 =	vld [tilespmem:$0xB00];
	_ =	sdelay $0x4  }
0x204: {  	v35 =	vand.u32 $0xFFFFFF80, v34;
	v0 =	vshll.u32 v0, $0x7  }
0x205: {  	v1 =	vand.u32 $0x7F, v34;
	v0 =	vadd.s32 v0, v35  }
0x206: {  	v36 =	vld [tilespmem:$0x1380];
	v0 =	vor.u32 v1, v0;
	_ =	sdelay $0x4  }
0x207: {  	[tilespmem:v0+s30+$0x0] =	vst.idx.msk $0xffff, v36  }
0x208: {  	v0 =	vld [tilespmem:$0x290]  }
0x209: {  	v37 =	vld [tilespmem:$0xB10];
	_ =	sdelay $0x4  }
0x20a: {  	v38 =	vand.u32 $0xFFFFFF80, v37;
	v0 =	vshll.u32 v0, $0x7  }
0x20b: {  	v1 =	vand.u32 $0x7F, v37;
	v0 =	vadd.s32 v0, v38  }
0x20c: {  	v39 =	vld [tilespmem:$0x1390];
	v0 =	vor.u32 v1, v0;
	_ =	sdelay $0x4  }
0x20d: {  	[tilespmem:v0+s30+$0x0] =	vst.idx.msk $0xffff, v39  }
0x20e: {  	v0 =	vld [tilespmem:$0x2A0]  }
0x20f: {  	v40 =	vld [tilespmem:$0xB20];
	_ =	sdelay $0x4  }
0x210: {  	v41 =	vand.u32 $0xFFFFFF80, v40;
	v0 =	vshll.u32 v0, $0x7  }
0x211: {  	v1 =	vand.u32 $0x7F, v40;
	v0 =	vadd.s32 v0, v41  }
0x212: {  	v42 =	vld [tilespmem:$0x13A0];
	v0 =	vor.u32 v1, v0;
	_ =	sdelay $0x4  }
0x213: {  	[tilespmem:v0+s30+$0x0] =	vst.idx.msk $0xffff, v42  }
0x214: {  	v0 =	vld [tilespmem:$0x2B0]  }
0x215: {  	v43 =	vld [tilespmem:$0xB30];
	_ =	sdelay $0x4  }
0x216: {  	v44 =	vand.u32 $0xFFFFFF80, v43;
	v0 =	vshll.u32 v0, $0x7  }
0x217: {  	v1 =	vand.u32 $0x7F, v43;
	v0 =	vadd.s32 v0, v44  }
0x218: {  	v45 =	vld [tilespmem:$0x13B0];
	v0 =	vor.u32 v1, v0;
	_ =	sdelay $0x4  }
0x219: {  	[tilespmem:v0+s30+$0x0] =	vst.idx.msk $0xffff, v45  }
0x21a: {  	v0 =	vld [tilespmem:$0x2C0]  }
0x21b: {  	v46 =	vld [tilespmem:$0xB40];
	_ =	sdelay $0x4  }
0x21c: {  	v47 =	vand.u32 $0xFFFFFF80, v46;
	v0 =	vshll.u32 v0, $0x7  }
0x21d: {  	v1 =	vand.u32 $0x7F, v46;
	v0 =	vadd.s32 v0, v47  }
0x21e: {  	v48 =	vld [tilespmem:$0x13C0];
	v0 =	vor.u32 v1, v0;
	_ =	sdelay $0x4  }
0x21f: {  	[tilespmem:v0+s30+$0x0] =	vst.idx.msk $0xffff, v48  }
0x220: {  	v0 =	vld [tilespmem:$0x2D0]  }
0x221: {  	v49 =	vld [tilespmem:$0xB50];
	_ =	sdelay $0x4  }
0x222: {  	v50 =	vand.u32 $0xFFFFFF80, v49;
	v0 =	vshll.u32 v0, $0x7  }
0x223: {  	v1 =	vand.u32 $0x7F, v49;
	v0 =	vadd.s32 v0, v50  }
0x224: {  	v51 =	vld [tilespmem:$0x13D0];
	v0 =	vor.u32 v1, v0;
	_ =	sdelay $0x4  }
0x225: {  	[tilespmem:v0+s30+$0x0] =	vst.idx.msk $0xffff, v51  }
0x226: {  	v0 =	vld [tilespmem:$0x2E0]  }
0x227: {  	v52 =	vld [tilespmem:$0xB60];
	_ =	sdelay $0x4  }
0x228: {  	v53 =	vand.u32 $0xFFFFFF80, v52;
	v0 =	vshll.u32 v0, $0x7  }
0x229: {  	v1 =	vand.u32 $0x7F, v52;
	v0 =	vadd.s32 v0, v53  }
0x22a: {  	v54 =	vld [tilespmem:$0x13E0];
	v0 =	vor.u32 v1, v0;
	_ =	sdelay $0x4  }
0x22b: {  	[tilespmem:v0+s30+$0x0] =	vst.idx.msk $0xffff, v54  }
0x22c: {  	v0 =	vld [tilespmem:$0x2F0]  }
0x22d: {  	v55 =	vld [tilespmem:$0xB70];
	_ =	sdelay $0x4  }
0x22e: {  	v56 =	vand.u32 $0xFFFFFF80, v55;
	v0 =	vshll.u32 v0, $0x7  }
0x22f: {  	v1 =	vand.u32 $0x7F, v55;
	v0 =	vadd.s32 v0, v56  }
0x230: {  	v57 =	vld [tilespmem:$0x13F0];
	v0 =	vor.u32 v1, v0;
	_ =	sdelay $0x4  }
0x231: {  	[tilespmem:v0+s30+$0x0] =	vst.idx.msk $0xffff, v57  }
0x232: {  	v0 =	vld [tilespmem:$0x300]  }
0x233: {  	v58 =	vld [tilespmem:$0xB80];
	_ =	sdelay $0x4  }
0x234: {  	v59 =	vand.u32 $0xFFFFFF80, v58;
	v0 =	vshll.u32 v0, $0x7  }
0x235: {  	v1 =	vand.u32 $0x7F, v58;
	v0 =	vadd.s32 v0, v59  }
0x236: {  	v60 =	vld [tilespmem:$0x1400];
	v0 =	vor.u32 v1, v0;
	_ =	sdelay $0x4  }
0x237: {  	[tilespmem:v0+s30+$0x0] =	vst.idx.msk $0xffff, v60  }
0x238: {  	v0 =	vld [tilespmem:$0x310]  }
0x239: {  	v61 =	vld [tilespmem:$0xB90];
	_ =	sdelay $0x4  }
0x23a: {  	v62 =	vand.u32 $0xFFFFFF80, v61;
	v0 =	vshll.u32 v0, $0x7  }
0x23b: {  	v1 =	vand.u32 $0x7F, v61;
	v0 =	vadd.s32 v0, v62  }
0x23c: {  	v63 =	vld [tilespmem:$0x1410];
	v0 =	vor.u32 v1, v0;
	_ =	sdelay $0x4  }
0x23d: {  	[tilespmem:v0+s30+$0x0] =	vst.idx.msk $0xffff, v63  }
0x23e: {  	v0 =	vld [tilespmem:$0x320]  }
0x23f: {  	v4 =	vld [tilespmem:$0xBA0];
	_ =	sdelay $0x4  }
0x240: {  	v5 =	vand.u32 $0xFFFFFF80, v4;
	v0 =	vshll.u32 v0, $0x7  }
0x241: {  	v1 =	vand.u32 $0x7F, v4;
	v0 =	vadd.s32 v0, v5  }
0x242: {  	v6 =	vld [tilespmem:$0x1420];
	v0 =	vor.u32 v1, v0;
	_ =	sdelay $0x4  }
0x243: {  	[tilespmem:v0+s30+$0x0] =	vst.idx.msk $0xffff, v6  }
0x244: {  	v0 =	vld [tilespmem:$0x330]  }
0x245: {  	v7 =	vld [tilespmem:$0xBB0];
	_ =	sdelay $0x4  }
0x246: {  	v8 =	vand.u32 $0xFFFFFF80, v7;
	v0 =	vshll.u32 v0, $0x7  }
0x247: {  	v1 =	vand.u32 $0x7F, v7;
	v0 =	vadd.s32 v0, v8  }
0x248: {  	v9 =	vld [tilespmem:$0x1430];
	v0 =	vor.u32 v1, v0;
	_ =	sdelay $0x4  }
0x249: {  	[tilespmem:v0+s30+$0x0] =	vst.idx.msk $0xffff, v9  }
0x24a: {  	v0 =	vld [tilespmem:$0x340]  }
0x24b: {  	v10 =	vld [tilespmem:$0xBC0];
	_ =	sdelay $0x4  }
0x24c: {  	v11 =	vand.u32 $0xFFFFFF80, v10;
	v0 =	vshll.u32 v0, $0x7  }
0x24d: {  	v1 =	vand.u32 $0x7F, v10;
	v0 =	vadd.s32 v0, v11  }
0x24e: {  	v12 =	vld [tilespmem:$0x1440];
	v0 =	vor.u32 v1, v0;
	_ =	sdelay $0x4  }
0x24f: {  	[tilespmem:v0+s30+$0x0] =	vst.idx.msk $0xffff, v12  }
0x250: {  	v0 =	vld [tilespmem:$0x350]  }
0x251: {  	v13 =	vld [tilespmem:$0xBD0];
	_ =	sdelay $0x4  }
0x252: {  	v14 =	vand.u32 $0xFFFFFF80, v13;
	v0 =	vshll.u32 v0, $0x7  }
0x253: {  	v1 =	vand.u32 $0x7F, v13;
	v0 =	vadd.s32 v0, v14  }
0x254: {  	v15 =	vld [tilespmem:$0x1450];
	v0 =	vor.u32 v1, v0;
	_ =	sdelay $0x4  }
0x255: {  	[tilespmem:v0+s30+$0x0] =	vst.idx.msk $0xffff, v15  }
0x256: {  	v0 =	vld [tilespmem:$0x360]  }
0x257: {  	v16 =	vld [tilespmem:$0xBE0];
	_ =	sdelay $0x4  }
0x258: {  	v17 =	vand.u32 $0xFFFFFF80, v16;
	v0 =	vshll.u32 v0, $0x7  }
0x259: {  	v1 =	vand.u32 $0x7F, v16;
	v0 =	vadd.s32 v0, v17  }
0x25a: {  	v18 =	vld [tilespmem:$0x1460];
	v0 =	vor.u32 v1, v0;
	_ =	sdelay $0x4  }
0x25b: {  	[tilespmem:v0+s30+$0x0] =	vst.idx.msk $0xffff, v18  }
0x25c: {  	v0 =	vld [tilespmem:$0x370]  }
0x25d: {  	v19 =	vld [tilespmem:$0xBF0];
	_ =	sdelay $0x4  }
0x25e: {  	v20 =	vand.u32 $0xFFFFFF80, v19;
	v0 =	vshll.u32 v0, $0x7  }
0x25f: {  	v1 =	vand.u32 $0x7F, v19;
	v0 =	vadd.s32 v0, v20  }
0x260: {  	v21 =	vld [tilespmem:$0x1470];
	v0 =	vor.u32 v1, v0;
	_ =	sdelay $0x4  }
0x261: {  	[tilespmem:v0+s30+$0x0] =	vst.idx.msk $0xffff, v21  }
0x262: {  	v0 =	vld [tilespmem:$0x380]  }
0x263: {  	v22 =	vld [tilespmem:$0xC00];
	_ =	sdelay $0x4  }
0x264: {  	v23 =	vand.u32 $0xFFFFFF80, v22;
	v0 =	vshll.u32 v0, $0x7  }
0x265: {  	v1 =	vand.u32 $0x7F, v22;
	v0 =	vadd.s32 v0, v23  }
0x266: {  	v24 =	vld [tilespmem:$0x1480];
	v0 =	vor.u32 v1, v0;
	_ =	sdelay $0x4  }
0x267: {  	[tilespmem:v0+s30+$0x0] =	vst.idx.msk $0xffff, v24  }
0x268: {  	v0 =	vld [tilespmem:$0x390]  }
0x269: {  	v25 =	vld [tilespmem:$0xC10];
	_ =	sdelay $0x4  }
0x26a: {  	v26 =	vand.u32 $0xFFFFFF80, v25;
	v0 =	vshll.u32 v0, $0x7  }
0x26b: {  	v1 =	vand.u32 $0x7F, v25;
	v0 =	vadd.s32 v0, v26  }
0x26c: {  	v27 =	vld [tilespmem:$0x1490];
	v0 =	vor.u32 v1, v0;
	_ =	sdelay $0x4  }
0x26d: {  	[tilespmem:v0+s30+$0x0] =	vst.idx.msk $0xffff, v27  }
0x26e: {  	v0 =	vld [tilespmem:$0x3A0]  }
0x26f: {  	v28 =	vld [tilespmem:$0xC20];
	_ =	sdelay $0x4  }
0x270: {  	v29 =	vand.u32 $0xFFFFFF80, v28;
	v0 =	vshll.u32 v0, $0x7  }
0x271: {  	v1 =	vand.u32 $0x7F, v28;
	v0 =	vadd.s32 v0, v29  }
0x272: {  	v30 =	vld [tilespmem:$0x14A0];
	v0 =	vor.u32 v1, v0;
	_ =	sdelay $0x4  }
0x273: {  	[tilespmem:v0+s30+$0x0] =	vst.idx.msk $0xffff, v30  }
0x274: {  	v0 =	vld [tilespmem:$0x3B0]  }
0x275: {  	v31 =	vld [tilespmem:$0xC30];
	_ =	sdelay $0x4  }
0x276: {  	v32 =	vand.u32 $0xFFFFFF80, v31;
	v0 =	vshll.u32 v0, $0x7  }
0x277: {  	v1 =	vand.u32 $0x7F, v31;
	v0 =	vadd.s32 v0, v32  }
0x278: {  	v33 =	vld [tilespmem:$0x14B0];
	v0 =	vor.u32 v1, v0;
	_ =	sdelay $0x4  }
0x279: {  	[tilespmem:v0+s30+$0x0] =	vst.idx.msk $0xffff, v33  }
0x27a: {  	v0 =	vld [tilespmem:$0x3C0]  }
0x27b: {  	v34 =	vld [tilespmem:$0xC40];
	_ =	sdelay $0x4  }
0x27c: {  	v35 =	vand.u32 $0xFFFFFF80, v34;
	v0 =	vshll.u32 v0, $0x7  }
0x27d: {  	v1 =	vand.u32 $0x7F, v34;
	v0 =	vadd.s32 v0, v35  }
0x27e: {  	v36 =	vld [tilespmem:$0x14C0];
	v0 =	vor.u32 v1, v0;
	_ =	sdelay $0x4  }
0x27f: {  	[tilespmem:v0+s30+$0x0] =	vst.idx.msk $0xffff, v36  }
0x280: {  	v0 =	vld [tilespmem:$0x3D0]  }
0x281: {  	v37 =	vld [tilespmem:$0xC50];
	_ =	sdelay $0x4  }
0x282: {  	v38 =	vand.u32 $0xFFFFFF80, v37;
	v0 =	vshll.u32 v0, $0x7  }
0x283: {  	v1 =	vand.u32 $0x7F, v37;
	v0 =	vadd.s32 v0, v38  }
0x284: {  	v39 =	vld [tilespmem:$0x14D0];
	v0 =	vor.u32 v1, v0;
	_ =	sdelay $0x4  }
0x285: {  	[tilespmem:v0+s30+$0x0] =	vst.idx.msk $0xffff, v39  }
0x286: {  	v0 =	vld [tilespmem:$0x3E0]  }
0x287: {  	v40 =	vld [tilespmem:$0xC60];
	_ =	sdelay $0x4  }
0x288: {  	v41 =	vand.u32 $0xFFFFFF80, v40;
	v0 =	vshll.u32 v0, $0x7  }
0x289: {  	v1 =	vand.u32 $0x7F, v40;
	v0 =	vadd.s32 v0, v41  }
0x28a: {  	v42 =	vld [tilespmem:$0x14E0];
	v0 =	vor.u32 v1, v0;
	_ =	sdelay $0x4  }
0x28b: {  	[tilespmem:v0+s30+$0x0] =	vst.idx.msk $0xffff, v42  }
0x28c: {  	v0 =	vld [tilespmem:$0x3F0]  }
0x28d: {  	v43 =	vld [tilespmem:$0xC70];
	_ =	sdelay $0x4  }
0x28e: {  	v44 =	vand.u32 $0xFFFFFF80, v43;
	v0 =	vshll.u32 v0, $0x7  }
0x28f: {  	v1 =	vand.u32 $0x7F, v43;
	v0 =	vadd.s32 v0, v44  }
0x290: {  	v45 =	vld [tilespmem:$0x14F0];
	v0 =	vor.u32 v1, v0;
	_ =	sdelay $0x4  }
0x291: {  	[tilespmem:v0+s30+$0x0] =	vst.idx.msk $0xffff, v45  }
0x292: {  	v0 =	vld [tilespmem:$0x400]  }
0x293: {  	v46 =	vld [tilespmem:$0xC80];
	_ =	sdelay $0x4  }
0x294: {  	v47 =	vand.u32 $0xFFFFFF80, v46;
	v0 =	vshll.u32 v0, $0x7  }
0x295: {  	v1 =	vand.u32 $0x7F, v46;
	v0 =	vadd.s32 v0, v47  }
0x296: {  	v48 =	vld [tilespmem:$0x1500];
	v0 =	vor.u32 v1, v0;
	_ =	sdelay $0x4  }
0x297: {  	[tilespmem:v0+s30+$0x0] =	vst.idx.msk $0xffff, v48  }
0x298: {  	v0 =	vld [tilespmem:$0x410]  }
0x299: {  	v49 =	vld [tilespmem:$0xC90];
	_ =	sdelay $0x4  }
0x29a: {  	v50 =	vand.u32 $0xFFFFFF80, v49;
	v0 =	vshll.u32 v0, $0x7  }
0x29b: {  	v1 =	vand.u32 $0x7F, v49;
	v0 =	vadd.s32 v0, v50  }
0x29c: {  	v51 =	vld [tilespmem:$0x1510];
	v0 =	vor.u32 v1, v0;
	_ =	sdelay $0x4  }
0x29d: {  	[tilespmem:v0+s30+$0x0] =	vst.idx.msk $0xffff, v51  }
0x29e: {  	v0 =	vld [tilespmem:$0x420]  }
0x29f: {  	v52 =	vld [tilespmem:$0xCA0];
	_ =	sdelay $0x4  }
0x2a0: {  	v53 =	vand.u32 $0xFFFFFF80, v52;
	v0 =	vshll.u32 v0, $0x7  }
0x2a1: {  	v1 =	vand.u32 $0x7F, v52;
	v0 =	vadd.s32 v0, v53  }
0x2a2: {  	v54 =	vld [tilespmem:$0x1520];
	v0 =	vor.u32 v1, v0;
	_ =	sdelay $0x4  }
0x2a3: {  	[tilespmem:v0+s30+$0x0] =	vst.idx.msk $0xffff, v54  }
0x2a4: {  	v0 =	vld [tilespmem:$0x430]  }
0x2a5: {  	v55 =	vld [tilespmem:$0xCB0];
	_ =	sdelay $0x4  }
0x2a6: {  	v56 =	vand.u32 $0xFFFFFF80, v55;
	v0 =	vshll.u32 v0, $0x7  }
0x2a7: {  	v1 =	vand.u32 $0x7F, v55;
	v0 =	vadd.s32 v0, v56  }
0x2a8: {  	v57 =	vld [tilespmem:$0x1530];
	v0 =	vor.u32 v1, v0;
	_ =	sdelay $0x4  }
0x2a9: {  	[tilespmem:v0+s30+$0x0] =	vst.idx.msk $0xffff, v57  }
0x2aa: {  	v0 =	vld [tilespmem:$0x440]  }
0x2ab: {  	v58 =	vld [tilespmem:$0xCC0];
	_ =	sdelay $0x4  }
0x2ac: {  	v59 =	vand.u32 $0xFFFFFF80, v58;
	v0 =	vshll.u32 v0, $0x7  }
0x2ad: {  	v1 =	vand.u32 $0x7F, v58;
	v0 =	vadd.s32 v0, v59  }
0x2ae: {  	v60 =	vld [tilespmem:$0x1540];
	v0 =	vor.u32 v1, v0;
	_ =	sdelay $0x4  }
0x2af: {  	[tilespmem:v0+s30+$0x0] =	vst.idx.msk $0xffff, v60  }
0x2b0: {  	v0 =	vld [tilespmem:$0x450]  }
0x2b1: {  	v61 =	vld [tilespmem:$0xCD0];
	_ =	sdelay $0x4  }
0x2b2: {  	v62 =	vand.u32 $0xFFFFFF80, v61;
	v0 =	vshll.u32 v0, $0x7  }
0x2b3: {  	v1 =	vand.u32 $0x7F, v61;
	v0 =	vadd.s32 v0, v62  }
0x2b4: {  	v63 =	vld [tilespmem:$0x1550];
	v0 =	vor.u32 v1, v0;
	_ =	sdelay $0x4  }
0x2b5: {  	[tilespmem:v0+s30+$0x0] =	vst.idx.msk $0xffff, v63  }
0x2b6: {  	v0 =	vld [tilespmem:$0x460]  }
0x2b7: {  	v4 =	vld [tilespmem:$0xCE0];
	_ =	sdelay $0x4  }
0x2b8: {  	v5 =	vand.u32 $0xFFFFFF80, v4;
	v0 =	vshll.u32 v0, $0x7  }
0x2b9: {  	v1 =	vand.u32 $0x7F, v4;
	v0 =	vadd.s32 v0, v5  }
0x2ba: {  	v6 =	vld [tilespmem:$0x1560];
	v0 =	vor.u32 v1, v0;
	_ =	sdelay $0x4  }
0x2bb: {  	[tilespmem:v0+s30+$0x0] =	vst.idx.msk $0xffff, v6  }
0x2bc: {  	v0 =	vld [tilespmem:$0x470]  }
0x2bd: {  	v7 =	vld [tilespmem:$0xCF0];
	_ =	sdelay $0x4  }
0x2be: {  	v8 =	vand.u32 $0xFFFFFF80, v7;
	v0 =	vshll.u32 v0, $0x7  }
0x2bf: {  	v1 =	vand.u32 $0x7F, v7;
	v0 =	vadd.s32 v0, v8  }
0x2c0: {  	v9 =	vld [tilespmem:$0x1570];
	v0 =	vor.u32 v1, v0;
	_ =	sdelay $0x4  }
0x2c1: {  	[tilespmem:v0+s30+$0x0] =	vst.idx.msk $0xffff, v9  }
0x2c2: {  	v0 =	vld [tilespmem:$0x480]  }
0x2c3: {  	v10 =	vld [tilespmem:$0xD00];
	_ =	sdelay $0x4  }
0x2c4: {  	v11 =	vand.u32 $0xFFFFFF80, v10;
	v0 =	vshll.u32 v0, $0x7  }
0x2c5: {  	v1 =	vand.u32 $0x7F, v10;
	v0 =	vadd.s32 v0, v11  }
0x2c6: {  	v12 =	vld [tilespmem:$0x1580];
	v0 =	vor.u32 v1, v0;
	_ =	sdelay $0x4  }
0x2c7: {  	[tilespmem:v0+s30+$0x0] =	vst.idx.msk $0xffff, v12  }
0x2c8: {  	v0 =	vld [tilespmem:$0x490]  }
0x2c9: {  	v13 =	vld [tilespmem:$0xD10];
	_ =	sdelay $0x4  }
0x2ca: {  	v14 =	vand.u32 $0xFFFFFF80, v13;
	v0 =	vshll.u32 v0, $0x7  }
0x2cb: {  	v1 =	vand.u32 $0x7F, v13;
	v0 =	vadd.s32 v0, v14  }
0x2cc: {  	v15 =	vld [tilespmem:$0x1590];
	v0 =	vor.u32 v1, v0;
	_ =	sdelay $0x4  }
0x2cd: {  	[tilespmem:v0+s30+$0x0] =	vst.idx.msk $0xffff, v15  }
0x2ce: {  	v0 =	vld [tilespmem:$0x4A0]  }
0x2cf: {  	v16 =	vld [tilespmem:$0xD20];
	_ =	sdelay $0x4  }
0x2d0: {  	v17 =	vand.u32 $0xFFFFFF80, v16;
	v0 =	vshll.u32 v0, $0x7  }
0x2d1: {  	v1 =	vand.u32 $0x7F, v16;
	v0 =	vadd.s32 v0, v17  }
0x2d2: {  	v18 =	vld [tilespmem:$0x15A0];
	v0 =	vor.u32 v1, v0;
	_ =	sdelay $0x4  }
0x2d3: {  	[tilespmem:v0+s30+$0x0] =	vst.idx.msk $0xffff, v18  }
0x2d4: {  	v0 =	vld [tilespmem:$0x4B0]  }
0x2d5: {  	v19 =	vld [tilespmem:$0xD30];
	_ =	sdelay $0x4  }
0x2d6: {  	v20 =	vand.u32 $0xFFFFFF80, v19;
	v0 =	vshll.u32 v0, $0x7  }
0x2d7: {  	v1 =	vand.u32 $0x7F, v19;
	v0 =	vadd.s32 v0, v20  }
0x2d8: {  	v21 =	vld [tilespmem:$0x15B0];
	v0 =	vor.u32 v1, v0;
	_ =	sdelay $0x4  }
0x2d9: {  	[tilespmem:v0+s30+$0x0] =	vst.idx.msk $0xffff, v21  }
0x2da: {  	v0 =	vld [tilespmem:$0x4C0]  }
0x2db: {  	v22 =	vld [tilespmem:$0xD40];
	_ =	sdelay $0x4  }
0x2dc: {  	v23 =	vand.u32 $0xFFFFFF80, v22;
	v0 =	vshll.u32 v0, $0x7  }
0x2dd: {  	v1 =	vand.u32 $0x7F, v22;
	v0 =	vadd.s32 v0, v23  }
0x2de: {  	v24 =	vld [tilespmem:$0x15C0];
	v0 =	vor.u32 v1, v0;
	_ =	sdelay $0x4  }
0x2df: {  	[tilespmem:v0+s30+$0x0] =	vst.idx.msk $0xffff, v24  }
0x2e0: {  	v0 =	vld [tilespmem:$0x4D0]  }
0x2e1: {  	v25 =	vld [tilespmem:$0xD50];
	_ =	sdelay $0x4  }
0x2e2: {  	v26 =	vand.u32 $0xFFFFFF80, v25;
	v0 =	vshll.u32 v0, $0x7  }
0x2e3: {  	v1 =	vand.u32 $0x7F, v25;
	v0 =	vadd.s32 v0, v26  }
0x2e4: {  	v27 =	vld [tilespmem:$0x15D0];
	v0 =	vor.u32 v1, v0;
	_ =	sdelay $0x4  }
0x2e5: {  	[tilespmem:v0+s30+$0x0] =	vst.idx.msk $0xffff, v27  }
0x2e6: {  	v0 =	vld [tilespmem:$0x4E0]  }
0x2e7: {  	v28 =	vld [tilespmem:$0xD60];
	_ =	sdelay $0x4  }
0x2e8: {  	v29 =	vand.u32 $0xFFFFFF80, v28;
	v0 =	vshll.u32 v0, $0x7  }
0x2e9: {  	v1 =	vand.u32 $0x7F, v28;
	v0 =	vadd.s32 v0, v29  }
0x2ea: {  	v30 =	vld [tilespmem:$0x15E0];
	v0 =	vor.u32 v1, v0;
	_ =	sdelay $0x4  }
0x2eb: {  	[tilespmem:v0+s30+$0x0] =	vst.idx.msk $0xffff, v30  }
0x2ec: {  	v0 =	vld [tilespmem:$0x4F0]  }
0x2ed: {  	v31 =	vld [tilespmem:$0xD70];
	_ =	sdelay $0x4  }
0x2ee: {  	v32 =	vand.u32 $0xFFFFFF80, v31;
	v0 =	vshll.u32 v0, $0x7  }
0x2ef: {  	v1 =	vand.u32 $0x7F, v31;
	v0 =	vadd.s32 v0, v32  }
0x2f0: {  	v33 =	vld [tilespmem:$0x15F0];
	v0 =	vor.u32 v1, v0;
	_ =	sdelay $0x4  }
0x2f1: {  	[tilespmem:v0+s30+$0x0] =	vst.idx.msk $0xffff, v33  }
0x2f2: {  	v0 =	vld [tilespmem:$0x500]  }
0x2f3: {  	v34 =	vld [tilespmem:$0xD80];
	_ =	sdelay $0x4  }
0x2f4: {  	v35 =	vand.u32 $0xFFFFFF80, v34;
	v0 =	vshll.u32 v0, $0x7  }
0x2f5: {  	v1 =	vand.u32 $0x7F, v34;
	v0 =	vadd.s32 v0, v35  }
0x2f6: {  	v36 =	vld [tilespmem:$0x1600];
	v0 =	vor.u32 v1, v0;
	_ =	sdelay $0x4  }
0x2f7: {  	[tilespmem:v0+s30+$0x0] =	vst.idx.msk $0xffff, v36  }
0x2f8: {  	v0 =	vld [tilespmem:$0x510]  }
0x2f9: {  	v37 =	vld [tilespmem:$0xD90];
	_ =	sdelay $0x4  }
0x2fa: {  	v38 =	vand.u32 $0xFFFFFF80, v37;
	v0 =	vshll.u32 v0, $0x7  }
0x2fb: {  	v1 =	vand.u32 $0x7F, v37;
	v0 =	vadd.s32 v0, v38  }
0x2fc: {  	v39 =	vld [tilespmem:$0x1610];
	v0 =	vor.u32 v1, v0;
	_ =	sdelay $0x4  }
0x2fd: {  	[tilespmem:v0+s30+$0x0] =	vst.idx.msk $0xffff, v39  }
0x2fe: {  	v0 =	vld [tilespmem:$0x520]  }
0x2ff: {  	v40 =	vld [tilespmem:$0xDA0];
	_ =	sdelay $0x4  }
0x300: {  	v41 =	vand.u32 $0xFFFFFF80, v40;
	v0 =	vshll.u32 v0, $0x7  }
0x301: {  	v1 =	vand.u32 $0x7F, v40;
	v0 =	vadd.s32 v0, v41  }
0x302: {  	v42 =	vld [tilespmem:$0x1620];
	v0 =	vor.u32 v1, v0;
	_ =	sdelay $0x4  }
0x303: {  	[tilespmem:v0+s30+$0x0] =	vst.idx.msk $0xffff, v42  }
0x304: {  	v0 =	vld [tilespmem:$0x530]  }
0x305: {  	v43 =	vld [tilespmem:$0xDB0];
	_ =	sdelay $0x4  }
0x306: {  	v44 =	vand.u32 $0xFFFFFF80, v43;
	v0 =	vshll.u32 v0, $0x7  }
0x307: {  	v1 =	vand.u32 $0x7F, v43;
	v0 =	vadd.s32 v0, v44  }
0x308: {  	v45 =	vld [tilespmem:$0x1630];
	v0 =	vor.u32 v1, v0;
	_ =	sdelay $0x4  }
0x309: {  	[tilespmem:v0+s30+$0x0] =	vst.idx.msk $0xffff, v45  }
0x30a: {  	v0 =	vld [tilespmem:$0x540]  }
0x30b: {  	v46 =	vld [tilespmem:$0xDC0];
	_ =	sdelay $0x4  }
0x30c: {  	v47 =	vand.u32 $0xFFFFFF80, v46;
	v0 =	vshll.u32 v0, $0x7  }
0x30d: {  	v1 =	vand.u32 $0x7F, v46;
	v0 =	vadd.s32 v0, v47  }
0x30e: {  	v48 =	vld [tilespmem:$0x1640];
	v0 =	vor.u32 v1, v0;
	_ =	sdelay $0x4  }
0x30f: {  	[tilespmem:v0+s30+$0x0] =	vst.idx.msk $0xffff, v48  }
0x310: {  	v0 =	vld [tilespmem:$0x550]  }
0x311: {  	v49 =	vld [tilespmem:$0xDD0];
	_ =	sdelay $0x4  }
0x312: {  	v50 =	vand.u32 $0xFFFFFF80, v49;
	v0 =	vshll.u32 v0, $0x7  }
0x313: {  	v1 =	vand.u32 $0x7F, v49;
	v0 =	vadd.s32 v0, v50  }
0x314: {  	v51 =	vld [tilespmem:$0x1650];
	v0 =	vor.u32 v1, v0;
	_ =	sdelay $0x4  }
0x315: {  	[tilespmem:v0+s30+$0x0] =	vst.idx.msk $0xffff, v51  }
0x316: {  	v0 =	vld [tilespmem:$0x560]  }
0x317: {  	v52 =	vld [tilespmem:$0xDE0];
	_ =	sdelay $0x4  }
0x318: {  	v53 =	vand.u32 $0xFFFFFF80, v52;
	v0 =	vshll.u32 v0, $0x7  }
0x319: {  	v1 =	vand.u32 $0x7F, v52;
	v0 =	vadd.s32 v0, v53  }
0x31a: {  	v54 =	vld [tilespmem:$0x1660];
	v0 =	vor.u32 v1, v0;
	_ =	sdelay $0x4  }
0x31b: {  	[tilespmem:v0+s30+$0x0] =	vst.idx.msk $0xffff, v54  }
0x31c: {  	v0 =	vld [tilespmem:$0x570]  }
0x31d: {  	v55 =	vld [tilespmem:$0xDF0];
	_ =	sdelay $0x4  }
0x31e: {  	v56 =	vand.u32 $0xFFFFFF80, v55;
	v0 =	vshll.u32 v0, $0x7  }
0x31f: {  	v1 =	vand.u32 $0x7F, v55;
	v0 =	vadd.s32 v0, v56  }
0x320: {  	v57 =	vld [tilespmem:$0x1670];
	v0 =	vor.u32 v1, v0;
	_ =	sdelay $0x4  }
0x321: {  	[tilespmem:v0+s30+$0x0] =	vst.idx.msk $0xffff, v57  }
0x322: {  	v0 =	vld [tilespmem:$0x580]  }
0x323: {  	v58 =	vld [tilespmem:$0xE00];
	_ =	sdelay $0x4  }
0x324: {  	v59 =	vand.u32 $0xFFFFFF80, v58;
	v0 =	vshll.u32 v0, $0x7  }
0x325: {  	v1 =	vand.u32 $0x7F, v58;
	v0 =	vadd.s32 v0, v59  }
0x326: {  	v60 =	vld [tilespmem:$0x1680];
	v0 =	vor.u32 v1, v0;
	_ =	sdelay $0x4  }
0x327: {  	[tilespmem:v0+s30+$0x0] =	vst.idx.msk $0xffff, v60  }
0x328: {  	v0 =	vld [tilespmem:$0x590]  }
0x329: {  	v61 =	vld [tilespmem:$0xE10];
	_ =	sdelay $0x4  }
0x32a: {  	v62 =	vand.u32 $0xFFFFFF80, v61;
	v0 =	vshll.u32 v0, $0x7  }
0x32b: {  	v1 =	vand.u32 $0x7F, v61;
	v0 =	vadd.s32 v0, v62  }
0x32c: {  	v63 =	vld [tilespmem:$0x1690];
	v0 =	vor.u32 v1, v0;
	_ =	sdelay $0x4  }
0x32d: {  	[tilespmem:v0+s30+$0x0] =	vst.idx.msk $0xffff, v63  }
0x32e: {  	v0 =	vld [tilespmem:$0x5A0]  }
0x32f: {  	v4 =	vld [tilespmem:$0xE20];
	_ =	sdelay $0x4  }
0x330: {  	v5 =	vand.u32 $0xFFFFFF80, v4;
	v0 =	vshll.u32 v0, $0x7  }
0x331: {  	v1 =	vand.u32 $0x7F, v4;
	v0 =	vadd.s32 v0, v5  }
0x332: {  	v6 =	vld [tilespmem:$0x16A0];
	v0 =	vor.u32 v1, v0;
	_ =	sdelay $0x4  }
0x333: {  	[tilespmem:v0+s30+$0x0] =	vst.idx.msk $0xffff, v6  }
0x334: {  	v0 =	vld [tilespmem:$0x5B0]  }
0x335: {  	v7 =	vld [tilespmem:$0xE30];
	_ =	sdelay $0x4  }
0x336: {  	v8 =	vand.u32 $0xFFFFFF80, v7;
	v0 =	vshll.u32 v0, $0x7  }
0x337: {  	v1 =	vand.u32 $0x7F, v7;
	v0 =	vadd.s32 v0, v8  }
0x338: {  	v9 =	vld [tilespmem:$0x16B0];
	v0 =	vor.u32 v1, v0;
	_ =	sdelay $0x4  }
0x339: {  	[tilespmem:v0+s30+$0x0] =	vst.idx.msk $0xffff, v9  }
0x33a: {  	v0 =	vld [tilespmem:$0x5C0]  }
0x33b: {  	v10 =	vld [tilespmem:$0xE40];
	_ =	sdelay $0x4  }
0x33c: {  	v11 =	vand.u32 $0xFFFFFF80, v10;
	v0 =	vshll.u32 v0, $0x7  }
0x33d: {  	v1 =	vand.u32 $0x7F, v10;
	v0 =	vadd.s32 v0, v11  }
0x33e: {  	v12 =	vld [tilespmem:$0x16C0];
	v0 =	vor.u32 v1, v0;
	_ =	sdelay $0x4  }
0x33f: {  	[tilespmem:v0+s30+$0x0] =	vst.idx.msk $0xffff, v12  }
0x340: {  	v0 =	vld [tilespmem:$0x5D0]  }
0x341: {  	v13 =	vld [tilespmem:$0xE50];
	_ =	sdelay $0x4  }
0x342: {  	v14 =	vand.u32 $0xFFFFFF80, v13;
	v0 =	vshll.u32 v0, $0x7  }
0x343: {  	v1 =	vand.u32 $0x7F, v13;
	v0 =	vadd.s32 v0, v14  }
0x344: {  	v15 =	vld [tilespmem:$0x16D0];
	v0 =	vor.u32 v1, v0;
	_ =	sdelay $0x4  }
0x345: {  	[tilespmem:v0+s30+$0x0] =	vst.idx.msk $0xffff, v15  }
0x346: {  	v0 =	vld [tilespmem:$0x5E0]  }
0x347: {  	v16 =	vld [tilespmem:$0xE60];
	_ =	sdelay $0x4  }
0x348: {  	v17 =	vand.u32 $0xFFFFFF80, v16;
	v0 =	vshll.u32 v0, $0x7  }
0x349: {  	v1 =	vand.u32 $0x7F, v16;
	v0 =	vadd.s32 v0, v17  }
0x34a: {  	v18 =	vld [tilespmem:$0x16E0];
	v0 =	vor.u32 v1, v0;
	_ =	sdelay $0x4  }
0x34b: {  	[tilespmem:v0+s30+$0x0] =	vst.idx.msk $0xffff, v18  }
0x34c: {  	v0 =	vld [tilespmem:$0x5F0]  }
0x34d: {  	v19 =	vld [tilespmem:$0xE70];
	_ =	sdelay $0x4  }
0x34e: {  	v20 =	vand.u32 $0xFFFFFF80, v19;
	v0 =	vshll.u32 v0, $0x7  }
0x34f: {  	v1 =	vand.u32 $0x7F, v19;
	v0 =	vadd.s32 v0, v20  }
0x350: {  	v21 =	vld [tilespmem:$0x16F0];
	v0 =	vor.u32 v1, v0;
	_ =	sdelay $0x4  }
0x351: {  	[tilespmem:v0+s30+$0x0] =	vst.idx.msk $0xffff, v21  }
0x352: {  	v0 =	vld [tilespmem:$0x600]  }
0x353: {  	v22 =	vld [tilespmem:$0xE80];
	_ =	sdelay $0x4  }
0x354: {  	v23 =	vand.u32 $0xFFFFFF80, v22;
	v0 =	vshll.u32 v0, $0x7  }
0x355: {  	v1 =	vand.u32 $0x7F, v22;
	v0 =	vadd.s32 v0, v23  }
0x356: {  	v24 =	vld [tilespmem:$0x1700];
	v0 =	vor.u32 v1, v0;
	_ =	sdelay $0x4  }
0x357: {  	[tilespmem:v0+s30+$0x0] =	vst.idx.msk $0xffff, v24  }
0x358: {  	v0 =	vld [tilespmem:$0x610]  }
0x359: {  	v25 =	vld [tilespmem:$0xE90];
	_ =	sdelay $0x4  }
0x35a: {  	v26 =	vand.u32 $0xFFFFFF80, v25;
	v0 =	vshll.u32 v0, $0x7  }
0x35b: {  	v1 =	vand.u32 $0x7F, v25;
	v0 =	vadd.s32 v0, v26  }
0x35c: {  	v27 =	vld [tilespmem:$0x1710];
	v0 =	vor.u32 v1, v0;
	_ =	sdelay $0x4  }
0x35d: {  	[tilespmem:v0+s30+$0x0] =	vst.idx.msk $0xffff, v27  }
0x35e: {  	v0 =	vld [tilespmem:$0x620]  }
0x35f: {  	v28 =	vld [tilespmem:$0xEA0];
	_ =	sdelay $0x4  }
0x360: {  	v29 =	vand.u32 $0xFFFFFF80, v28;
	v0 =	vshll.u32 v0, $0x7  }
0x361: {  	v1 =	vand.u32 $0x7F, v28;
	v0 =	vadd.s32 v0, v29  }
0x362: {  	v30 =	vld [tilespmem:$0x1720];
	v0 =	vor.u32 v1, v0;
	_ =	sdelay $0x4  }
0x363: {  	[tilespmem:v0+s30+$0x0] =	vst.idx.msk $0xffff, v30  }
0x364: {  	v0 =	vld [tilespmem:$0x630]  }
0x365: {  	v31 =	vld [tilespmem:$0xEB0];
	_ =	sdelay $0x4  }
0x366: {  	v32 =	vand.u32 $0xFFFFFF80, v31;
	v0 =	vshll.u32 v0, $0x7  }
0x367: {  	v1 =	vand.u32 $0x7F, v31;
	v0 =	vadd.s32 v0, v32  }
0x368: {  	v33 =	vld [tilespmem:$0x1730];
	v0 =	vor.u32 v1, v0;
	_ =	sdelay $0x4  }
0x369: {  	[tilespmem:v0+s30+$0x0] =	vst.idx.msk $0xffff, v33  }
0x36a: {  	v0 =	vld [tilespmem:$0x640]  }
0x36b: {  	v34 =	vld [tilespmem:$0xEC0];
	_ =	sdelay $0x4  }
0x36c: {  	v35 =	vand.u32 $0xFFFFFF80, v34;
	v0 =	vshll.u32 v0, $0x7  }
0x36d: {  	v1 =	vand.u32 $0x7F, v34;
	v0 =	vadd.s32 v0, v35  }
0x36e: {  	v36 =	vld [tilespmem:$0x1740];
	v0 =	vor.u32 v1, v0;
	_ =	sdelay $0x4  }
0x36f: {  	[tilespmem:v0+s30+$0x0] =	vst.idx.msk $0xffff, v36  }
0x370: {  	v0 =	vld [tilespmem:$0x650]  }
0x371: {  	v37 =	vld [tilespmem:$0xED0];
	_ =	sdelay $0x4  }
0x372: {  	v38 =	vand.u32 $0xFFFFFF80, v37;
	v0 =	vshll.u32 v0, $0x7  }
0x373: {  	v1 =	vand.u32 $0x7F, v37;
	v0 =	vadd.s32 v0, v38  }
0x374: {  	v39 =	vld [tilespmem:$0x1750];
	v0 =	vor.u32 v1, v0;
	_ =	sdelay $0x4  }
0x375: {  	[tilespmem:v0+s30+$0x0] =	vst.idx.msk $0xffff, v39  }
0x376: {  	v0 =	vld [tilespmem:$0x660]  }
0x377: {  	v40 =	vld [tilespmem:$0xEE0];
	_ =	sdelay $0x4  }
0x378: {  	v41 =	vand.u32 $0xFFFFFF80, v40;
	v0 =	vshll.u32 v0, $0x7  }
0x379: {  	v1 =	vand.u32 $0x7F, v40;
	v0 =	vadd.s32 v0, v41  }
0x37a: {  	v42 =	vld [tilespmem:$0x1760];
	v0 =	vor.u32 v1, v0;
	_ =	sdelay $0x4  }
0x37b: {  	[tilespmem:v0+s30+$0x0] =	vst.idx.msk $0xffff, v42  }
0x37c: {  	v0 =	vld [tilespmem:$0x670]  }
0x37d: {  	v43 =	vld [tilespmem:$0xEF0];
	_ =	sdelay $0x4  }
0x37e: {  	v44 =	vand.u32 $0xFFFFFF80, v43;
	v0 =	vshll.u32 v0, $0x7  }
0x37f: {  	v1 =	vand.u32 $0x7F, v43;
	v0 =	vadd.s32 v0, v44  }
0x380: {  	v45 =	vld [tilespmem:$0x1770];
	v0 =	vor.u32 v1, v0;
	_ =	sdelay $0x4  }
0x381: {  	[tilespmem:v0+s30+$0x0] =	vst.idx.msk $0xffff, v45  }
0x382: {  	v0 =	vld [tilespmem:$0x680]  }
0x383: {  	v46 =	vld [tilespmem:$0xF00];
	_ =	sdelay $0x4  }
0x384: {  	v47 =	vand.u32 $0xFFFFFF80, v46;
	v0 =	vshll.u32 v0, $0x7  }
0x385: {  	v1 =	vand.u32 $0x7F, v46;
	v0 =	vadd.s32 v0, v47  }
0x386: {  	v48 =	vld [tilespmem:$0x1780];
	v0 =	vor.u32 v1, v0;
	_ =	sdelay $0x4  }
0x387: {  	[tilespmem:v0+s30+$0x0] =	vst.idx.msk $0xffff, v48  }
0x388: {  	v0 =	vld [tilespmem:$0x690]  }
0x389: {  	v49 =	vld [tilespmem:$0xF10];
	_ =	sdelay $0x4  }
0x38a: {  	v50 =	vand.u32 $0xFFFFFF80, v49;
	v0 =	vshll.u32 v0, $0x7  }
0x38b: {  	v1 =	vand.u32 $0x7F, v49;
	v0 =	vadd.s32 v0, v50  }
0x38c: {  	v51 =	vld [tilespmem:$0x1790];
	v0 =	vor.u32 v1, v0;
	_ =	sdelay $0x4  }
0x38d: {  	[tilespmem:v0+s30+$0x0] =	vst.idx.msk $0xffff, v51  }
0x38e: {  	v0 =	vld [tilespmem:$0x6A0]  }
0x38f: {  	v52 =	vld [tilespmem:$0xF20];
	_ =	sdelay $0x4  }
0x390: {  	v53 =	vand.u32 $0xFFFFFF80, v52;
	v0 =	vshll.u32 v0, $0x7  }
0x391: {  	v1 =	vand.u32 $0x7F, v52;
	v0 =	vadd.s32 v0, v53  }
0x392: {  	v54 =	vld [tilespmem:$0x17A0];
	v0 =	vor.u32 v1, v0;
	_ =	sdelay $0x4  }
0x393: {  	[tilespmem:v0+s30+$0x0] =	vst.idx.msk $0xffff, v54  }
0x394: {  	v0 =	vld [tilespmem:$0x6B0]  }
0x395: {  	v55 =	vld [tilespmem:$0xF30];
	_ =	sdelay $0x4  }
0x396: {  	v56 =	vand.u32 $0xFFFFFF80, v55;
	v0 =	vshll.u32 v0, $0x7  }
0x397: {  	v1 =	vand.u32 $0x7F, v55;
	v0 =	vadd.s32 v0, v56  }
0x398: {  	v57 =	vld [tilespmem:$0x17B0];
	v0 =	vor.u32 v1, v0;
	_ =	sdelay $0x4  }
0x399: {  	[tilespmem:v0+s30+$0x0] =	vst.idx.msk $0xffff, v57  }
0x39a: {  	v0 =	vld [tilespmem:$0x6C0]  }
0x39b: {  	v58 =	vld [tilespmem:$0xF40];
	_ =	sdelay $0x4  }
0x39c: {  	v59 =	vand.u32 $0xFFFFFF80, v58;
	v0 =	vshll.u32 v0, $0x7  }
0x39d: {  	v1 =	vand.u32 $0x7F, v58;
	v0 =	vadd.s32 v0, v59  }
0x39e: {  	v60 =	vld [tilespmem:$0x17C0];
	v0 =	vor.u32 v1, v0;
	_ =	sdelay $0x4  }
0x39f: {  	[tilespmem:v0+s30+$0x0] =	vst.idx.msk $0xffff, v60  }
0x3a0: {  	v0 =	vld [tilespmem:$0x6D0]  }
0x3a1: {  	v61 =	vld [tilespmem:$0xF50];
	_ =	sdelay $0x4  }
0x3a2: {  	v62 =	vand.u32 $0xFFFFFF80, v61;
	v0 =	vshll.u32 v0, $0x7  }
0x3a3: {  	v1 =	vand.u32 $0x7F, v61;
	v0 =	vadd.s32 v0, v62  }
0x3a4: {  	v63 =	vld [tilespmem:$0x17D0];
	v0 =	vor.u32 v1, v0;
	_ =	sdelay $0x4  }
0x3a5: {  	[tilespmem:v0+s30+$0x0] =	vst.idx.msk $0xffff, v63  }
0x3a6: {  	v0 =	vld [tilespmem:$0x6E0]  }
0x3a7: {  	v4 =	vld [tilespmem:$0xF60];
	_ =	sdelay $0x4  }
0x3a8: {  	v5 =	vand.u32 $0xFFFFFF80, v4;
	v0 =	vshll.u32 v0, $0x7  }
0x3a9: {  	v1 =	vand.u32 $0x7F, v4;
	v0 =	vadd.s32 v0, v5  }
0x3aa: {  	v6 =	vld [tilespmem:$0x17E0];
	v0 =	vor.u32 v1, v0;
	_ =	sdelay $0x4  }
0x3ab: {  	[tilespmem:v0+s30+$0x0] =	vst.idx.msk $0xffff, v6  }
0x3ac: {  	v0 =	vld [tilespmem:$0x6F0]  }
0x3ad: {  	v7 =	vld [tilespmem:$0xF70];
	_ =	sdelay $0x4  }
0x3ae: {  	v8 =	vand.u32 $0xFFFFFF80, v7;
	v0 =	vshll.u32 v0, $0x7  }
0x3af: {  	v1 =	vand.u32 $0x7F, v7;
	v0 =	vadd.s32 v0, v8  }
0x3b0: {  	v9 =	vld [tilespmem:$0x17F0];
	v0 =	vor.u32 v1, v0;
	_ =	sdelay $0x4  }
0x3b1: {  	[tilespmem:v0+s30+$0x0] =	vst.idx.msk $0xffff, v9  }
0x3b2: {  	v0 =	vld [tilespmem:$0x700]  }
0x3b3: {  	v10 =	vld [tilespmem:$0xF80];
	_ =	sdelay $0x4  }
0x3b4: {  	v11 =	vand.u32 $0xFFFFFF80, v10;
	v0 =	vshll.u32 v0, $0x7  }
0x3b5: {  	v1 =	vand.u32 $0x7F, v10;
	v0 =	vadd.s32 v0, v11  }
0x3b6: {  	v12 =	vld [tilespmem:$0x1800];
	v0 =	vor.u32 v1, v0;
	_ =	sdelay $0x4  }
0x3b7: {  	[tilespmem:v0+s30+$0x0] =	vst.idx.msk $0xffff, v12  }
0x3b8: {  	v0 =	vld [tilespmem:$0x710]  }
0x3b9: {  	v13 =	vld [tilespmem:$0xF90];
	_ =	sdelay $0x4  }
0x3ba: {  	v14 =	vand.u32 $0xFFFFFF80, v13;
	v0 =	vshll.u32 v0, $0x7  }
0x3bb: {  	v1 =	vand.u32 $0x7F, v13;
	v0 =	vadd.s32 v0, v14  }
0x3bc: {  	v15 =	vld [tilespmem:$0x1810];
	v0 =	vor.u32 v1, v0;
	_ =	sdelay $0x4  }
0x3bd: {  	[tilespmem:v0+s30+$0x0] =	vst.idx.msk $0xffff, v15  }
0x3be: {  	v0 =	vld [tilespmem:$0x720]  }
0x3bf: {  	v16 =	vld [tilespmem:$0xFA0];
	_ =	sdelay $0x4  }
0x3c0: {  	v17 =	vand.u32 $0xFFFFFF80, v16;
	v0 =	vshll.u32 v0, $0x7  }
0x3c1: {  	v1 =	vand.u32 $0x7F, v16;
	v0 =	vadd.s32 v0, v17  }
0x3c2: {  	v18 =	vld [tilespmem:$0x1820];
	v0 =	vor.u32 v1, v0;
	_ =	sdelay $0x4  }
0x3c3: {  	[tilespmem:v0+s30+$0x0] =	vst.idx.msk $0xffff, v18  }
0x3c4: {  	v0 =	vld [tilespmem:$0x730]  }
0x3c5: {  	v19 =	vld [tilespmem:$0xFB0];
	_ =	sdelay $0x4  }
0x3c6: {  	v20 =	vand.u32 $0xFFFFFF80, v19;
	v0 =	vshll.u32 v0, $0x7  }
0x3c7: {  	v1 =	vand.u32 $0x7F, v19;
	v0 =	vadd.s32 v0, v20  }
0x3c8: {  	v21 =	vld [tilespmem:$0x1830];
	v0 =	vor.u32 v1, v0;
	_ =	sdelay $0x4  }
0x3c9: {  	[tilespmem:v0+s30+$0x0] =	vst.idx.msk $0xffff, v21  }
0x3ca: {  	v0 =	vld [tilespmem:$0x740]  }
0x3cb: {  	v22 =	vld [tilespmem:$0xFC0];
	_ =	sdelay $0x4  }
0x3cc: {  	v23 =	vand.u32 $0xFFFFFF80, v22;
	v0 =	vshll.u32 v0, $0x7  }
0x3cd: {  	v1 =	vand.u32 $0x7F, v22;
	v0 =	vadd.s32 v0, v23  }
0x3ce: {  	v24 =	vld [tilespmem:$0x1840];
	v0 =	vor.u32 v1, v0;
	_ =	sdelay $0x4  }
0x3cf: {  	[tilespmem:v0+s30+$0x0] =	vst.idx.msk $0xffff, v24  }
0x3d0: {  	v0 =	vld [tilespmem:$0x750]  }
0x3d1: {  	v25 =	vld [tilespmem:$0xFD0];
	_ =	sdelay $0x4  }
0x3d2: {  	v26 =	vand.u32 $0xFFFFFF80, v25;
	v0 =	vshll.u32 v0, $0x7  }
0x3d3: {  	v1 =	vand.u32 $0x7F, v25;
	v0 =	vadd.s32 v0, v26  }
0x3d4: {  	v27 =	vld [tilespmem:$0x1850];
	v0 =	vor.u32 v1, v0;
	_ =	sdelay $0x4  }
0x3d5: {  	[tilespmem:v0+s30+$0x0] =	vst.idx.msk $0xffff, v27  }
0x3d6: {  	v0 =	vld [tilespmem:$0x760]  }
0x3d7: {  	v28 =	vld [tilespmem:$0xFE0];
	_ =	sdelay $0x4  }
0x3d8: {  	v29 =	vand.u32 $0xFFFFFF80, v28;
	v0 =	vshll.u32 v0, $0x7  }
0x3d9: {  	v1 =	vand.u32 $0x7F, v28;
	v0 =	vadd.s32 v0, v29  }
0x3da: {  	v30 =	vld [tilespmem:$0x1860];
	v0 =	vor.u32 v1, v0;
	_ =	sdelay $0x4  }
0x3db: {  	[tilespmem:v0+s30+$0x0] =	vst.idx.msk $0xffff, v30  }
0x3dc: {  	v0 =	vld [tilespmem:$0x770]  }
0x3dd: {  	v31 =	vld [tilespmem:$0xFF0];
	_ =	sdelay $0x4  }
0x3de: {  	v32 =	vand.u32 $0xFFFFFF80, v31;
	v0 =	vshll.u32 v0, $0x7  }
0x3df: {  	v1 =	vand.u32 $0x7F, v31;
	v0 =	vadd.s32 v0, v32  }
0x3e0: {  	v33 =	vld [tilespmem:$0x1870];
	v0 =	vor.u32 v1, v0;
	_ =	sdelay $0x4  }
0x3e1: {  	[tilespmem:v0+s30+$0x0] =	vst.idx.msk $0xffff, v33  }
0x3e2: {  	v0 =	vld [tilespmem:$0x780]  }
0x3e3: {  	v34 =	vld [tilespmem:$0x1000];
	_ =	sdelay $0x4  }
0x3e4: {  	v35 =	vand.u32 $0xFFFFFF80, v34;
	v0 =	vshll.u32 v0, $0x7  }
0x3e5: {  	v1 =	vand.u32 $0x7F, v34;
	v0 =	vadd.s32 v0, v35  }
0x3e6: {  	v36 =	vld [tilespmem:$0x1880];
	v0 =	vor.u32 v1, v0;
	_ =	sdelay $0x4  }
0x3e7: {  	[tilespmem:v0+s30+$0x0] =	vst.idx.msk $0xffff, v36  }
0x3e8: {  	v0 =	vld [tilespmem:$0x790]  }
0x3e9: {  	v37 =	vld [tilespmem:$0x1010];
	_ =	sdelay $0x4  }
0x3ea: {  	v38 =	vand.u32 $0xFFFFFF80, v37;
	v0 =	vshll.u32 v0, $0x7  }
0x3eb: {  	v1 =	vand.u32 $0x7F, v37;
	v0 =	vadd.s32 v0, v38  }
0x3ec: {  	v39 =	vld [tilespmem:$0x1890];
	v0 =	vor.u32 v1, v0;
	_ =	sdelay $0x4  }
0x3ed: {  	[tilespmem:v0+s30+$0x0] =	vst.idx.msk $0xffff, v39  }
0x3ee: {  	v0 =	vld [tilespmem:$0x7A0]  }
0x3ef: {  	v40 =	vld [tilespmem:$0x1020];
	_ =	sdelay $0x4  }
0x3f0: {  	v41 =	vand.u32 $0xFFFFFF80, v40;
	v0 =	vshll.u32 v0, $0x7  }
0x3f1: {  	v1 =	vand.u32 $0x7F, v40;
	v0 =	vadd.s32 v0, v41  }
0x3f2: {  	v42 =	vld [tilespmem:$0x18A0];
	v0 =	vor.u32 v1, v0;
	_ =	sdelay $0x4  }
0x3f3: {  	[tilespmem:v0+s30+$0x0] =	vst.idx.msk $0xffff, v42  }
0x3f4: {  	v0 =	vld [tilespmem:$0x7B0]  }
0x3f5: {  	v43 =	vld [tilespmem:$0x1030];
	_ =	sdelay $0x4  }
0x3f6: {  	v44 =	vand.u32 $0xFFFFFF80, v43;
	v0 =	vshll.u32 v0, $0x7  }
0x3f7: {  	v1 =	vand.u32 $0x7F, v43;
	v0 =	vadd.s32 v0, v44  }
0x3f8: {  	v45 =	vld [tilespmem:$0x18B0];
	v0 =	vor.u32 v1, v0;
	_ =	sdelay $0x4  }
0x3f9: {  	[tilespmem:v0+s30+$0x0] =	vst.idx.msk $0xffff, v45  }
0x3fa: {  	v0 =	vld [tilespmem:$0x7C0]  }
0x3fb: {  	v46 =	vld [tilespmem:$0x1040];
	_ =	sdelay $0x4  }
0x3fc: {  	v47 =	vand.u32 $0xFFFFFF80, v46;
	v0 =	vshll.u32 v0, $0x7  }
0x3fd: {  	v1 =	vand.u32 $0x7F, v46;
	v0 =	vadd.s32 v0, v47  }
0x3fe: {  	v48 =	vld [tilespmem:$0x18C0];
	v0 =	vor.u32 v1, v0;
	_ =	sdelay $0x4  }
0x3ff: {  	[tilespmem:v0+s30+$0x0] =	vst.idx.msk $0xffff, v48  }
0x400: {  	v0 =	vld [tilespmem:$0x7D0]  }
0x401: {  	v49 =	vld [tilespmem:$0x1050];
	_ =	sdelay $0x4  }
0x402: {  	v50 =	vand.u32 $0xFFFFFF80, v49;
	v0 =	vshll.u32 v0, $0x7  }
0x403: {  	v1 =	vand.u32 $0x7F, v49;
	v0 =	vadd.s32 v0, v50  }
0x404: {  	v51 =	vld [tilespmem:$0x18D0];
	v0 =	vor.u32 v1, v0;
	_ =	sdelay $0x4  }
0x405: {  	[tilespmem:v0+s30+$0x0] =	vst.idx.msk $0xffff, v51  }
0x406: {  	v0 =	vld [tilespmem:$0x7E0]  }
0x407: {  	v52 =	vld [tilespmem:$0x1060];
	_ =	sdelay $0x4  }
0x408: {  	v53 =	vand.u32 $0xFFFFFF80, v52;
	v0 =	vshll.u32 v0, $0x7  }
0x409: {  	v1 =	vand.u32 $0x7F, v52;
	v0 =	vadd.s32 v0, v53  }
0x40a: {  	v54 =	vld [tilespmem:$0x18E0];
	v0 =	vor.u32 v1, v0;
	_ =	sdelay $0x4  }
0x40b: {  	[tilespmem:v0+s30+$0x0] =	vst.idx.msk $0xffff, v54  }
0x40c: {  	v0 =	vld [tilespmem:$0x7F0]  }
0x40d: {  	v55 =	vld [tilespmem:$0x1070];
	_ =	sdelay $0x4  }
0x40e: {  	v56 =	vand.u32 $0xFFFFFF80, v55;
	v0 =	vshll.u32 v0, $0x7  }
0x40f: {  	v1 =	vand.u32 $0x7F, v55;
	v0 =	vadd.s32 v0, v56  }
0x410: {  	v57 =	vld [tilespmem:$0x18F0];
	v0 =	vor.u32 v1, v0;
	_ =	sdelay $0x4  }
0x411: {  	[tilespmem:v0+s30+$0x0] =	vst.idx.msk $0xffff, v57  }
0x412: {  	v0 =	vld [tilespmem:$0x800]  }
0x413: {  	v58 =	vld [tilespmem:$0x1080];
	_ =	sdelay $0x4  }
0x414: {  	v59 =	vand.u32 $0xFFFFFF80, v58;
	v0 =	vshll.u32 v0, $0x7  }
0x415: {  	v1 =	vand.u32 $0x7F, v58;
	v0 =	vadd.s32 v0, v59  }
0x416: {  	v60 =	vld [tilespmem:$0x1900];
	v0 =	vor.u32 v1, v0;
	_ =	sdelay $0x4  }
0x417: {  	[tilespmem:v0+s30+$0x0] =	vst.idx.msk $0xffff, v60  }
0x418: {  	v0 =	vld [tilespmem:$0x810]  }
0x419: {  	v61 =	vld [tilespmem:$0x1090];
	_ =	sdelay $0x4  }
0x41a: {  	v62 =	vand.u32 $0xFFFFFF80, v61;
	v0 =	vshll.u32 v0, $0x7  }
0x41b: {  	v1 =	vand.u32 $0x7F, v61;
	v0 =	vadd.s32 v0, v62  }
0x41c: {  	v63 =	vld [tilespmem:$0x1910];
	v0 =	vor.u32 v1, v0;
	_ =	sdelay $0x4  }
0x41d: {  	s31 =	sadd.s32 $0x200, s1;
	[tilespmem:v0+s30+$0x0] =	vst.idx.msk $0xffff, v63  }
0x41e: {  	[hbm4b:s31+s2] =	stream.linear.scatter [tilespmem:s30], [sflag:$0x1], $0x2080, $0x38;
	[tilespmem:$0x3D80] =	vst v63  }
0x41f: {  	_ =	swait.ge [sflag:s26], $0x2080  }
0x420: {  	[sflag:s26] =	ssyncset.done $0x0  }
0x421: {  	[sflag:s26] =	ssyncadd.s32 $0xFFFFDF80  }
0x422: {  	_ =	sfence.sel $0x180000  }
0x423: {  	[bflag:$0x0] =	sbarrier.arrive $0xFFFF  }
0x424: {  	_ =	strace $0x90000047  }
0x425: {  	s0 =	sadd.s32 $0x100000, s0;
	[bflag:$0x2] =	sbarrier.arrive $0xFFFF  }
0x426: {  	[sflag:s0] =	ssyncadd.tile.s32 $0x1;
	_ =	shalt  }
.Lfunc_end2:
_tile_overlayer_lowered:
.L_overlay_start_2:
0x427: {  	(tag) =	ssettag $0x2  }
0x428: {  	s0 =	rddreg [dreg:$0x0];
	s2 =	stileid.u32  }
0x429: {  	s1 =	rddreg [dreg:$0x1];
	p0 =	sne.s32 s2, $0x0  }
0x42a: {  	s3 =	rddreg [dreg:$0x2];
	[bflag:$0x3] =	sbarrier.arrive $0xFFFF;
	s2 =	simm.s32 @!p0 $0x1C04  }
0x42b: {  	[timem:s3], [sflag:s2] =	dma.local @!p0 [hbm:s0], s1  }
0x42c: {  	s0 =	simm.s32 @!p0 $0x4  }
0x42d: {  	_ =	swait.ge @!p0 [sflag:s0], s1  }
0x42e: {  	s1 =	ssub.s32 @!p0 $0x0, s1;
	[sflag:s0] =	ssyncset.done @!p0 $0x0  }
0x42f: {  	[sflag:s0] =	ssyncadd.s32 @!p0 s1  }
0x430: {  	[bflag:$0x3] =	sbarrier.arrive $0xFFFF  }
0x431: {  	_ =	shalt  }

</sc_bundles>
